<compile_context>
chip_gen: v7x
topology: tpu7x:2x2x1
jax: 0.10.2.dev20260603
libtpu: 0.0.44.dev20260713+nightly
codegen_flags: <defaults>
</compile_context>

<pallas_src>
import functools

import jax
import jax.numpy as jnp
from jax import lax
from jax.experimental import pallas as pl
from jax.experimental.pallas import tpu as pltpu
from jax.experimental.pallas import tpu_sc as plsc

N = 10000
DEG = 16
E = N * DEG
DIN = 128
H = 128
OUT = 32
EF = 32

_NC = 2
_NS = 16
_NW = _NC * _NS
_ROWS_PER_W = E // _NW
_CH = 1000
_NCHUNK = _ROWS_PER_W // _CH


def _make_sc_gather(d):
    mesh = plsc.VectorSubcoreMesh(core_axis_name="c", subcore_axis_name="s")

    @functools.partial(
        pl.kernel,
        mesh=mesh,
        out_type=jax.ShapeDtypeStruct((E, d), jnp.float32),
        compiler_params=pltpu.CompilerParams(use_tc_tiling_on_sc=False),
        scratch_types=[
            pltpu.VMEM((_CH,), jnp.int32),
            pltpu.VMEM((_CH, d), jnp.float32),
            pltpu.SemaphoreType.DMA,
        ],
    )
    def gather(table_hbm, idx_hbm, out_hbm, idx_v, rows_v, sem):
        wid = lax.axis_index("s") * _NC + lax.axis_index("c")
        for k in range(_NCHUNK):
            base = wid * _ROWS_PER_W + k * _CH
            pltpu.sync_copy(idx_hbm.at[pl.ds(base, _CH)], idx_v)
            pltpu.async_copy(table_hbm.at[idx_v], rows_v, sem).wait()
            pltpu.sync_copy(rows_v, out_hbm.at[pl.ds(base, _CH)])

    return gather


_NB_A = 200
_NB_B = 80
_EB_B = _NB_B * DEG


def _lstm_body(m_ref, n_ref, wih_ref, whh_ref, bias_ref, wself_ref,
               wneigh_ref, bsage_ref, out_ref):
    wih = wih_ref[...]
    whh = whh_ref[...]
    bias = bias_ref[...]
    h = jnp.zeros((_NB_A, H), jnp.float32)
    c = jnp.zeros((_NB_A, H), jnp.float32)
    for t in range(DEG):
        x_t = m_ref[:, t, :]
        gates = jnp.dot(x_t, wih, preferred_element_type=jnp.float32)
        gates = gates + jnp.dot(h, whh, preferred_element_type=jnp.float32)
        gates = gates + bias
        i_g = jax.nn.sigmoid(gates[:, 0 * H:1 * H])
        f_g = jax.nn.sigmoid(gates[:, 1 * H:2 * H])
        g_g = jnp.tanh(gates[:, 2 * H:3 * H])
        o_g = jax.nn.sigmoid(gates[:, 3 * H:4 * H])
        c = f_g * c + i_g * g_g
        h = o_g * jnp.tanh(c)
    h1 = jnp.dot(n_ref[...], wself_ref[...], preferred_element_type=jnp.float32)
    h1 = h1 + jnp.dot(h, wneigh_ref[...], preferred_element_type=jnp.float32)
    h1 = jax.nn.relu(h1 + bsage_ref[...])
    out_ref[...] = h1


def _bf16_3(x):
    a = x.astype(jnp.bfloat16).astype(jnp.float32)
    r = x - a
    b = r.astype(jnp.bfloat16).astype(jnp.float32)
    return a, b, r - b


def _exact_dot01(x, m01):
    acc = None
    for piece in _bf16_3(x):
        d = jnp.dot(piece, m01, preferred_element_type=jnp.float32)
        acc = d if acc is None else acc + d
    return acc


def _nnconv_body(hs_ref, e_ref, wt_ref, bedge_ref, rrep_ref, msel_ref,
                 bnn_ref, w1_ref, b1_ref, w2_ref, b2_ref, w3_ref, b3_ref,
                 out_ref, max_ref):
    j = pl.program_id(0)
    nblocks = pl.num_programs(0)
    e_blk = e_ref[...]
    hs_blk = hs_ref[...]
    msg = jnp.zeros((_EB_B, OUT), jnp.float32)
    for cblk in range(EF * OUT // 128):
        p_c = jnp.dot(e_blk, wt_ref[:, cblk * 128:(cblk + 1) * 128],
                      precision=jax.lax.Precision.HIGHEST,
                      preferred_element_type=jnp.float32)
        p_c = p_c + bedge_ref[:, cblk * 128:(cblk + 1) * 128]
        h_c = _exact_dot01(hs_blk, rrep_ref[:, cblk * 128:(cblk + 1) * 128])
        msg = msg + _exact_dot01(h_c * p_c,
                                 msel_ref[cblk * 128:(cblk + 1) * 128, :])
    agg = jnp.sum(msg.reshape(_NB_B, DEG, OUT), axis=1) + bnn_ref[...]
    blk_max = jnp.max(agg, axis=0, keepdims=True)

    @pl.when(j == 0)
    def _():
        max_ref[...] = blk_max

    @pl.when(j > 0)
    def _():
        max_ref[...] = jnp.maximum(max_ref[...], blk_max)

    @pl.when(j == nblocks - 1)
    def _():
        hg = max_ref[...]
        hg = jnp.where(hg > 0, hg, jnp.exp(hg) - 1.0)
        o1 = jax.nn.relu(jnp.dot(hg, w1_ref[...],
                                 preferred_element_type=jnp.float32) + b1_ref[...])
        o2 = jax.nn.relu(jnp.dot(o1, w2_ref[...],
                                 preferred_element_type=jnp.float32) + b2_ref[...])
        out_ref[...] = jnp.dot(o2, w3_ref[...],
                               preferred_element_type=jnp.float32) + b3_ref[...]


def kernel(n, e, edge_index, W_ih, W_hh, b_ih, b_hh, W_self, W_neigh, b_sage,
           W_edge, b_edge, b_nn, W1, b1, W2, b2, W3, b3):
    src32 = edge_index[0].astype(jnp.int32)

    m = _make_sc_gather(DIN)(n, src32)
    m3 = m.reshape(N, DEG, DIN)

    wih_t = W_ih.T
    whh_t = W_hh.T
    bias = (b_ih + b_hh).reshape(1, 4 * H)
    h1 = pl.pallas_call(
        _lstm_body,
        grid=(N // _NB_A,),
        in_specs=[
            pl.BlockSpec((_NB_A, DEG, DIN), lambda j: (j, 0, 0)),
            pl.BlockSpec((_NB_A, DIN), lambda j: (j, 0)),
            pl.BlockSpec((DIN, 4 * H), lambda j: (0, 0)),
            pl.BlockSpec((H, 4 * H), lambda j: (0, 0)),
            pl.BlockSpec((1, 4 * H), lambda j: (0, 0)),
            pl.BlockSpec((DIN, OUT), lambda j: (0, 0)),
            pl.BlockSpec((H, OUT), lambda j: (0, 0)),
            pl.BlockSpec((1, OUT), lambda j: (0, 0)),
        ],
        out_specs=pl.BlockSpec((_NB_A, OUT), lambda j: (j, 0)),
        out_shape=jax.ShapeDtypeStruct((N, OUT), jnp.float32),
    )(m3, n, wih_t, whh_t, bias, W_self.T, W_neigh.T, b_sage.reshape(1, OUT))

    hs = _make_sc_gather(OUT)(h1, src32)

    lane = jnp.arange(EF * OUT, dtype=jnp.int32)
    rrep = (lane[None, :] // OUT == jnp.arange(EF, dtype=jnp.int32)[:, None]
            ).astype(jnp.float32)
    msel = (lane[:, None] % OUT == jnp.arange(OUT, dtype=jnp.int32)[None, :]
            ).astype(jnp.float32)
    out = pl.pallas_call(
        _nnconv_body,
        grid=(N // _NB_B,),
        in_specs=[
            pl.BlockSpec((_EB_B, OUT), lambda j: (j, 0)),
            pl.BlockSpec((_EB_B, EF), lambda j: (j, 0)),
            pl.BlockSpec((EF, EF * OUT), lambda j: (0, 0)),
            pl.BlockSpec((1, EF * OUT), lambda j: (0, 0)),
            pl.BlockSpec((EF, EF * OUT), lambda j: (0, 0)),
            pl.BlockSpec((EF * OUT, OUT), lambda j: (0, 0)),
            pl.BlockSpec((1, OUT), lambda j: (0, 0)),
            pl.BlockSpec((OUT, OUT), lambda j: (0, 0)),
            pl.BlockSpec((1, OUT), lambda j: (0, 0)),
            pl.BlockSpec((OUT, OUT), lambda j: (0, 0)),
            pl.BlockSpec((1, OUT), lambda j: (0, 0)),
            pl.BlockSpec((OUT, 1), lambda j: (0, 0)),
            pl.BlockSpec((1, 1), lambda j: (0, 0)),
        ],
        out_specs=pl.BlockSpec((1, 1), lambda j: (0, 0)),
        out_shape=jax.ShapeDtypeStruct((1, 1), jnp.float32),
        scratch_shapes=[pltpu.VMEM((1, OUT), jnp.float32)],
    )(hs, e, W_edge.T, b_edge.reshape(1, EF * OUT), rrep, msel,
      b_nn.reshape(1, OUT), W1.T, b1.reshape(1, OUT), W2.T,
      b2.reshape(1, OUT), W3.T, b3.reshape(1, 1))
    return out

# --- scband reference (transcript-rebuilt; emitter-appended) ---
"""Pipeline reference for scband-gat-22531398435166 (READ-ONLY COPY).

The authoritative reference and input builder live on the scoring server;
editing this copy changes nothing except your own understanding.
"""

import jax, jax.numpy as jnp
import numpy as np

N = 10000
DEG = 16
E = N * DEG
DIN = 128
H = 128   # DGL SAGEConv lstm aggregator uses LSTM(in_feats, in_feats)
OUT = 32
EF = 32


def setup_inputs(seed: int = 0) -> dict:
    key = jax.random.key(seed)
    ks = jax.random.split(key, 24)
    n = jax.random.normal(ks[0], (N, DIN), jnp.float32)
    e = jax.random.normal(ks[1], (E, EF), jnp.float32)
    # fixed in-degree graph: dst grouped contiguously so neighbor lists reshape to [N, DEG, DIN]
    src = jax.random.randint(ks[2], (E,), 0, N)
    dst = jnp.repeat(jnp.arange(N), DEG)
    edge_index = jnp.stack([src, dst]).astype(jnp.int64)
    s = 0.08
    # SAGEConv lstm aggregator params (PyTorch LSTM layout, gate order i,f,g,o)
    W_ih = jax.random.normal(ks[3], (4 * H, DIN), jnp.float32) * s
    W_hh = jax.random.normal(ks[4], (4 * H, H), jnp.float32) * s
    b_ih = jax.random.normal(ks[5], (4 * H,), jnp.float32) * s
    b_hh = jax.random.normal(ks[6], (4 * H,), jnp.float32) * s
    W_self = jax.random.normal(ks[7], (OUT, DIN), jnp.float32) * s
    W_neigh = jax.random.normal(ks[8], (OUT, H), jnp.float32) * s
    b_sage = jax.random.normal(ks[9], (OUT,), jnp.float32) * s
    # NNConv: edge_func = Linear(EF, EF*OUT) = Linear(32, 1024)
    W_edge = jax.random.normal(ks[10], (EF * OUT, EF), jnp.float32) * s
    b_edge = jax.random.normal(ks[11], (EF * OUT,), jnp.float32) * s
    b_nn = jax.random.normal(ks[12], (OUT,), jnp.float32) * s
    # final MLP 32->32->32->1
    W1 = jax.random.normal(ks[13], (32, 32), jnp.float32) * s
    b1 = jax.random.normal(ks[14], (32,), jnp.float32) * s
    W2 = jax.random.normal(ks[15], (32, 32), jnp.float32) * s
    b2 = jax.random.normal(ks[16], (32,), jnp.float32) * s
    W3 = jax.random.normal(ks[17], (1, 32), jnp.float32) * s
    b3 = jax.random.normal(ks[18], (1,), jnp.float32) * s
    return {"n": n, "e": e, "edge_index": edge_index,
            "W_ih": W_ih, "W_hh": W_hh, "b_ih": b_ih, "b_hh": b_hh,
            "W_self": W_self, "W_neigh": W_neigh, "b_sage": b_sage,
            "W_edge": W_edge, "b_edge": b_edge, "b_nn": b_nn,
            "W1": W1, "b1": b1, "W2": W2, "b2": b2, "W3": W3, "b3": b3}


def reference(n, e, edge_index, W_ih, W_hh, b_ih, b_hh, W_self, W_neigh, b_sage,
              W_edge, b_edge, b_nn, W1, b1, W2, b2, W3, b3):
    src = edge_index[0]
    dst = edge_index[1]
    # ---- SAGEConv(aggregator='lstm') ----
    # gather neighbor (src) features; dst is contiguous so reshape groups per node
    m = jnp.take(n, src, axis=0).reshape(N, DEG, DIN)

    def step(carry, x_t):
        h, c = carry
        gates = x_t @ W_ih.T + h @ W_hh.T + b_ih + b_hh
        i, f, g, o = jnp.split(gates, 4, axis=-1)
        i = jax.nn.sigmoid(i)
        f = jax.nn.sigmoid(f)
        g = jnp.tanh(g)
        o = jax.nn.sigmoid(o)
        c = f * c + i * g
        h = o * jnp.tanh(c)
        return (h, c), None

    h0 = jnp.zeros((N, H), n.dtype)
    c0 = jnp.zeros((N, H), n.dtype)
    (h_fin, _), _ = jax.lax.scan(step, (h0, c0), jnp.swapaxes(m, 0, 1))
    h1 = n @ W_self.T + h_fin @ W_neigh.T + b_sage
    h1 = jax.nn.relu(h1)
    # ---- NNConv(aggregator='sum') ----
    We = (e @ W_edge.T + b_edge).reshape(E, EF, OUT)  # EF == in_feats of conv2 == 32
    msg = jnp.einsum('ei,eio->eo', jnp.take(h1, src, axis=0), We)
    agg = jnp.zeros((N, OUT), h1.dtype).at[dst].add(msg)
    h2 = agg + b_nn
    # ---- MaxPooling over nodes (single graph -> batch of 1) ----
    hg = jnp.max(h2, axis=0, keepdims=True)
    hg = jax.nn.elu(hg)
    out = jax.nn.relu(hg @ W1.T + b1)
    out = jax.nn.relu(out @ W2.T + b2)
    out = out @ W3.T + b3
    return out

if __name__ == "__main__":
    import jax
    _d = setup_inputs()
    print(jax.jit(kernel)(*tuple(_d.values())))

</pallas_src>

<mosaic_0001>
#map = affine_map<(d0, d1) -> (0, 0)>
#map1 = affine_map<(d0, d1) -> (0)>
module attributes {stable_mosaic.version = 14 : i64} {
  func.func @gather(%arg0: i32, %arg1: i32, %arg2: memref<10000x128xf32, #tpu.memory_space<hbm>>, %arg3: memref<160000xi32, #tpu.memory_space<hbm>>, %arg4: memref<160000x128xf32, #tpu.memory_space<hbm>>, %arg5: memref<1000xi32, #tpu.memory_space<vmem>>, %arg6: memref<1000x128xf32, #tpu.memory_space<vmem>>, %arg7: memref<!tpu.dma_semaphore, #tpu.memory_space<semaphore_mem>>) attributes {dimension_semantics = [#tpu.dimension_semantics<core_parallel>, #tpu.dimension_semantics<subcore_parallel>], iteration_bounds = array<i64: 2, 16>, scalar_prefetch = 0 : i64, scratch_operands = 3 : i64, tpu.core_type = #tpu.core_type<sc_vector_subcore>, window_params = [{transform_indices = #map}, {transform_indices = #map1}, {transform_indices = #map}]} {
    %mul3A = arith.constant 2 : i32
    %mul3A_0 = arith.muli %arg1, %mul3A : i32
    %add3A = arith.addi %mul3A_0, %arg0 : i32
    %mul3A_1 = arith.constant 5000 : i32
    %mul3A_2 = arith.muli %add3A, %mul3A_1 : i32
    %add3A_3 = arith.constant 0 : i32
    %add3A_4 = arith.addi %mul3A_2, %add3A_3 : i32
    "tpu.region"() ({
      %run_scoped3A = tpu.sem_alloc : memref<!tpu.dma_semaphore, #tpu.memory_space<semaphore_mem>>
      %dma_start3A_49 = tpu.memref_slice %arg3[%add3A_4] : memref<160000xi32, #tpu.memory_space<hbm>> -> memref<1000xi32, #tpu.memory_space<hbm>>
      %dma_start3A_50 = tpu.memref_slice %arg3[%add3A_4] : memref<160000xi32, #tpu.memory_space<hbm>> -> memref<1000xi32, #tpu.memory_space<hbm>>
      tpu.enqueue_dma source(%dma_start3A_50 : memref<1000xi32, #tpu.memory_space<hbm>>) target(%arg5 : memref<1000xi32, #tpu.memory_space<vmem>>) target_semaphore(%run_scoped3A : memref<!tpu.dma_semaphore, #tpu.memory_space<semaphore_mem>>)
      %dma_wait3A_51 = tpu.memref_slice %arg3[%add3A_4] : memref<160000xi32, #tpu.memory_space<hbm>> -> memref<1000xi32, #tpu.memory_space<hbm>>
      %dma_wait3A_52 = tpu.memref_slice %arg3[%add3A_4] : memref<160000xi32, #tpu.memory_space<hbm>> -> memref<1000xi32, #tpu.memory_space<hbm>>
      tpu.wait_dma2 semaphore(%run_scoped3A : memref<!tpu.dma_semaphore, #tpu.memory_space<semaphore_mem>>) src(%dma_wait3A_52 : memref<1000xi32, #tpu.memory_space<hbm>>) dst(%arg5 : memref<1000xi32, #tpu.memory_space<vmem>>)
      tpu.yield
    }) : () -> ()
    %dma_start3A = arith.constant 0 : i32
    %dma_start3A_5 = arith.constant 0 : i32
    %dma_start3A_6 = tpu.memref_slice %arg2[%dma_start3A, %dma_start3A_5] : memref<10000x128xf32, #tpu.memory_space<hbm>> -> memref<10000x128xf32, #tpu.memory_space<hbm>>
    tpu.enqueue_indirect_dma source(%dma_start3A_6 : memref<10000x128xf32, #tpu.memory_space<hbm>>) target(%arg6 : memref<1000x128xf32, #tpu.memory_space<vmem>>) offsets(%arg5 : memref<1000xi32, #tpu.memory_space<vmem>>) semaphore(%arg7 : memref<!tpu.dma_semaphore, #tpu.memory_space<semaphore_mem>>)
    %dma_wait3A = arith.constant 0 : i32
    %dma_wait3A_7 = arith.constant 0 : i32
    %dma_wait3A_8 = tpu.memref_slice %arg2[%dma_wait3A, %dma_wait3A_7] : memref<10000x128xf32, #tpu.memory_space<hbm>> -> memref<10000x128xf32, #tpu.memory_space<hbm>>
    tpu.wait_indirect_dma semaphore(%arg7 : memref<!tpu.dma_semaphore, #tpu.memory_space<semaphore_mem>>) src(%dma_wait3A_8 : memref<10000x128xf32, #tpu.memory_space<hbm>>) dst(%arg6 : memref<1000x128xf32, #tpu.memory_space<vmem>>)
    "tpu.region"() ({
      %run_scoped3A = tpu.sem_alloc : memref<!tpu.dma_semaphore, #tpu.memory_space<semaphore_mem>>
      %dma_start3A_49 = arith.constant 0 : i32
      %dma_start3A_50 = tpu.memref_slice %arg4[%add3A_4, %dma_start3A_49] : memref<160000x128xf32, #tpu.memory_space<hbm>> -> memref<1000x128xf32, #tpu.memory_space<hbm>>
      %dma_start3A_51 = arith.constant 0 : i32
      %dma_start3A_52 = tpu.memref_slice %arg4[%add3A_4, %dma_start3A_51] : memref<160000x128xf32, #tpu.memory_space<hbm>> -> memref<1000x128xf32, #tpu.memory_space<hbm>>
      tpu.enqueue_dma source(%arg6 : memref<1000x128xf32, #tpu.memory_space<vmem>>) target(%dma_start3A_52 : memref<1000x128xf32, #tpu.memory_space<hbm>>) target_semaphore(%run_scoped3A : memref<!tpu.dma_semaphore, #tpu.memory_space<semaphore_mem>>)
      %dma_wait3A_53 = arith.constant 0 : i32
      %dma_wait3A_54 = tpu.memref_slice %arg4[%add3A_4, %dma_wait3A_53] : memref<160000x128xf32, #tpu.memory_space<hbm>> -> memref<1000x128xf32, #tpu.memory_space<hbm>>
      %dma_wait3A_55 = arith.constant 0 : i32
      %dma_wait3A_56 = tpu.memref_slice %arg4[%add3A_4, %dma_wait3A_55] : memref<160000x128xf32, #tpu.memory_space<hbm>> -> memref<1000x128xf32, #tpu.memory_space<hbm>>
      tpu.wait_dma2 semaphore(%run_scoped3A : memref<!tpu.dma_semaphore, #tpu.memory_space<semaphore_mem>>) src(%arg6 : memref<1000x128xf32, #tpu.memory_space<vmem>>) dst(%dma_wait3A_56 : memref<1000x128xf32, #tpu.memory_space<hbm>>)
      tpu.yield
    }) : () -> ()
    %mul3A_9 = arith.constant 5000 : i32
    %mul3A_10 = arith.muli %add3A, %mul3A_9 : i32
    %add3A_11 = arith.constant 1000 : i32
    %add3A_12 = arith.addi %mul3A_10, %add3A_11 : i32
    "tpu.region"() ({
      %run_scoped3A = tpu.sem_alloc : memref<!tpu.dma_semaphore, #tpu.memory_space<semaphore_mem>>
      %dma_start3A_49 = tpu.memref_slice %arg3[%add3A_12] : memref<160000xi32, #tpu.memory_space<hbm>> -> memref<1000xi32, #tpu.memory_space<hbm>>
      %dma_start3A_50 = tpu.memref_slice %arg3[%add3A_12] : memref<160000xi32, #tpu.memory_space<hbm>> -> memref<1000xi32, #tpu.memory_space<hbm>>
      tpu.enqueue_dma source(%dma_start3A_50 : memref<1000xi32, #tpu.memory_space<hbm>>) target(%arg5 : memref<1000xi32, #tpu.memory_space<vmem>>) target_semaphore(%run_scoped3A : memref<!tpu.dma_semaphore, #tpu.memory_space<semaphore_mem>>)
      %dma_wait3A_51 = tpu.memref_slice %arg3[%add3A_12] : memref<160000xi32, #tpu.memory_space<hbm>> -> memref<1000xi32, #tpu.memory_space<hbm>>
      %dma_wait3A_52 = tpu.memref_slice %arg3[%add3A_12] : memref<160000xi32, #tpu.memory_space<hbm>> -> memref<1000xi32, #tpu.memory_space<hbm>>
      tpu.wait_dma2 semaphore(%run_scoped3A : memref<!tpu.dma_semaphore, #tpu.memory_space<semaphore_mem>>) src(%dma_wait3A_52 : memref<1000xi32, #tpu.memory_space<hbm>>) dst(%arg5 : memref<1000xi32, #tpu.memory_space<vmem>>)
      tpu.yield
    }) : () -> ()
    %dma_start3A_13 = arith.constant 0 : i32
    %dma_start3A_14 = arith.constant 0 : i32
    %dma_start3A_15 = tpu.memref_slice %arg2[%dma_start3A_13, %dma_start3A_14] : memref<10000x128xf32, #tpu.memory_space<hbm>> -> memref<10000x128xf32, #tpu.memory_space<hbm>>
    tpu.enqueue_indirect_dma source(%dma_start3A_15 : memref<10000x128xf32, #tpu.memory_space<hbm>>) target(%arg6 : memref<1000x128xf32, #tpu.memory_space<vmem>>) offsets(%arg5 : memref<1000xi32, #tpu.memory_space<vmem>>) semaphore(%arg7 : memref<!tpu.dma_semaphore, #tpu.memory_space<semaphore_mem>>)
    %dma_wait3A_16 = arith.constant 0 : i32
    %dma_wait3A_17 = arith.constant 0 : i32
    %dma_wait3A_18 = tpu.memref_slice %arg2[%dma_wait3A_16, %dma_wait3A_17] : memref<10000x128xf32, #tpu.memory_space<hbm>> -> memref<10000x128xf32, #tpu.memory_space<hbm>>
    tpu.wait_indirect_dma semaphore(%arg7 : memref<!tpu.dma_semaphore, #tpu.memory_space<semaphore_mem>>) src(%dma_wait3A_18 : memref<10000x128xf32, #tpu.memory_space<hbm>>) dst(%arg6 : memref<1000x128xf32, #tpu.memory_space<vmem>>)
    "tpu.region"() ({
      %run_scoped3A = tpu.sem_alloc : memref<!tpu.dma_semaphore, #tpu.memory_space<semaphore_mem>>
      %dma_start3A_49 = arith.constant 0 : i32
      %dma_start3A_50 = tpu.memref_slice %arg4[%add3A_12, %dma_start3A_49] : memref<160000x128xf32, #tpu.memory_space<hbm>> -> memref<1000x128xf32, #tpu.memory_space<hbm>>
      %dma_start3A_51 = arith.constant 0 : i32
      %dma_start3A_52 = tpu.memref_slice %arg4[%add3A_12, %dma_start3A_51] : memref<160000x128xf32, #tpu.memory_space<hbm>> -> memref<1000x128xf32, #tpu.memory_space<hbm>>
      tpu.enqueue_dma source(%arg6 : memref<1000x128xf32, #tpu.memory_space<vmem>>) target(%dma_start3A_52 : memref<1000x128xf32, #tpu.memory_space<hbm>>) target_semaphore(%run_scoped3A : memref<!tpu.dma_semaphore, #tpu.memory_space<semaphore_mem>>)
      %dma_wait3A_53 = arith.constant 0 : i32
      %dma_wait3A_54 = tpu.memref_slice %arg4[%add3A_12, %dma_wait3A_53] : memref<160000x128xf32, #tpu.memory_space<hbm>> -> memref<1000x128xf32, #tpu.memory_space<hbm>>
      %dma_wait3A_55 = arith.constant 0 : i32
      %dma_wait3A_56 = tpu.memref_slice %arg4[%add3A_12, %dma_wait3A_55] : memref<160000x128xf32, #tpu.memory_space<hbm>> -> memref<1000x128xf32, #tpu.memory_space<hbm>>
      tpu.wait_dma2 semaphore(%run_scoped3A : memref<!tpu.dma_semaphore, #tpu.memory_space<semaphore_mem>>) src(%arg6 : memref<1000x128xf32, #tpu.memory_space<vmem>>) dst(%dma_wait3A_56 : memref<1000x128xf32, #tpu.memory_space<hbm>>)
      tpu.yield
    }) : () -> ()
    %mul3A_19 = arith.constant 5000 : i32
    %mul3A_20 = arith.muli %add3A, %mul3A_19 : i32
    %add3A_21 = arith.constant 2000 : i32
    %add3A_22 = arith.addi %mul3A_20, %add3A_21 : i32
    "tpu.region"() ({
      %run_scoped3A = tpu.sem_alloc : memref<!tpu.dma_semaphore, #tpu.memory_space<semaphore_mem>>
      %dma_start3A_49 = tpu.memref_slice %arg3[%add3A_22] : memref<160000xi32, #tpu.memory_space<hbm>> -> memref<1000xi32, #tpu.memory_space<hbm>>
      %dma_start3A_50 = tpu.memref_slice %arg3[%add3A_22] : memref<160000xi32, #tpu.memory_space<hbm>> -> memref<1000xi32, #tpu.memory_space<hbm>>
      tpu.enqueue_dma source(%dma_start3A_50 : memref<1000xi32, #tpu.memory_space<hbm>>) target(%arg5 : memref<1000xi32, #tpu.memory_space<vmem>>) target_semaphore(%run_scoped3A : memref<!tpu.dma_semaphore, #tpu.memory_space<semaphore_mem>>)
      %dma_wait3A_51 = tpu.memref_slice %arg3[%add3A_22] : memref<160000xi32, #tpu.memory_space<hbm>> -> memref<1000xi32, #tpu.memory_space<hbm>>
      %dma_wait3A_52 = tpu.memref_slice %arg3[%add3A_22] : memref<160000xi32, #tpu.memory_space<hbm>> -> memref<1000xi32, #tpu.memory_space<hbm>>
      tpu.wait_dma2 semaphore(%run_scoped3A : memref<!tpu.dma_semaphore, #tpu.memory_space<semaphore_mem>>) src(%dma_wait3A_52 : memref<1000xi32, #tpu.memory_space<hbm>>) dst(%arg5 : memref<1000xi32, #tpu.memory_space<vmem>>)
      tpu.yield
    }) : () -> ()
    %dma_start3A_23 = arith.constant 0 : i32
    %dma_start3A_24 = arith.constant 0 : i32
    %dma_start3A_25 = tpu.memref_slice %arg2[%dma_start3A_23, %dma_start3A_24] : memref<10000x128xf32, #tpu.memory_space<hbm>> -> memref<10000x128xf32, #tpu.memory_space<hbm>>
    tpu.enqueue_indirect_dma source(%dma_start3A_25 : memref<10000x128xf32, #tpu.memory_space<hbm>>) target(%arg6 : memref<1000x128xf32, #tpu.memory_space<vmem>>) offsets(%arg5 : memref<1000xi32, #tpu.memory_space<vmem>>) semaphore(%arg7 : memref<!tpu.dma_semaphore, #tpu.memory_space<semaphore_mem>>)
    %dma_wait3A_26 = arith.constant 0 : i32
    %dma_wait3A_27 = arith.constant 0 : i32
    %dma_wait3A_28 = tpu.memref_slice %arg2[%dma_wait3A_26, %dma_wait3A_27] : memref<10000x128xf32, #tpu.memory_space<hbm>> -> memref<10000x128xf32, #tpu.memory_space<hbm>>
    tpu.wait_indirect_dma semaphore(%arg7 : memref<!tpu.dma_semaphore, #tpu.memory_space<semaphore_mem>>) src(%dma_wait3A_28 : memref<10000x128xf32, #tpu.memory_space<hbm>>) dst(%arg6 : memref<1000x128xf32, #tpu.memory_space<vmem>>)
    "tpu.region"() ({
      %run_scoped3A = tpu.sem_alloc : memref<!tpu.dma_semaphore, #tpu.memory_space<semaphore_mem>>
      %dma_start3A_49 = arith.constant 0 : i32
      %dma_start3A_50 = tpu.memref_slice %arg4[%add3A_22, %dma_start3A_49] : memref<160000x128xf32, #tpu.memory_space<hbm>> -> memref<1000x128xf32, #tpu.memory_space<hbm>>
      %dma_start3A_51 = arith.constant 0 : i32
      %dma_start3A_52 = tpu.memref_slice %arg4[%add3A_22, %dma_start3A_51] : memref<160000x128xf32, #tpu.memory_space<hbm>> -> memref<1000x128xf32, #tpu.memory_space<hbm>>
      tpu.enqueue_dma source(%arg6 : memref<1000x128xf32, #tpu.memory_space<vmem>>) target(%dma_start3A_52 : memref<1000x128xf32, #tpu.memory_space<hbm>>) target_semaphore(%run_scoped3A : memref<!tpu.dma_semaphore, #tpu.memory_space<semaphore_mem>>)
      %dma_wait3A_53 = arith.constant 0 : i32
      %dma_wait3A_54 = tpu.memref_slice %arg4[%add3A_22, %dma_wait3A_53] : memref<160000x128xf32, #tpu.memory_space<hbm>> -> memref<1000x128xf32, #tpu.memory_space<hbm>>
      %dma_wait3A_55 = arith.constant 0 : i32
      %dma_wait3A_56 = tpu.memref_slice %arg4[%add3A_22, %dma_wait3A_55] : memref<160000x128xf32, #tpu.memory_space<hbm>> -> memref<1000x128xf32, #tpu.memory_space<hbm>>
      tpu.wait_dma2 semaphore(%run_scoped3A : memref<!tpu.dma_semaphore, #tpu.memory_space<semaphore_mem>>) src(%arg6 : memref<1000x128xf32, #tpu.memory_space<vmem>>) dst(%dma_wait3A_56 : memref<1000x128xf32, #tpu.memory_space<hbm>>)
      tpu.yield
    }) : () -> ()
    %mul3A_29 = arith.constant 5000 : i32
    %mul3A_30 = arith.muli %add3A, %mul3A_29 : i32
    %add3A_31 = arith.constant 3000 : i32
    %add3A_32 = arith.addi %mul3A_30, %add3A_31 : i32
    "tpu.region"() ({
      %run_scoped3A = tpu.sem_alloc : memref<!tpu.dma_semaphore, #tpu.memory_space<semaphore_mem>>
      %dma_start3A_49 = tpu.memref_slice %arg3[%add3A_32] : memref<160000xi32, #tpu.memory_space<hbm>> -> memref<1000xi32, #tpu.memory_space<hbm>>
      %dma_start3A_50 = tpu.memref_slice %arg3[%add3A_32] : memref<160000xi32, #tpu.memory_space<hbm>> -> memref<1000xi32, #tpu.memory_space<hbm>>
      tpu.enqueue_dma source(%dma_start3A_50 : memref<1000xi32, #tpu.memory_space<hbm>>) target(%arg5 : memref<1000xi32, #tpu.memory_space<vmem>>) target_semaphore(%run_scoped3A : memref<!tpu.dma_semaphore, #tpu.memory_space<semaphore_mem>>)
      %dma_wait3A_51 = tpu.memref_slice %arg3[%add3A_32] : memref<160000xi32, #tpu.memory_space<hbm>> -> memref<1000xi32, #tpu.memory_space<hbm>>
      %dma_wait3A_52 = tpu.memref_slice %arg3[%add3A_32] : memref<160000xi32, #tpu.memory_space<hbm>> -> memref<1000xi32, #tpu.memory_space<hbm>>
      tpu.wait_dma2 semaphore(%run_scoped3A : memref<!tpu.dma_semaphore, #tpu.memory_space<semaphore_mem>>) src(%dma_wait3A_52 : memref<1000xi32, #tpu.memory_space<hbm>>) dst(%arg5 : memref<1000xi32, #tpu.memory_space<vmem>>)
      tpu.yield
    }) : () -> ()
    %dma_start3A_33 = arith.constant 0 : i32
    %dma_start3A_34 = arith.constant 0 : i32
    %dma_start3A_35 = tpu.memref_slice %arg2[%dma_start3A_33, %dma_start3A_34] : memref<10000x128xf32, #tpu.memory_space<hbm>> -> memref<10000x128xf32, #tpu.memory_space<hbm>>
    tpu.enqueue_indirect_dma source(%dma_start3A_35 : memref<10000x128xf32, #tpu.memory_space<hbm>>) target(%arg6 : memref<1000x128xf32, #tpu.memory_space<vmem>>) offsets(%arg5 : memref<1000xi32, #tpu.memory_space<vmem>>) semaphore(%arg7 : memref<!tpu.dma_semaphore, #tpu.memory_space<semaphore_mem>>)
    %dma_wait3A_36 = arith.constant 0 : i32
    %dma_wait3A_37 = arith.constant 0 : i32
    %dma_wait3A_38 = tpu.memref_slice %arg2[%dma_wait3A_36, %dma_wait3A_37] : memref<10000x128xf32, #tpu.memory_space<hbm>> -> memref<10000x128xf32, #tpu.memory_space<hbm>>
    tpu.wait_indirect_dma semaphore(%arg7 : memref<!tpu.dma_semaphore, #tpu.memory_space<semaphore_mem>>) src(%dma_wait3A_38 : memref<10000x128xf32, #tpu.memory_space<hbm>>) dst(%arg6 : memref<1000x128xf32, #tpu.memory_space<vmem>>)
    "tpu.region"() ({
      %run_scoped3A = tpu.sem_alloc : memref<!tpu.dma_semaphore, #tpu.memory_space<semaphore_mem>>
      %dma_start3A_49 = arith.constant 0 : i32
      %dma_start3A_50 = tpu.memref_slice %arg4[%add3A_32, %dma_start3A_49] : memref<160000x128xf32, #tpu.memory_space<hbm>> -> memref<1000x128xf32, #tpu.memory_space<hbm>>
      %dma_start3A_51 = arith.constant 0 : i32
      %dma_start3A_52 = tpu.memref_slice %arg4[%add3A_32, %dma_start3A_51] : memref<160000x128xf32, #tpu.memory_space<hbm>> -> memref<1000x128xf32, #tpu.memory_space<hbm>>
      tpu.enqueue_dma source(%arg6 : memref<1000x128xf32, #tpu.memory_space<vmem>>) target(%dma_start3A_52 : memref<1000x128xf32, #tpu.memory_space<hbm>>) target_semaphore(%run_scoped3A : memref<!tpu.dma_semaphore, #tpu.memory_space<semaphore_mem>>)
      %dma_wait3A_53 = arith.constant 0 : i32
      %dma_wait3A_54 = tpu.memref_slice %arg4[%add3A_32, %dma_wait3A_53] : memref<160000x128xf32, #tpu.memory_space<hbm>> -> memref<1000x128xf32, #tpu.memory_space<hbm>>
      %dma_wait3A_55 = arith.constant 0 : i32
      %dma_wait3A_56 = tpu.memref_slice %arg4[%add3A_32, %dma_wait3A_55] : memref<160000x128xf32, #tpu.memory_space<hbm>> -> memref<1000x128xf32, #tpu.memory_space<hbm>>
      tpu.wait_dma2 semaphore(%run_scoped3A : memref<!tpu.dma_semaphore, #tpu.memory_space<semaphore_mem>>) src(%arg6 : memref<1000x128xf32, #tpu.memory_space<vmem>>) dst(%dma_wait3A_56 : memref<1000x128xf32, #tpu.memory_space<hbm>>)
      tpu.yield
    }) : () -> ()
    %mul3A_39 = arith.constant 5000 : i32
    %mul3A_40 = arith.muli %add3A, %mul3A_39 : i32
    %add3A_41 = arith.constant 4000 : i32
    %add3A_42 = arith.addi %mul3A_40, %add3A_41 : i32
    "tpu.region"() ({
      %run_scoped3A = tpu.sem_alloc : memref<!tpu.dma_semaphore, #tpu.memory_space<semaphore_mem>>
      %dma_start3A_49 = tpu.memref_slice %arg3[%add3A_42] : memref<160000xi32, #tpu.memory_space<hbm>> -> memref<1000xi32, #tpu.memory_space<hbm>>
      %dma_start3A_50 = tpu.memref_slice %arg3[%add3A_42] : memref<160000xi32, #tpu.memory_space<hbm>> -> memref<1000xi32, #tpu.memory_space<hbm>>
      tpu.enqueue_dma source(%dma_start3A_50 : memref<1000xi32, #tpu.memory_space<hbm>>) target(%arg5 : memref<1000xi32, #tpu.memory_space<vmem>>) target_semaphore(%run_scoped3A : memref<!tpu.dma_semaphore, #tpu.memory_space<semaphore_mem>>)
      %dma_wait3A_51 = tpu.memref_slice %arg3[%add3A_42] : memref<160000xi32, #tpu.memory_space<hbm>> -> memref<1000xi32, #tpu.memory_space<hbm>>
      %dma_wait3A_52 = tpu.memref_slice %arg3[%add3A_42] : memref<160000xi32, #tpu.memory_space<hbm>> -> memref<1000xi32, #tpu.memory_space<hbm>>
      tpu.wait_dma2 semaphore(%run_scoped3A : memref<!tpu.dma_semaphore, #tpu.memory_space<semaphore_mem>>) src(%dma_wait3A_52 : memref<1000xi32, #tpu.memory_space<hbm>>) dst(%arg5 : memref<1000xi32, #tpu.memory_space<vmem>>)
      tpu.yield
    }) : () -> ()
    %dma_start3A_43 = arith.constant 0 : i32
    %dma_start3A_44 = arith.constant 0 : i32
    %dma_start3A_45 = tpu.memref_slice %arg2[%dma_start3A_43, %dma_start3A_44] : memref<10000x128xf32, #tpu.memory_space<hbm>> -> memref<10000x128xf32, #tpu.memory_space<hbm>>
    tpu.enqueue_indirect_dma source(%dma_start3A_45 : memref<10000x128xf32, #tpu.memory_space<hbm>>) target(%arg6 : memref<1000x128xf32, #tpu.memory_space<vmem>>) offsets(%arg5 : memref<1000xi32, #tpu.memory_space<vmem>>) semaphore(%arg7 : memref<!tpu.dma_semaphore, #tpu.memory_space<semaphore_mem>>)
    %dma_wait3A_46 = arith.constant 0 : i32
    %dma_wait3A_47 = arith.constant 0 : i32
    %dma_wait3A_48 = tpu.memref_slice %arg2[%dma_wait3A_46, %dma_wait3A_47] : memref<10000x128xf32, #tpu.memory_space<hbm>> -> memref<10000x128xf32, #tpu.memory_space<hbm>>
    tpu.wait_indirect_dma semaphore(%arg7 : memref<!tpu.dma_semaphore, #tpu.memory_space<semaphore_mem>>) src(%dma_wait3A_48 : memref<10000x128xf32, #tpu.memory_space<hbm>>) dst(%arg6 : memref<1000x128xf32, #tpu.memory_space<vmem>>)
    "tpu.region"() ({
      %run_scoped3A = tpu.sem_alloc : memref<!tpu.dma_semaphore, #tpu.memory_space<semaphore_mem>>
      %dma_start3A_49 = arith.constant 0 : i32
      %dma_start3A_50 = tpu.memref_slice %arg4[%add3A_42, %dma_start3A_49] : memref<160000x128xf32, #tpu.memory_space<hbm>> -> memref<1000x128xf32, #tpu.memory_space<hbm>>
      %dma_start3A_51 = arith.constant 0 : i32
      %dma_start3A_52 = tpu.memref_slice %arg4[%add3A_42, %dma_start3A_51] : memref<160000x128xf32, #tpu.memory_space<hbm>> -> memref<1000x128xf32, #tpu.memory_space<hbm>>
      tpu.enqueue_dma source(%arg6 : memref<1000x128xf32, #tpu.memory_space<vmem>>) target(%dma_start3A_52 : memref<1000x128xf32, #tpu.memory_space<hbm>>) target_semaphore(%run_scoped3A : memref<!tpu.dma_semaphore, #tpu.memory_space<semaphore_mem>>)
      %dma_wait3A_53 = arith.constant 0 : i32
      %dma_wait3A_54 = tpu.memref_slice %arg4[%add3A_42, %dma_wait3A_53] : memref<160000x128xf32, #tpu.memory_space<hbm>> -> memref<1000x128xf32, #tpu.memory_space<hbm>>
      %dma_wait3A_55 = arith.constant 0 : i32
      %dma_wait3A_56 = tpu.memref_slice %arg4[%add3A_42, %dma_wait3A_55] : memref<160000x128xf32, #tpu.memory_space<hbm>> -> memref<1000x128xf32, #tpu.memory_space<hbm>>
      tpu.wait_dma2 semaphore(%run_scoped3A : memref<!tpu.dma_semaphore, #tpu.memory_space<semaphore_mem>>) src(%arg6 : memref<1000x128xf32, #tpu.memory_space<vmem>>) dst(%dma_wait3A_56 : memref<1000x128xf32, #tpu.memory_space<hbm>>)
      tpu.yield
    }) : () -> ()
    return
  }
}

#map = affine_map<(d0, d1) -> (0, 0)>
#map1 = affine_map<(d0, d1) -> (0)>
module attributes {stable_mosaic.version = 14 : i64} {
  func.func @gather(%arg0: i32, %arg1: i32, %arg2: memref<10000x32xf32, #tpu.memory_space<hbm>>, %arg3: memref<160000xi32, #tpu.memory_space<hbm>>, %arg4: memref<160000x32xf32, #tpu.memory_space<hbm>>, %arg5: memref<1000xi32, #tpu.memory_space<vmem>>, %arg6: memref<1000x32xf32, #tpu.memory_space<vmem>>, %arg7: memref<!tpu.dma_semaphore, #tpu.memory_space<semaphore_mem>>) attributes {dimension_semantics = [#tpu.dimension_semantics<core_parallel>, #tpu.dimension_semantics<subcore_parallel>], iteration_bounds = array<i64: 2, 16>, scalar_prefetch = 0 : i64, scratch_operands = 3 : i64, tpu.core_type = #tpu.core_type<sc_vector_subcore>, window_params = [{transform_indices = #map}, {transform_indices = #map1}, {transform_indices = #map}]} {
    %mul3A = arith.constant 2 : i32
    %mul3A_0 = arith.muli %arg1, %mul3A : i32
    %add3A = arith.addi %mul3A_0, %arg0 : i32
    %mul3A_1 = arith.constant 5000 : i32
    %mul3A_2 = arith.muli %add3A, %mul3A_1 : i32
    %add3A_3 = arith.constant 0 : i32
    %add3A_4 = arith.addi %mul3A_2, %add3A_3 : i32
    "tpu.region"() ({
      %run_scoped3A = tpu.sem_alloc : memref<!tpu.dma_semaphore, #tpu.memory_space<semaphore_mem>>
      %dma_start3A_49 = tpu.memref_slice %arg3[%add3A_4] : memref<160000xi32, #tpu.memory_space<hbm>> -> memref<1000xi32, #tpu.memory_space<hbm>>
      %dma_start3A_50 = tpu.memref_slice %arg3[%add3A_4] : memref<160000xi32, #tpu.memory_space<hbm>> -> memref<1000xi32, #tpu.memory_space<hbm>>
      tpu.enqueue_dma source(%dma_start3A_50 : memref<1000xi32, #tpu.memory_space<hbm>>) target(%arg5 : memref<1000xi32, #tpu.memory_space<vmem>>) target_semaphore(%run_scoped3A : memref<!tpu.dma_semaphore, #tpu.memory_space<semaphore_mem>>)
      %dma_wait3A_51 = tpu.memref_slice %arg3[%add3A_4] : memref<160000xi32, #tpu.memory_space<hbm>> -> memref<1000xi32, #tpu.memory_space<hbm>>
      %dma_wait3A_52 = tpu.memref_slice %arg3[%add3A_4] : memref<160000xi32, #tpu.memory_space<hbm>> -> memref<1000xi32, #tpu.memory_space<hbm>>
      tpu.wait_dma2 semaphore(%run_scoped3A : memref<!tpu.dma_semaphore, #tpu.memory_space<semaphore_mem>>) src(%dma_wait3A_52 : memref<1000xi32, #tpu.memory_space<hbm>>) dst(%arg5 : memref<1000xi32, #tpu.memory_space<vmem>>)
      tpu.yield
    }) : () -> ()
    %dma_start3A = arith.constant 0 : i32
    %dma_start3A_5 = arith.constant 0 : i32
    %dma_start3A_6 = tpu.memref_slice %arg2[%dma_start3A, %dma_start3A_5] : memref<10000x32xf32, #tpu.memory_space<hbm>> -> memref<10000x32xf32, #tpu.memory_space<hbm>>
    tpu.enqueue_indirect_dma source(%dma_start3A_6 : memref<10000x32xf32, #tpu.memory_space<hbm>>) target(%arg6 : memref<1000x32xf32, #tpu.memory_space<vmem>>) offsets(%arg5 : memref<1000xi32, #tpu.memory_space<vmem>>) semaphore(%arg7 : memref<!tpu.dma_semaphore, #tpu.memory_space<semaphore_mem>>)
    %dma_wait3A = arith.constant 0 : i32
    %dma_wait3A_7 = arith.constant 0 : i32
    %dma_wait3A_8 = tpu.memref_slice %arg2[%dma_wait3A, %dma_wait3A_7] : memref<10000x32xf32, #tpu.memory_space<hbm>> -> memref<10000x32xf32, #tpu.memory_space<hbm>>
    tpu.wait_indirect_dma semaphore(%arg7 : memref<!tpu.dma_semaphore, #tpu.memory_space<semaphore_mem>>) src(%dma_wait3A_8 : memref<10000x32xf32, #tpu.memory_space<hbm>>) dst(%arg6 : memref<1000x32xf32, #tpu.memory_space<vmem>>)
    "tpu.region"() ({
      %run_scoped3A = tpu.sem_alloc : memref<!tpu.dma_semaphore, #tpu.memory_space<semaphore_mem>>
      %dma_start3A_49 = arith.constant 0 : i32
      %dma_start3A_50 = tpu.memref_slice %arg4[%add3A_4, %dma_start3A_49] : memref<160000x32xf32, #tpu.memory_space<hbm>> -> memref<1000x32xf32, #tpu.memory_space<hbm>>
      %dma_start3A_51 = arith.constant 0 : i32
      %dma_start3A_52 = tpu.memref_slice %arg4[%add3A_4, %dma_start3A_51] : memref<160000x32xf32, #tpu.memory_space<hbm>> -> memref<1000x32xf32, #tpu.memory_space<hbm>>
      tpu.enqueue_dma source(%arg6 : memref<1000x32xf32, #tpu.memory_space<vmem>>) target(%dma_start3A_52 : memref<1000x32xf32, #tpu.memory_space<hbm>>) target_semaphore(%run_scoped3A : memref<!tpu.dma_semaphore, #tpu.memory_space<semaphore_mem>>)
      %dma_wait3A_53 = arith.constant 0 : i32
      %dma_wait3A_54 = tpu.memref_slice %arg4[%add3A_4, %dma_wait3A_53] : memref<160000x32xf32, #tpu.memory_space<hbm>> -> memref<1000x32xf32, #tpu.memory_space<hbm>>
      %dma_wait3A_55 = arith.constant 0 : i32
      %dma_wait3A_56 = tpu.memref_slice %arg4[%add3A_4, %dma_wait3A_55] : memref<160000x32xf32, #tpu.memory_space<hbm>> -> memref<1000x32xf32, #tpu.memory_space<hbm>>
      tpu.wait_dma2 semaphore(%run_scoped3A : memref<!tpu.dma_semaphore, #tpu.memory_space<semaphore_mem>>) src(%arg6 : memref<1000x32xf32, #tpu.memory_space<vmem>>) dst(%dma_wait3A_56 : memref<1000x32xf32, #tpu.memory_space<hbm>>)
      tpu.yield
    }) : () -> ()
    %mul3A_9 = arith.constant 5000 : i32
    %mul3A_10 = arith.muli %add3A, %mul3A_9 : i32
    %add3A_11 = arith.constant 1000 : i32
    %add3A_12 = arith.addi %mul3A_10, %add3A_11 : i32
    "tpu.region"() ({
      %run_scoped3A = tpu.sem_alloc : memref<!tpu.dma_semaphore, #tpu.memory_space<semaphore_mem>>
      %dma_start3A_49 = tpu.memref_slice %arg3[%add3A_12] : memref<160000xi32, #tpu.memory_space<hbm>> -> memref<1000xi32, #tpu.memory_space<hbm>>
      %dma_start3A_50 = tpu.memref_slice %arg3[%add3A_12] : memref<160000xi32, #tpu.memory_space<hbm>> -> memref<1000xi32, #tpu.memory_space<hbm>>
      tpu.enqueue_dma source(%dma_start3A_50 : memref<1000xi32, #tpu.memory_space<hbm>>) target(%arg5 : memref<1000xi32, #tpu.memory_space<vmem>>) target_semaphore(%run_scoped3A : memref<!tpu.dma_semaphore, #tpu.memory_space<semaphore_mem>>)
      %dma_wait3A_51 = tpu.memref_slice %arg3[%add3A_12] : memref<160000xi32, #tpu.memory_space<hbm>> -> memref<1000xi32, #tpu.memory_space<hbm>>
      %dma_wait3A_52 = tpu.memref_slice %arg3[%add3A_12] : memref<160000xi32, #tpu.memory_space<hbm>> -> memref<1000xi32, #tpu.memory_space<hbm>>
      tpu.wait_dma2 semaphore(%run_scoped3A : memref<!tpu.dma_semaphore, #tpu.memory_space<semaphore_mem>>) src(%dma_wait3A_52 : memref<1000xi32, #tpu.memory_space<hbm>>) dst(%arg5 : memref<1000xi32, #tpu.memory_space<vmem>>)
      tpu.yield
    }) : () -> ()
    %dma_start3A_13 = arith.constant 0 : i32
    %dma_start3A_14 = arith.constant 0 : i32
    %dma_start3A_15 = tpu.memref_slice %arg2[%dma_start3A_13, %dma_start3A_14] : memref<10000x32xf32, #tpu.memory_space<hbm>> -> memref<10000x32xf32, #tpu.memory_space<hbm>>
    tpu.enqueue_indirect_dma source(%dma_start3A_15 : memref<10000x32xf32, #tpu.memory_space<hbm>>) target(%arg6 : memref<1000x32xf32, #tpu.memory_space<vmem>>) offsets(%arg5 : memref<1000xi32, #tpu.memory_space<vmem>>) semaphore(%arg7 : memref<!tpu.dma_semaphore, #tpu.memory_space<semaphore_mem>>)
    %dma_wait3A_16 = arith.constant 0 : i32
    %dma_wait3A_17 = arith.constant 0 : i32
    %dma_wait3A_18 = tpu.memref_slice %arg2[%dma_wait3A_16, %dma_wait3A_17] : memref<10000x32xf32, #tpu.memory_space<hbm>> -> memref<10000x32xf32, #tpu.memory_space<hbm>>
    tpu.wait_indirect_dma semaphore(%arg7 : memref<!tpu.dma_semaphore, #tpu.memory_space<semaphore_mem>>) src(%dma_wait3A_18 : memref<10000x32xf32, #tpu.memory_space<hbm>>) dst(%arg6 : memref<1000x32xf32, #tpu.memory_space<vmem>>)
    "tpu.region"() ({
      %run_scoped3A = tpu.sem_alloc : memref<!tpu.dma_semaphore, #tpu.memory_space<semaphore_mem>>
      %dma_start3A_49 = arith.constant 0 : i32
      %dma_start3A_50 = tpu.memref_slice %arg4[%add3A_12, %dma_start3A_49] : memref<160000x32xf32, #tpu.memory_space<hbm>> -> memref<1000x32xf32, #tpu.memory_space<hbm>>
      %dma_start3A_51 = arith.constant 0 : i32
      %dma_start3A_52 = tpu.memref_slice %arg4[%add3A_12, %dma_start3A_51] : memref<160000x32xf32, #tpu.memory_space<hbm>> -> memref<1000x32xf32, #tpu.memory_space<hbm>>
      tpu.enqueue_dma source(%arg6 : memref<1000x32xf32, #tpu.memory_space<vmem>>) target(%dma_start3A_52 : memref<1000x32xf32, #tpu.memory_space<hbm>>) target_semaphore(%run_scoped3A : memref<!tpu.dma_semaphore, #tpu.memory_space<semaphore_mem>>)
      %dma_wait3A_53 = arith.constant 0 : i32
      %dma_wait3A_54 = tpu.memref_slice %arg4[%add3A_12, %dma_wait3A_53] : memref<160000x32xf32, #tpu.memory_space<hbm>> -> memref<1000x32xf32, #tpu.memory_space<hbm>>
      %dma_wait3A_55 = arith.constant 0 : i32
      %dma_wait3A_56 = tpu.memref_slice %arg4[%add3A_12, %dma_wait3A_55] : memref<160000x32xf32, #tpu.memory_space<hbm>> -> memref<1000x32xf32, #tpu.memory_space<hbm>>
      tpu.wait_dma2 semaphore(%run_scoped3A : memref<!tpu.dma_semaphore, #tpu.memory_space<semaphore_mem>>) src(%arg6 : memref<1000x32xf32, #tpu.memory_space<vmem>>) dst(%dma_wait3A_56 : memref<1000x32xf32, #tpu.memory_space<hbm>>)
      tpu.yield
    }) : () -> ()
    %mul3A_19 = arith.constant 5000 : i32
    %mul3A_20 = arith.muli %add3A, %mul3A_19 : i32
    %add3A_21 = arith.constant 2000 : i32
    %add3A_22 = arith.addi %mul3A_20, %add3A_21 : i32
    "tpu.region"() ({
      %run_scoped3A = tpu.sem_alloc : memref<!tpu.dma_semaphore, #tpu.memory_space<semaphore_mem>>
      %dma_start3A_49 = tpu.memref_slice %arg3[%add3A_22] : memref<160000xi32, #tpu.memory_space<hbm>> -> memref<1000xi32, #tpu.memory_space<hbm>>
      %dma_start3A_50 = tpu.memref_slice %arg3[%add3A_22] : memref<160000xi32, #tpu.memory_space<hbm>> -> memref<1000xi32, #tpu.memory_space<hbm>>
      tpu.enqueue_dma source(%dma_start3A_50 : memref<1000xi32, #tpu.memory_space<hbm>>) target(%arg5 : memref<1000xi32, #tpu.memory_space<vmem>>) target_semaphore(%run_scoped3A : memref<!tpu.dma_semaphore, #tpu.memory_space<semaphore_mem>>)
      %dma_wait3A_51 = tpu.memref_slice %arg3[%add3A_22] : memref<160000xi32, #tpu.memory_space<hbm>> -> memref<1000xi32, #tpu.memory_space<hbm>>
      %dma_wait3A_52 = tpu.memref_slice %arg3[%add3A_22] : memref<160000xi32, #tpu.memory_space<hbm>> -> memref<1000xi32, #tpu.memory_space<hbm>>
      tpu.wait_dma2 semaphore(%run_scoped3A : memref<!tpu.dma_semaphore, #tpu.memory_space<semaphore_mem>>) src(%dma_wait3A_52 : memref<1000xi32, #tpu.memory_space<hbm>>) dst(%arg5 : memref<1000xi32, #tpu.memory_space<vmem>>)
      tpu.yield
    }) : () -> ()
    %dma_start3A_23 = arith.constant 0 : i32
    %dma_start3A_24 = arith.constant 0 : i32
    %dma_start3A_25 = tpu.memref_slice %arg2[%dma_start3A_23, %dma_start3A_24] : memref<10000x32xf32, #tpu.memory_space<hbm>> -> memref<10000x32xf32, #tpu.memory_space<hbm>>
    tpu.enqueue_indirect_dma source(%dma_start3A_25 : memref<10000x32xf32, #tpu.memory_space<hbm>>) target(%arg6 : memref<1000x32xf32, #tpu.memory_space<vmem>>) offsets(%arg5 : memref<1000xi32, #tpu.memory_space<vmem>>) semaphore(%arg7 : memref<!tpu.dma_semaphore, #tpu.memory_space<semaphore_mem>>)
    %dma_wait3A_26 = arith.constant 0 : i32
    %dma_wait3A_27 = arith.constant 0 : i32
    %dma_wait3A_28 = tpu.memref_slice %arg2[%dma_wait3A_26, %dma_wait3A_27] : memref<10000x32xf32, #tpu.memory_space<hbm>> -> memref<10000x32xf32, #tpu.memory_space<hbm>>
    tpu.wait_indirect_dma semaphore(%arg7 : memref<!tpu.dma_semaphore, #tpu.memory_space<semaphore_mem>>) src(%dma_wait3A_28 : memref<10000x32xf32, #tpu.memory_space<hbm>>) dst(%arg6 : memref<1000x32xf32, #tpu.memory_space<vmem>>)
    "tpu.region"() ({
      %run_scoped3A = tpu.sem_alloc : memref<!tpu.dma_semaphore, #tpu.memory_space<semaphore_mem>>
      %dma_start3A_49 = arith.constant 0 : i32
      %dma_start3A_50 = tpu.memref_slice %arg4[%add3A_22, %dma_start3A_49] : memref<160000x32xf32, #tpu.memory_space<hbm>> -> memref<1000x32xf32, #tpu.memory_space<hbm>>
      %dma_start3A_51 = arith.constant 0 : i32
      %dma_start3A_52 = tpu.memref_slice %arg4[%add3A_22, %dma_start3A_51] : memref<160000x32xf32, #tpu.memory_space<hbm>> -> memref<1000x32xf32, #tpu.memory_space<hbm>>
      tpu.enqueue_dma source(%arg6 : memref<1000x32xf32, #tpu.memory_space<vmem>>) target(%dma_start3A_52 : memref<1000x32xf32, #tpu.memory_space<hbm>>) target_semaphore(%run_scoped3A : memref<!tpu.dma_semaphore, #tpu.memory_space<semaphore_mem>>)
      %dma_wait3A_53 = arith.constant 0 : i32
      %dma_wait3A_54 = tpu.memref_slice %arg4[%add3A_22, %dma_wait3A_53] : memref<160000x32xf32, #tpu.memory_space<hbm>> -> memref<1000x32xf32, #tpu.memory_space<hbm>>
      %dma_wait3A_55 = arith.constant 0 : i32
      %dma_wait3A_56 = tpu.memref_slice %arg4[%add3A_22, %dma_wait3A_55] : memref<160000x32xf32, #tpu.memory_space<hbm>> -> memref<1000x32xf32, #tpu.memory_space<hbm>>
      tpu.wait_dma2 semaphore(%run_scoped3A : memref<!tpu.dma_semaphore, #tpu.memory_space<semaphore_mem>>) src(%arg6 : memref<1000x32xf32, #tpu.memory_space<vmem>>) dst(%dma_wait3A_56 : memref<1000x32xf32, #tpu.memory_space<hbm>>)
      tpu.yield
    }) : () -> ()
    %mul3A_29 = arith.constant 5000 : i32
    %mul3A_30 = arith.muli %add3A, %mul3A_29 : i32
    %add3A_31 = arith.constant 3000 : i32
    %add3A_32 = arith.addi %mul3A_30, %add3A_31 : i32
    "tpu.region"() ({
      %run_scoped3A = tpu.sem_alloc : memref<!tpu.dma_semaphore, #tpu.memory_space<semaphore_mem>>
      %dma_start3A_49 = tpu.memref_slice %arg3[%add3A_32] : memref<160000xi32, #tpu.memory_space<hbm>> -> memref<1000xi32, #tpu.memory_space<hbm>>
      %dma_start3A_50 = tpu.memref_slice %arg3[%add3A_32] : memref<160000xi32, #tpu.memory_space<hbm>> -> memref<1000xi32, #tpu.memory_space<hbm>>
      tpu.enqueue_dma source(%dma_start3A_50 : memref<1000xi32, #tpu.memory_space<hbm>>) target(%arg5 : memref<1000xi32, #tpu.memory_space<vmem>>) target_semaphore(%run_scoped3A : memref<!tpu.dma_semaphore, #tpu.memory_space<semaphore_mem>>)
      %dma_wait3A_51 = tpu.memref_slice %arg3[%add3A_32] : memref<160000xi32, #tpu.memory_space<hbm>> -> memref<1000xi32, #tpu.memory_space<hbm>>
      %dma_wait3A_52 = tpu.memref_slice %arg3[%add3A_32] : memref<160000xi32, #tpu.memory_space<hbm>> -> memref<1000xi32, #tpu.memory_space<hbm>>
      tpu.wait_dma2 semaphore(%run_scoped3A : memref<!tpu.dma_semaphore, #tpu.memory_space<semaphore_mem>>) src(%dma_wait3A_52 : memref<1000xi32, #tpu.memory_space<hbm>>) dst(%arg5 : memref<1000xi32, #tpu.memory_space<vmem>>)
      tpu.yield
    }) : () -> ()
    %dma_start3A_33 = arith.constant 0 : i32
    %dma_start3A_34 = arith.constant 0 : i32
    %dma_start3A_35 = tpu.memref_slice %arg2[%dma_start3A_33, %dma_start3A_34] : memref<10000x32xf32, #tpu.memory_space<hbm>> -> memref<10000x32xf32, #tpu.memory_space<hbm>>
    tpu.enqueue_indirect_dma source(%dma_start3A_35 : memref<10000x32xf32, #tpu.memory_space<hbm>>) target(%arg6 : memref<1000x32xf32, #tpu.memory_space<vmem>>) offsets(%arg5 : memref<1000xi32, #tpu.memory_space<vmem>>) semaphore(%arg7 : memref<!tpu.dma_semaphore, #tpu.memory_space<semaphore_mem>>)
    %dma_wait3A_36 = arith.constant 0 : i32
    %dma_wait3A_37 = arith.constant 0 : i32
    %dma_wait3A_38 = tpu.memref_slice %arg2[%dma_wait3A_36, %dma_wait3A_37] : memref<10000x32xf32, #tpu.memory_space<hbm>> -> memref<10000x32xf32, #tpu.memory_space<hbm>>
    tpu.wait_indirect_dma semaphore(%arg7 : memref<!tpu.dma_semaphore, #tpu.memory_space<semaphore_mem>>) src(%dma_wait3A_38 : memref<10000x32xf32, #tpu.memory_space<hbm>>) dst(%arg6 : memref<1000x32xf32, #tpu.memory_space<vmem>>)
    "tpu.region"() ({
      %run_scoped3A = tpu.sem_alloc : memref<!tpu.dma_semaphore, #tpu.memory_space<semaphore_mem>>
      %dma_start3A_49 = arith.constant 0 : i32
      %dma_start3A_50 = tpu.memref_slice %arg4[%add3A_32, %dma_start3A_49] : memref<160000x32xf32, #tpu.memory_space<hbm>> -> memref<1000x32xf32, #tpu.memory_space<hbm>>
      %dma_start3A_51 = arith.constant 0 : i32
      %dma_start3A_52 = tpu.memref_slice %arg4[%add3A_32, %dma_start3A_51] : memref<160000x32xf32, #tpu.memory_space<hbm>> -> memref<1000x32xf32, #tpu.memory_space<hbm>>
      tpu.enqueue_dma source(%arg6 : memref<1000x32xf32, #tpu.memory_space<vmem>>) target(%dma_start3A_52 : memref<1000x32xf32, #tpu.memory_space<hbm>>) target_semaphore(%run_scoped3A : memref<!tpu.dma_semaphore, #tpu.memory_space<semaphore_mem>>)
      %dma_wait3A_53 = arith.constant 0 : i32
      %dma_wait3A_54 = tpu.memref_slice %arg4[%add3A_32, %dma_wait3A_53] : memref<160000x32xf32, #tpu.memory_space<hbm>> -> memref<1000x32xf32, #tpu.memory_space<hbm>>
      %dma_wait3A_55 = arith.constant 0 : i32
      %dma_wait3A_56 = tpu.memref_slice %arg4[%add3A_32, %dma_wait3A_55] : memref<160000x32xf32, #tpu.memory_space<hbm>> -> memref<1000x32xf32, #tpu.memory_space<hbm>>
      tpu.wait_dma2 semaphore(%run_scoped3A : memref<!tpu.dma_semaphore, #tpu.memory_space<semaphore_mem>>) src(%arg6 : memref<1000x32xf32, #tpu.memory_space<vmem>>) dst(%dma_wait3A_56 : memref<1000x32xf32, #tpu.memory_space<hbm>>)
      tpu.yield
    }) : () -> ()
    %mul3A_39 = arith.constant 5000 : i32
    %mul3A_40 = arith.muli %add3A, %mul3A_39 : i32
    %add3A_41 = arith.constant 4000 : i32
    %add3A_42 = arith.addi %mul3A_40, %add3A_41 : i32
    "tpu.region"() ({
      %run_scoped3A = tpu.sem_alloc : memref<!tpu.dma_semaphore, #tpu.memory_space<semaphore_mem>>
      %dma_start3A_49 = tpu.memref_slice %arg3[%add3A_42] : memref<160000xi32, #tpu.memory_space<hbm>> -> memref<1000xi32, #tpu.memory_space<hbm>>
      %dma_start3A_50 = tpu.memref_slice %arg3[%add3A_42] : memref<160000xi32, #tpu.memory_space<hbm>> -> memref<1000xi32, #tpu.memory_space<hbm>>
      tpu.enqueue_dma source(%dma_start3A_50 : memref<1000xi32, #tpu.memory_space<hbm>>) target(%arg5 : memref<1000xi32, #tpu.memory_space<vmem>>) target_semaphore(%run_scoped3A : memref<!tpu.dma_semaphore, #tpu.memory_space<semaphore_mem>>)
      %dma_wait3A_51 = tpu.memref_slice %arg3[%add3A_42] : memref<160000xi32, #tpu.memory_space<hbm>> -> memref<1000xi32, #tpu.memory_space<hbm>>
      %dma_wait3A_52 = tpu.memref_slice %arg3[%add3A_42] : memref<160000xi32, #tpu.memory_space<hbm>> -> memref<1000xi32, #tpu.memory_space<hbm>>
      tpu.wait_dma2 semaphore(%run_scoped3A : memref<!tpu.dma_semaphore, #tpu.memory_space<semaphore_mem>>) src(%dma_wait3A_52 : memref<1000xi32, #tpu.memory_space<hbm>>) dst(%arg5 : memref<1000xi32, #tpu.memory_space<vmem>>)
      tpu.yield
    }) : () -> ()
    %dma_start3A_43 = arith.constant 0 : i32
    %dma_start3A_44 = arith.constant 0 : i32
    %dma_start3A_45 = tpu.memref_slice %arg2[%dma_start3A_43, %dma_start3A_44] : memref<10000x32xf32, #tpu.memory_space<hbm>> -> memref<10000x32xf32, #tpu.memory_space<hbm>>
    tpu.enqueue_indirect_dma source(%dma_start3A_45 : memref<10000x32xf32, #tpu.memory_space<hbm>>) target(%arg6 : memref<1000x32xf32, #tpu.memory_space<vmem>>) offsets(%arg5 : memref<1000xi32, #tpu.memory_space<vmem>>) semaphore(%arg7 : memref<!tpu.dma_semaphore, #tpu.memory_space<semaphore_mem>>)
    %dma_wait3A_46 = arith.constant 0 : i32
    %dma_wait3A_47 = arith.constant 0 : i32
    %dma_wait3A_48 = tpu.memref_slice %arg2[%dma_wait3A_46, %dma_wait3A_47] : memref<10000x32xf32, #tpu.memory_space<hbm>> -> memref<10000x32xf32, #tpu.memory_space<hbm>>
    tpu.wait_indirect_dma semaphore(%arg7 : memref<!tpu.dma_semaphore, #tpu.memory_space<semaphore_mem>>) src(%dma_wait3A_48 : memref<10000x32xf32, #tpu.memory_space<hbm>>) dst(%arg6 : memref<1000x32xf32, #tpu.memory_space<vmem>>)
    "tpu.region"() ({
      %run_scoped3A = tpu.sem_alloc : memref<!tpu.dma_semaphore, #tpu.memory_space<semaphore_mem>>
      %dma_start3A_49 = arith.constant 0 : i32
      %dma_start3A_50 = tpu.memref_slice %arg4[%add3A_42, %dma_start3A_49] : memref<160000x32xf32, #tpu.memory_space<hbm>> -> memref<1000x32xf32, #tpu.memory_space<hbm>>
      %dma_start3A_51 = arith.constant 0 : i32
      %dma_start3A_52 = tpu.memref_slice %arg4[%add3A_42, %dma_start3A_51] : memref<160000x32xf32, #tpu.memory_space<hbm>> -> memref<1000x32xf32, #tpu.memory_space<hbm>>
      tpu.enqueue_dma source(%arg6 : memref<1000x32xf32, #tpu.memory_space<vmem>>) target(%dma_start3A_52 : memref<1000x32xf32, #tpu.memory_space<hbm>>) target_semaphore(%run_scoped3A : memref<!tpu.dma_semaphore, #tpu.memory_space<semaphore_mem>>)
      %dma_wait3A_53 = arith.constant 0 : i32
      %dma_wait3A_54 = tpu.memref_slice %arg4[%add3A_42, %dma_wait3A_53] : memref<160000x32xf32, #tpu.memory_space<hbm>> -> memref<1000x32xf32, #tpu.memory_space<hbm>>
      %dma_wait3A_55 = arith.constant 0 : i32
      %dma_wait3A_56 = tpu.memref_slice %arg4[%add3A_42, %dma_wait3A_55] : memref<160000x32xf32, #tpu.memory_space<hbm>> -> memref<1000x32xf32, #tpu.memory_space<hbm>>
      tpu.wait_dma2 semaphore(%run_scoped3A : memref<!tpu.dma_semaphore, #tpu.memory_space<semaphore_mem>>) src(%arg6 : memref<1000x32xf32, #tpu.memory_space<vmem>>) dst(%dma_wait3A_56 : memref<1000x32xf32, #tpu.memory_space<hbm>>)
      tpu.yield
    }) : () -> ()
    return
  }
}

module attributes {stable_mosaic.version = 14 : i64} {
  func.func @_lstm_body(%arg0: i32, %arg1: memref<200x16x128xf32, #tpu.memory_space<vmem>>, %arg2: memref<200x128xf32, #tpu.memory_space<vmem>>, %arg3: memref<128x512xf32, #tpu.memory_space<vmem>>, %arg4: memref<128x512xf32, #tpu.memory_space<vmem>>, %arg5: memref<1x512xf32, #tpu.memory_space<vmem>>, %arg6: memref<128x32xf32, #tpu.memory_space<vmem>>, %arg7: memref<128x32xf32, #tpu.memory_space<vmem>>, %arg8: memref<1x32xf32, #tpu.memory_space<vmem>>, %arg9: memref<200x32xf32, #tpu.memory_space<vmem>>) attributes {dimension_semantics = [#tpu.dimension_semantics<arbitrary>], iteration_bounds = array<i64: 50>, scalar_prefetch = 0 : i64, scratch_operands = 0 : i64, tpu.core_type = #tpu.core_type<tc>, window_params = [{transform_indices = @transform_0, window_bounds = array<i64: 200, 16, 128>}, {transform_indices = @transform_1, window_bounds = array<i64: 200, 128>}, {pipeline_mode = #tpu.pipeline_mode<synchronous>, transform_indices = @transform_2, window_bounds = array<i64: 128, 512>}, {pipeline_mode = #tpu.pipeline_mode<synchronous>, transform_indices = @transform_3, window_bounds = array<i64: 128, 512>}, {pipeline_mode = #tpu.pipeline_mode<synchronous>, transform_indices = @transform_4, window_bounds = array<i64: 1, 512>}, {pipeline_mode = #tpu.pipeline_mode<synchronous>, transform_indices = @transform_5, window_bounds = array<i64: 128, 32>}, {pipeline_mode = #tpu.pipeline_mode<synchronous>, transform_indices = @transform_6, window_bounds = array<i64: 128, 32>}, {pipeline_mode = #tpu.pipeline_mode<synchronous>, transform_indices = @transform_7, window_bounds = array<i64: 1, 32>}, {transform_indices = @transform_8, window_bounds = array<i64: 200, 32>}]} {
    %get3A = arith.constant 0 : index
    %get3A_0 = arith.constant 0 : index
    %get3A_1 = vector.load %arg3[%get3A, %get3A_0] : memref<128x512xf32, #tpu.memory_space<vmem>>, vector<128x512xf32>
    %get3A_2 = arith.constant 0 : index
    %get3A_3 = arith.constant 0 : index
    %get3A_4 = vector.load %arg4[%get3A_2, %get3A_3] : memref<128x512xf32, #tpu.memory_space<vmem>>, vector<128x512xf32>
    %get3A_5 = arith.constant 0 : index
    %get3A_6 = arith.constant 0 : index
    %get3A_7 = vector.load %arg5[%get3A_5, %get3A_6] : memref<1x512xf32, #tpu.memory_space<vmem>>, vector<1x512xf32>
    %broadcast_in_dim3A = arith.constant 0.000000e+00 : f32
    %broadcast_in_dim3A_8 = vector.broadcast %broadcast_in_dim3A : f32 to vector<200x128xf32>
    %broadcast_in_dim3A_9 = arith.constant 0.000000e+00 : f32
    %broadcast_in_dim3A_10 = vector.broadcast %broadcast_in_dim3A_9 : f32 to vector<200x128xf32>
    %get3A_11 = arith.constant 0 : index
    %get3A_12 = arith.constant 0 : index
    %get3A_13 = arith.constant 0 : index
    %get3A_14 = vector.load %arg1[%get3A_11, %get3A_12, %get3A_13] : memref<200x16x128xf32, #tpu.memory_space<vmem>>, vector<200x1x128xf32>
    %get3A_15 = vector.shape_cast %get3A_14 : vector<200x1x128xf32> to vector<200x128xf32>
    %dot_general3A = arith.constant dense<0.000000e+00> : vector<200x512xf32>
    %dot_general3A_16 = tpu.matmul %get3A_15, %get3A_1, %dot_general3A {dimension_numbers = #tpu.dot_dimension_numbers<[1], [0], [0], [1], [0, 0, 1, 1], [], []>, transpose_lhs_hint = false} : vector<200x128xf32>, vector<128x512xf32>, vector<200x512xf32> -> vector<200x512xf32>
    %dot_general3A_17 = arith.constant dense<0.000000e+00> : vector<200x512xf32>
    %dot_general3A_18 = tpu.matmul %broadcast_in_dim3A_8, %get3A_4, %dot_general3A_17 {dimension_numbers = #tpu.dot_dimension_numbers<[1], [0], [0], [1], [0, 0, 1, 1], [], []>, transpose_lhs_hint = false} : vector<200x128xf32>, vector<128x512xf32>, vector<200x512xf32> -> vector<200x512xf32>
    %add3A = arith.addf %dot_general3A_16, %dot_general3A_18 : vector<200x512xf32>
    %add3A_19 = vector.broadcast %get3A_7 : vector<1x512xf32> to vector<200x512xf32>
    %add3A_20 = arith.addf %add3A, %add3A_19 : vector<200x512xf32>
    %slice3A = vector.extract_strided_slice %add3A_20 {offsets = [0, 0], sizes = [200, 128], strides = [1, 1]} : vector<200x512xf32> to vector<200x128xf32>
    %logistic3A = arith.negf %slice3A : vector<200x128xf32>
    %logistic3A_21 = math.exp %logistic3A : vector<200x128xf32>
    %logistic3A_22 = arith.constant 1.000000e+00 : f32
    %logistic3A_23 = vector.broadcast %logistic3A_22 : f32 to vector<200x128xf32>
    %logistic3A_24 = arith.addf %logistic3A_23, %logistic3A_21 : vector<200x128xf32>
    %logistic3A_25 = arith.divf %logistic3A_23, %logistic3A_24 : vector<200x128xf32>
    %slice3A_26 = vector.extract_strided_slice %add3A_20 {offsets = [0, 128], sizes = [200, 128], strides = [1, 1]} : vector<200x512xf32> to vector<200x128xf32>
    %logistic3A_27 = arith.negf %slice3A_26 : vector<200x128xf32>
    %logistic3A_28 = math.exp %logistic3A_27 : vector<200x128xf32>
    %logistic3A_29 = arith.constant 1.000000e+00 : f32
    %logistic3A_30 = vector.broadcast %logistic3A_29 : f32 to vector<200x128xf32>
    %logistic3A_31 = arith.addf %logistic3A_30, %logistic3A_28 : vector<200x128xf32>
    %logistic3A_32 = arith.divf %logistic3A_30, %logistic3A_31 : vector<200x128xf32>
    %slice3A_33 = vector.extract_strided_slice %add3A_20 {offsets = [0, 256], sizes = [200, 128], strides = [1, 1]} : vector<200x512xf32> to vector<200x128xf32>
    %tanh3A = math.tanh %slice3A_33 : vector<200x128xf32>
    %slice3A_34 = vector.extract_strided_slice %add3A_20 {offsets = [0, 384], sizes = [200, 128], strides = [1, 1]} : vector<200x512xf32> to vector<200x128xf32>
    %logistic3A_35 = arith.negf %slice3A_34 : vector<200x128xf32>
    %logistic3A_36 = math.exp %logistic3A_35 : vector<200x128xf32>
    %logistic3A_37 = arith.constant 1.000000e+00 : f32
    %logistic3A_38 = vector.broadcast %logistic3A_37 : f32 to vector<200x128xf32>
    %logistic3A_39 = arith.addf %logistic3A_38, %logistic3A_36 : vector<200x128xf32>
    %logistic3A_40 = arith.divf %logistic3A_38, %logistic3A_39 : vector<200x128xf32>
    %mul3A = arith.mulf %logistic3A_32, %broadcast_in_dim3A_10 : vector<200x128xf32>
    %mul3A_41 = arith.mulf %logistic3A_25, %tanh3A : vector<200x128xf32>
    %add3A_42 = arith.addf %mul3A, %mul3A_41 : vector<200x128xf32>
    %tanh3A_43 = math.tanh %add3A_42 : vector<200x128xf32>
    %mul3A_44 = arith.mulf %logistic3A_40, %tanh3A_43 : vector<200x128xf32>
    %get3A_45 = arith.constant 0 : index
    %get3A_46 = arith.constant 1 : index
    %get3A_47 = arith.constant 0 : index
    %get3A_48 = vector.load %arg1[%get3A_45, %get3A_46, %get3A_47] : memref<200x16x128xf32, #tpu.memory_space<vmem>>, vector<200x1x128xf32>
    %get3A_49 = vector.shape_cast %get3A_48 : vector<200x1x128xf32> to vector<200x128xf32>
    %dot_general3A_50 = arith.constant dense<0.000000e+00> : vector<200x512xf32>
    %dot_general3A_51 = tpu.matmul %get3A_49, %get3A_1, %dot_general3A_50 {dimension_numbers = #tpu.dot_dimension_numbers<[1], [0], [0], [1], [0, 0, 1, 1], [], []>, transpose_lhs_hint = false} : vector<200x128xf32>, vector<128x512xf32>, vector<200x512xf32> -> vector<200x512xf32>
    %dot_general3A_52 = arith.constant dense<0.000000e+00> : vector<200x512xf32>
    %dot_general3A_53 = tpu.matmul %mul3A_44, %get3A_4, %dot_general3A_52 {dimension_numbers = #tpu.dot_dimension_numbers<[1], [0], [0], [1], [0, 0, 1, 1], [], []>, transpose_lhs_hint = false} : vector<200x128xf32>, vector<128x512xf32>, vector<200x512xf32> -> vector<200x512xf32>
    %add3A_54 = arith.addf %dot_general3A_51, %dot_general3A_53 : vector<200x512xf32>
    %add3A_55 = vector.broadcast %get3A_7 : vector<1x512xf32> to vector<200x512xf32>
    %add3A_56 = arith.addf %add3A_54, %add3A_55 : vector<200x512xf32>
    %slice3A_57 = vector.extract_strided_slice %add3A_56 {offsets = [0, 0], sizes = [200, 128], strides = [1, 1]} : vector<200x512xf32> to vector<200x128xf32>
    %logistic3A_58 = arith.negf %slice3A_57 : vector<200x128xf32>
    %logistic3A_59 = math.exp %logistic3A_58 : vector<200x128xf32>
    %logistic3A_60 = arith.constant 1.000000e+00 : f32
    %logistic3A_61 = vector.broadcast %logistic3A_60 : f32 to vector<200x128xf32>
    %logistic3A_62 = arith.addf %logistic3A_61, %logistic3A_59 : vector<200x128xf32>
    %logistic3A_63 = arith.divf %logistic3A_61, %logistic3A_62 : vector<200x128xf32>
    %slice3A_64 = vector.extract_strided_slice %add3A_56 {offsets = [0, 128], sizes = [200, 128], strides = [1, 1]} : vector<200x512xf32> to vector<200x128xf32>
    %logistic3A_65 = arith.negf %slice3A_64 : vector<200x128xf32>
    %logistic3A_66 = math.exp %logistic3A_65 : vector<200x128xf32>
    %logistic3A_67 = arith.constant 1.000000e+00 : f32
    %logistic3A_68 = vector.broadcast %logistic3A_67 : f32 to vector<200x128xf32>
    %logistic3A_69 = arith.addf %logistic3A_68, %logistic3A_66 : vector<200x128xf32>
    %logistic3A_70 = arith.divf %logistic3A_68, %logistic3A_69 : vector<200x128xf32>
    %slice3A_71 = vector.extract_strided_slice %add3A_56 {offsets = [0, 256], sizes = [200, 128], strides = [1, 1]} : vector<200x512xf32> to vector<200x128xf32>
    %tanh3A_72 = math.tanh %slice3A_71 : vector<200x128xf32>
    %slice3A_73 = vector.extract_strided_slice %add3A_56 {offsets = [0, 384], sizes = [200, 128], strides = [1, 1]} : vector<200x512xf32> to vector<200x128xf32>
    %logistic3A_74 = arith.negf %slice3A_73 : vector<200x128xf32>
    %logistic3A_75 = math.exp %logistic3A_74 : vector<200x128xf32>
    %logistic3A_76 = arith.constant 1.000000e+00 : f32
    %logistic3A_77 = vector.broadcast %logistic3A_76 : f32 to vector<200x128xf32>
    %logistic3A_78 = arith.addf %logistic3A_77, %logistic3A_75 : vector<200x128xf32>
    %logistic3A_79 = arith.divf %logistic3A_77, %logistic3A_78 : vector<200x128xf32>
    %mul3A_80 = arith.mulf %logistic3A_70, %add3A_42 : vector<200x128xf32>
    %mul3A_81 = arith.mulf %logistic3A_63, %tanh3A_72 : vector<200x128xf32>
    %add3A_82 = arith.addf %mul3A_80, %mul3A_81 : vector<200x128xf32>
    %tanh3A_83 = math.tanh %add3A_82 : vector<200x128xf32>
    %mul3A_84 = arith.mulf %logistic3A_79, %tanh3A_83 : vector<200x128xf32>
    %get3A_85 = arith.constant 0 : index
    %get3A_86 = arith.constant 2 : index
    %get3A_87 = arith.constant 0 : index
    %get3A_88 = vector.load %arg1[%get3A_85, %get3A_86, %get3A_87] : memref<200x16x128xf32, #tpu.memory_space<vmem>>, vector<200x1x128xf32>
    %get3A_89 = vector.shape_cast %get3A_88 : vector<200x1x128xf32> to vector<200x128xf32>
    %dot_general3A_90 = arith.constant dense<0.000000e+00> : vector<200x512xf32>
    %dot_general3A_91 = tpu.matmul %get3A_89, %get3A_1, %dot_general3A_90 {dimension_numbers = #tpu.dot_dimension_numbers<[1], [0], [0], [1], [0, 0, 1, 1], [], []>, transpose_lhs_hint = false} : vector<200x128xf32>, vector<128x512xf32>, vector<200x512xf32> -> vector<200x512xf32>
    %dot_general3A_92 = arith.constant dense<0.000000e+00> : vector<200x512xf32>
    %dot_general3A_93 = tpu.matmul %mul3A_84, %get3A_4, %dot_general3A_92 {dimension_numbers = #tpu.dot_dimension_numbers<[1], [0], [0], [1], [0, 0, 1, 1], [], []>, transpose_lhs_hint = false} : vector<200x128xf32>, vector<128x512xf32>, vector<200x512xf32> -> vector<200x512xf32>
    %add3A_94 = arith.addf %dot_general3A_91, %dot_general3A_93 : vector<200x512xf32>
    %add3A_95 = vector.broadcast %get3A_7 : vector<1x512xf32> to vector<200x512xf32>
    %add3A_96 = arith.addf %add3A_94, %add3A_95 : vector<200x512xf32>
    %slice3A_97 = vector.extract_strided_slice %add3A_96 {offsets = [0, 0], sizes = [200, 128], strides = [1, 1]} : vector<200x512xf32> to vector<200x128xf32>
    %logistic3A_98 = arith.negf %slice3A_97 : vector<200x128xf32>
    %logistic3A_99 = math.exp %logistic3A_98 : vector<200x128xf32>
    %logistic3A_100 = arith.constant 1.000000e+00 : f32
    %logistic3A_101 = vector.broadcast %logistic3A_100 : f32 to vector<200x128xf32>
    %logistic3A_102 = arith.addf %logistic3A_101, %logistic3A_99 : vector<200x128xf32>
    %logistic3A_103 = arith.divf %logistic3A_101, %logistic3A_102 : vector<200x128xf32>
    %slice3A_104 = vector.extract_strided_slice %add3A_96 {offsets = [0, 128], sizes = [200, 128], strides = [1, 1]} : vector<200x512xf32> to vector<200x128xf32>
    %logistic3A_105 = arith.negf %slice3A_104 : vector<200x128xf32>
    %logistic3A_106 = math.exp %logistic3A_105 : vector<200x128xf32>
    %logistic3A_107 = arith.constant 1.000000e+00 : f32
    %logistic3A_108 = vector.broadcast %logistic3A_107 : f32 to vector<200x128xf32>
    %logistic3A_109 = arith.addf %logistic3A_108, %logistic3A_106 : vector<200x128xf32>
    %logistic3A_110 = arith.divf %logistic3A_108, %logistic3A_109 : vector<200x128xf32>
    %slice3A_111 = vector.extract_strided_slice %add3A_96 {offsets = [0, 256], sizes = [200, 128], strides = [1, 1]} : vector<200x512xf32> to vector<200x128xf32>
    %tanh3A_112 = math.tanh %slice3A_111 : vector<200x128xf32>
    %slice3A_113 = vector.extract_strided_slice %add3A_96 {offsets = [0, 384], sizes = [200, 128], strides = [1, 1]} : vector<200x512xf32> to vector<200x128xf32>
    %logistic3A_114 = arith.negf %slice3A_113 : vector<200x128xf32>
    %logistic3A_115 = math.exp %logistic3A_114 : vector<200x128xf32>
    %logistic3A_116 = arith.constant 1.000000e+00 : f32
    %logistic3A_117 = vector.broadcast %logistic3A_116 : f32 to vector<200x128xf32>
    %logistic3A_118 = arith.addf %logistic3A_117, %logistic3A_115 : vector<200x128xf32>
    %logistic3A_119 = arith.divf %logistic3A_117, %logistic3A_118 : vector<200x128xf32>
    %mul3A_120 = arith.mulf %logistic3A_110, %add3A_82 : vector<200x128xf32>
    %mul3A_121 = arith.mulf %logistic3A_103, %tanh3A_112 : vector<200x128xf32>
    %add3A_122 = arith.addf %mul3A_120, %mul3A_121 : vector<200x128xf32>
    %tanh3A_123 = math.tanh %add3A_122 : vector<200x128xf32>
    %mul3A_124 = arith.mulf %logistic3A_119, %tanh3A_123 : vector<200x128xf32>
    %get3A_125 = arith.constant 0 : index
    %get3A_126 = arith.constant 3 : index
    %get3A_127 = arith.constant 0 : index
    %get3A_128 = vector.load %arg1[%get3A_125, %get3A_126, %get3A_127] : memref<200x16x128xf32, #tpu.memory_space<vmem>>, vector<200x1x128xf32>
    %get3A_129 = vector.shape_cast %get3A_128 : vector<200x1x128xf32> to vector<200x128xf32>
    %dot_general3A_130 = arith.constant dense<0.000000e+00> : vector<200x512xf32>
    %dot_general3A_131 = tpu.matmul %get3A_129, %get3A_1, %dot_general3A_130 {dimension_numbers = #tpu.dot_dimension_numbers<[1], [0], [0], [1], [0, 0, 1, 1], [], []>, transpose_lhs_hint = false} : vector<200x128xf32>, vector<128x512xf32>, vector<200x512xf32> -> vector<200x512xf32>
    %dot_general3A_132 = arith.constant dense<0.000000e+00> : vector<200x512xf32>
    %dot_general3A_133 = tpu.matmul %mul3A_124, %get3A_4, %dot_general3A_132 {dimension_numbers = #tpu.dot_dimension_numbers<[1], [0], [0], [1], [0, 0, 1, 1], [], []>, transpose_lhs_hint = false} : vector<200x128xf32>, vector<128x512xf32>, vector<200x512xf32> -> vector<200x512xf32>
    %add3A_134 = arith.addf %dot_general3A_131, %dot_general3A_133 : vector<200x512xf32>
    %add3A_135 = vector.broadcast %get3A_7 : vector<1x512xf32> to vector<200x512xf32>
    %add3A_136 = arith.addf %add3A_134, %add3A_135 : vector<200x512xf32>
    %slice3A_137 = vector.extract_strided_slice %add3A_136 {offsets = [0, 0], sizes = [200, 128], strides = [1, 1]} : vector<200x512xf32> to vector<200x128xf32>
    %logistic3A_138 = arith.negf %slice3A_137 : vector<200x128xf32>
    %logistic3A_139 = math.exp %logistic3A_138 : vector<200x128xf32>
    %logistic3A_140 = arith.constant 1.000000e+00 : f32
    %logistic3A_141 = vector.broadcast %logistic3A_140 : f32 to vector<200x128xf32>
    %logistic3A_142 = arith.addf %logistic3A_141, %logistic3A_139 : vector<200x128xf32>
    %logistic3A_143 = arith.divf %logistic3A_141, %logistic3A_142 : vector<200x128xf32>
    %slice3A_144 = vector.extract_strided_slice %add3A_136 {offsets = [0, 128], sizes = [200, 128], strides = [1, 1]} : vector<200x512xf32> to vector<200x128xf32>
    %logistic3A_145 = arith.negf %slice3A_144 : vector<200x128xf32>
    %logistic3A_146 = math.exp %logistic3A_145 : vector<200x128xf32>
    %logistic3A_147 = arith.constant 1.000000e+00 : f32
    %logistic3A_148 = vector.broadcast %logistic3A_147 : f32 to vector<200x128xf32>
    %logistic3A_149 = arith.addf %logistic3A_148, %logistic3A_146 : vector<200x128xf32>
    %logistic3A_150 = arith.divf %logistic3A_148, %logistic3A_149 : vector<200x128xf32>
    %slice3A_151 = vector.extract_strided_slice %add3A_136 {offsets = [0, 256], sizes = [200, 128], strides = [1, 1]} : vector<200x512xf32> to vector<200x128xf32>
    %tanh3A_152 = math.tanh %slice3A_151 : vector<200x128xf32>
    %slice3A_153 = vector.extract_strided_slice %add3A_136 {offsets = [0, 384], sizes = [200, 128], strides = [1, 1]} : vector<200x512xf32> to vector<200x128xf32>
    %logistic3A_154 = arith.negf %slice3A_153 : vector<200x128xf32>
    %logistic3A_155 = math.exp %logistic3A_154 : vector<200x128xf32>
    %logistic3A_156 = arith.constant 1.000000e+00 : f32
    %logistic3A_157 = vector.broadcast %logistic3A_156 : f32 to vector<200x128xf32>
    %logistic3A_158 = arith.addf %logistic3A_157, %logistic3A_155 : vector<200x128xf32>
    %logistic3A_159 = arith.divf %logistic3A_157, %logistic3A_158 : vector<200x128xf32>
    %mul3A_160 = arith.mulf %logistic3A_150, %add3A_122 : vector<200x128xf32>
    %mul3A_161 = arith.mulf %logistic3A_143, %tanh3A_152 : vector<200x128xf32>
    %add3A_162 = arith.addf %mul3A_160, %mul3A_161 : vector<200x128xf32>
    %tanh3A_163 = math.tanh %add3A_162 : vector<200x128xf32>
    %mul3A_164 = arith.mulf %logistic3A_159, %tanh3A_163 : vector<200x128xf32>
    %get3A_165 = arith.constant 0 : index
    %get3A_166 = arith.constant 4 : index
    %get3A_167 = arith.constant 0 : index
    %get3A_168 = vector.load %arg1[%get3A_165, %get3A_166, %get3A_167] : memref<200x16x128xf32, #tpu.memory_space<vmem>>, vector<200x1x128xf32>
    %get3A_169 = vector.shape_cast %get3A_168 : vector<200x1x128xf32> to vector<200x128xf32>
    %dot_general3A_170 = arith.constant dense<0.000000e+00> : vector<200x512xf32>
    %dot_general3A_171 = tpu.matmul %get3A_169, %get3A_1, %dot_general3A_170 {dimension_numbers = #tpu.dot_dimension_numbers<[1], [0], [0], [1], [0, 0, 1, 1], [], []>, transpose_lhs_hint = false} : vector<200x128xf32>, vector<128x512xf32>, vector<200x512xf32> -> vector<200x512xf32>
    %dot_general3A_172 = arith.constant dense<0.000000e+00> : vector<200x512xf32>
    %dot_general3A_173 = tpu.matmul %mul3A_164, %get3A_4, %dot_general3A_172 {dimension_numbers = #tpu.dot_dimension_numbers<[1], [0], [0], [1], [0, 0, 1, 1], [], []>, transpose_lhs_hint = false} : vector<200x128xf32>, vector<128x512xf32>, vector<200x512xf32> -> vector<200x512xf32>
    %add3A_174 = arith.addf %dot_general3A_171, %dot_general3A_173 : vector<200x512xf32>
    %add3A_175 = vector.broadcast %get3A_7 : vector<1x512xf32> to vector<200x512xf32>
    %add3A_176 = arith.addf %add3A_174, %add3A_175 : vector<200x512xf32>
    %slice3A_177 = vector.extract_strided_slice %add3A_176 {offsets = [0, 0], sizes = [200, 128], strides = [1, 1]} : vector<200x512xf32> to vector<200x128xf32>
    %logistic3A_178 = arith.negf %slice3A_177 : vector<200x128xf32>
    %logistic3A_179 = math.exp %logistic3A_178 : vector<200x128xf32>
    %logistic3A_180 = arith.constant 1.000000e+00 : f32
    %logistic3A_181 = vector.broadcast %logistic3A_180 : f32 to vector<200x128xf32>
    %logistic3A_182 = arith.addf %logistic3A_181, %logistic3A_179 : vector<200x128xf32>
    %logistic3A_183 = arith.divf %logistic3A_181, %logistic3A_182 : vector<200x128xf32>
    %slice3A_184 = vector.extract_strided_slice %add3A_176 {offsets = [0, 128], sizes = [200, 128], strides = [1, 1]} : vector<200x512xf32> to vector<200x128xf32>
    %logistic3A_185 = arith.negf %slice3A_184 : vector<200x128xf32>
    %logistic3A_186 = math.exp %logistic3A_185 : vector<200x128xf32>
    %logistic3A_187 = arith.constant 1.000000e+00 : f32
    %logistic3A_188 = vector.broadcast %logistic3A_187 : f32 to vector<200x128xf32>
    %logistic3A_189 = arith.addf %logistic3A_188, %logistic3A_186 : vector<200x128xf32>
    %logistic3A_190 = arith.divf %logistic3A_188, %logistic3A_189 : vector<200x128xf32>
    %slice3A_191 = vector.extract_strided_slice %add3A_176 {offsets = [0, 256], sizes = [200, 128], strides = [1, 1]} : vector<200x512xf32> to vector<200x128xf32>
    %tanh3A_192 = math.tanh %slice3A_191 : vector<200x128xf32>
    %slice3A_193 = vector.extract_strided_slice %add3A_176 {offsets = [0, 384], sizes = [200, 128], strides = [1, 1]} : vector<200x512xf32> to vector<200x128xf32>
    %logistic3A_194 = arith.negf %slice3A_193 : vector<200x128xf32>
    %logistic3A_195 = math.exp %logistic3A_194 : vector<200x128xf32>
    %logistic3A_196 = arith.constant 1.000000e+00 : f32
    %logistic3A_197 = vector.broadcast %logistic3A_196 : f32 to vector<200x128xf32>
    %logistic3A_198 = arith.addf %logistic3A_197, %logistic3A_195 : vector<200x128xf32>
    %logistic3A_199 = arith.divf %logistic3A_197, %logistic3A_198 : vector<200x128xf32>
    %mul3A_200 = arith.mulf %logistic3A_190, %add3A_162 : vector<200x128xf32>
    %mul3A_201 = arith.mulf %logistic3A_183, %tanh3A_192 : vector<200x128xf32>
    %add3A_202 = arith.addf %mul3A_200, %mul3A_201 : vector<200x128xf32>
    %tanh3A_203 = math.tanh %add3A_202 : vector<200x128xf32>
    %mul3A_204 = arith.mulf %logistic3A_199, %tanh3A_203 : vector<200x128xf32>
    %get3A_205 = arith.constant 0 : index
    %get3A_206 = arith.constant 5 : index
    %get3A_207 = arith.constant 0 : index
    %get3A_208 = vector.load %arg1[%get3A_205, %get3A_206, %get3A_207] : memref<200x16x128xf32, #tpu.memory_space<vmem>>, vector<200x1x128xf32>
    %get3A_209 = vector.shape_cast %get3A_208 : vector<200x1x128xf32> to vector<200x128xf32>
    %dot_general3A_210 = arith.constant dense<0.000000e+00> : vector<200x512xf32>
    %dot_general3A_211 = tpu.matmul %get3A_209, %get3A_1, %dot_general3A_210 {dimension_numbers = #tpu.dot_dimension_numbers<[1], [0], [0], [1], [0, 0, 1, 1], [], []>, transpose_lhs_hint = false} : vector<200x128xf32>, vector<128x512xf32>, vector<200x512xf32> -> vector<200x512xf32>
    %dot_general3A_212 = arith.constant dense<0.000000e+00> : vector<200x512xf32>
    %dot_general3A_213 = tpu.matmul %mul3A_204, %get3A_4, %dot_general3A_212 {dimension_numbers = #tpu.dot_dimension_numbers<[1], [0], [0], [1], [0, 0, 1, 1], [], []>, transpose_lhs_hint = false} : vector<200x128xf32>, vector<128x512xf32>, vector<200x512xf32> -> vector<200x512xf32>
    %add3A_214 = arith.addf %dot_general3A_211, %dot_general3A_213 : vector<200x512xf32>
    %add3A_215 = vector.broadcast %get3A_7 : vector<1x512xf32> to vector<200x512xf32>
    %add3A_216 = arith.addf %add3A_214, %add3A_215 : vector<200x512xf32>
    %slice3A_217 = vector.extract_strided_slice %add3A_216 {offsets = [0, 0], sizes = [200, 128], strides = [1, 1]} : vector<200x512xf32> to vector<200x128xf32>
    %logistic3A_218 = arith.negf %slice3A_217 : vector<200x128xf32>
    %logistic3A_219 = math.exp %logistic3A_218 : vector<200x128xf32>
    %logistic3A_220 = arith.constant 1.000000e+00 : f32
    %logistic3A_221 = vector.broadcast %logistic3A_220 : f32 to vector<200x128xf32>
    %logistic3A_222 = arith.addf %logistic3A_221, %logistic3A_219 : vector<200x128xf32>
    %logistic3A_223 = arith.divf %logistic3A_221, %logistic3A_222 : vector<200x128xf32>
    %slice3A_224 = vector.extract_strided_slice %add3A_216 {offsets = [0, 128], sizes = [200, 128], strides = [1, 1]} : vector<200x512xf32> to vector<200x128xf32>
    %logistic3A_225 = arith.negf %slice3A_224 : vector<200x128xf32>
    %logistic3A_226 = math.exp %logistic3A_225 : vector<200x128xf32>
    %logistic3A_227 = arith.constant 1.000000e+00 : f32
    %logistic3A_228 = vector.broadcast %logistic3A_227 : f32 to vector<200x128xf32>
    %logistic3A_229 = arith.addf %logistic3A_228, %logistic3A_226 : vector<200x128xf32>
    %logistic3A_230 = arith.divf %logistic3A_228, %logistic3A_229 : vector<200x128xf32>
    %slice3A_231 = vector.extract_strided_slice %add3A_216 {offsets = [0, 256], sizes = [200, 128], strides = [1, 1]} : vector<200x512xf32> to vector<200x128xf32>
    %tanh3A_232 = math.tanh %slice3A_231 : vector<200x128xf32>
    %slice3A_233 = vector.extract_strided_slice %add3A_216 {offsets = [0, 384], sizes = [200, 128], strides = [1, 1]} : vector<200x512xf32> to vector<200x128xf32>
    %logistic3A_234 = arith.negf %slice3A_233 : vector<200x128xf32>
    %logistic3A_235 = math.exp %logistic3A_234 : vector<200x128xf32>
    %logistic3A_236 = arith.constant 1.000000e+00 : f32
    %logistic3A_237 = vector.broadcast %logistic3A_236 : f32 to vector<200x128xf32>
    %logistic3A_238 = arith.addf %logistic3A_237, %logistic3A_235 : vector<200x128xf32>
    %logistic3A_239 = arith.divf %logistic3A_237, %logistic3A_238 : vector<200x128xf32>
    %mul3A_240 = arith.mulf %logistic3A_230, %add3A_202 : vector<200x128xf32>
    %mul3A_241 = arith.mulf %logistic3A_223, %tanh3A_232 : vector<200x128xf32>
    %add3A_242 = arith.addf %mul3A_240, %mul3A_241 : vector<200x128xf32>
    %tanh3A_243 = math.tanh %add3A_242 : vector<200x128xf32>
    %mul3A_244 = arith.mulf %logistic3A_239, %tanh3A_243 : vector<200x128xf32>
    %get3A_245 = arith.constant 0 : index
    %get3A_246 = arith.constant 6 : index
    %get3A_247 = arith.constant 0 : index
    %get3A_248 = vector.load %arg1[%get3A_245, %get3A_246, %get3A_247] : memref<200x16x128xf32, #tpu.memory_space<vmem>>, vector<200x1x128xf32>
    %get3A_249 = vector.shape_cast %get3A_248 : vector<200x1x128xf32> to vector<200x128xf32>
    %dot_general3A_250 = arith.constant dense<0.000000e+00> : vector<200x512xf32>
    %dot_general3A_251 = tpu.matmul %get3A_249, %get3A_1, %dot_general3A_250 {dimension_numbers = #tpu.dot_dimension_numbers<[1], [0], [0], [1], [0, 0, 1, 1], [], []>, transpose_lhs_hint = false} : vector<200x128xf32>, vector<128x512xf32>, vector<200x512xf32> -> vector<200x512xf32>
    %dot_general3A_252 = arith.constant dense<0.000000e+00> : vector<200x512xf32>
    %dot_general3A_253 = tpu.matmul %mul3A_244, %get3A_4, %dot_general3A_252 {dimension_numbers = #tpu.dot_dimension_numbers<[1], [0], [0], [1], [0, 0, 1, 1], [], []>, transpose_lhs_hint = false} : vector<200x128xf32>, vector<128x512xf32>, vector<200x512xf32> -> vector<200x512xf32>
    %add3A_254 = arith.addf %dot_general3A_251, %dot_general3A_253 : vector<200x512xf32>
    %add3A_255 = vector.broadcast %get3A_7 : vector<1x512xf32> to vector<200x512xf32>
    %add3A_256 = arith.addf %add3A_254, %add3A_255 : vector<200x512xf32>
    %slice3A_257 = vector.extract_strided_slice %add3A_256 {offsets = [0, 0], sizes = [200, 128], strides = [1, 1]} : vector<200x512xf32> to vector<200x128xf32>
    %logistic3A_258 = arith.negf %slice3A_257 : vector<200x128xf32>
    %logistic3A_259 = math.exp %logistic3A_258 : vector<200x128xf32>
    %logistic3A_260 = arith.constant 1.000000e+00 : f32
    %logistic3A_261 = vector.broadcast %logistic3A_260 : f32 to vector<200x128xf32>
    %logistic3A_262 = arith.addf %logistic3A_261, %logistic3A_259 : vector<200x128xf32>
    %logistic3A_263 = arith.divf %logistic3A_261, %logistic3A_262 : vector<200x128xf32>
    %slice3A_264 = vector.extract_strided_slice %add3A_256 {offsets = [0, 128], sizes = [200, 128], strides = [1, 1]} : vector<200x512xf32> to vector<200x128xf32>
    %logistic3A_265 = arith.negf %slice3A_264 : vector<200x128xf32>
    %logistic3A_266 = math.exp %logistic3A_265 : vector<200x128xf32>
    %logistic3A_267 = arith.constant 1.000000e+00 : f32
    %logistic3A_268 = vector.broadcast %logistic3A_267 : f32 to vector<200x128xf32>
    %logistic3A_269 = arith.addf %logistic3A_268, %logistic3A_266 : vector<200x128xf32>
    %logistic3A_270 = arith.divf %logistic3A_268, %logistic3A_269 : vector<200x128xf32>
    %slice3A_271 = vector.extract_strided_slice %add3A_256 {offsets = [0, 256], sizes = [200, 128], strides = [1, 1]} : vector<200x512xf32> to vector<200x128xf32>
    %tanh3A_272 = math.tanh %slice3A_271 : vector<200x128xf32>
    %slice3A_273 = vector.extract_strided_slice %add3A_256 {offsets = [0, 384], sizes = [200, 128], strides = [1, 1]} : vector<200x512xf32> to vector<200x128xf32>
    %logistic3A_274 = arith.negf %slice3A_273 : vector<200x128xf32>
    %logistic3A_275 = math.exp %logistic3A_274 : vector<200x128xf32>
    %logistic3A_276 = arith.constant 1.000000e+00 : f32
    %logistic3A_277 = vector.broadcast %logistic3A_276 : f32 to vector<200x128xf32>
    %logistic3A_278 = arith.addf %logistic3A_277, %logistic3A_275 : vector<200x128xf32>
    %logistic3A_279 = arith.divf %logistic3A_277, %logistic3A_278 : vector<200x128xf32>
    %mul3A_280 = arith.mulf %logistic3A_270, %add3A_242 : vector<200x128xf32>
    %mul3A_281 = arith.mulf %logistic3A_263, %tanh3A_272 : vector<200x128xf32>
    %add3A_282 = arith.addf %mul3A_280, %mul3A_281 : vector<200x128xf32>
    %tanh3A_283 = math.tanh %add3A_282 : vector<200x128xf32>
    %mul3A_284 = arith.mulf %logistic3A_279, %tanh3A_283 : vector<200x128xf32>
    %get3A_285 = arith.constant 0 : index
    %get3A_286 = arith.constant 7 : index
    %get3A_287 = arith.constant 0 : index
    %get3A_288 = vector.load %arg1[%get3A_285, %get3A_286, %get3A_287] : memref<200x16x128xf32, #tpu.memory_space<vmem>>, vector<200x1x128xf32>
    %get3A_289 = vector.shape_cast %get3A_288 : vector<200x1x128xf32> to vector<200x128xf32>
    %dot_general3A_290 = arith.constant dense<0.000000e+00> : vector<200x512xf32>
    %dot_general3A_291 = tpu.matmul %get3A_289, %get3A_1, %dot_general3A_290 {dimension_numbers = #tpu.dot_dimension_numbers<[1], [0], [0], [1], [0, 0, 1, 1], [], []>, transpose_lhs_hint = false} : vector<200x128xf32>, vector<128x512xf32>, vector<200x512xf32> -> vector<200x512xf32>
    %dot_general3A_292 = arith.constant dense<0.000000e+00> : vector<200x512xf32>
    %dot_general3A_293 = tpu.matmul %mul3A_284, %get3A_4, %dot_general3A_292 {dimension_numbers = #tpu.dot_dimension_numbers<[1], [0], [0], [1], [0, 0, 1, 1], [], []>, transpose_lhs_hint = false} : vector<200x128xf32>, vector<128x512xf32>, vector<200x512xf32> -> vector<200x512xf32>
    %add3A_294 = arith.addf %dot_general3A_291, %dot_general3A_293 : vector<200x512xf32>
    %add3A_295 = vector.broadcast %get3A_7 : vector<1x512xf32> to vector<200x512xf32>
    %add3A_296 = arith.addf %add3A_294, %add3A_295 : vector<200x512xf32>
    %slice3A_297 = vector.extract_strided_slice %add3A_296 {offsets = [0, 0], sizes = [200, 128], strides = [1, 1]} : vector<200x512xf32> to vector<200x128xf32>
    %logistic3A_298 = arith.negf %slice3A_297 : vector<200x128xf32>
    %logistic3A_299 = math.exp %logistic3A_298 : vector<200x128xf32>
    %logistic3A_300 = arith.constant 1.000000e+00 : f32
    %logistic3A_301 = vector.broadcast %logistic3A_300 : f32 to vector<200x128xf32>
    %logistic3A_302 = arith.addf %logistic3A_301, %logistic3A_299 : vector<200x128xf32>
    %logistic3A_303 = arith.divf %logistic3A_301, %logistic3A_302 : vector<200x128xf32>
    %slice3A_304 = vector.extract_strided_slice %add3A_296 {offsets = [0, 128], sizes = [200, 128], strides = [1, 1]} : vector<200x512xf32> to vector<200x128xf32>
    %logistic3A_305 = arith.negf %slice3A_304 : vector<200x128xf32>
    %logistic3A_306 = math.exp %logistic3A_305 : vector<200x128xf32>
    %logistic3A_307 = arith.constant 1.000000e+00 : f32
    %logistic3A_308 = vector.broadcast %logistic3A_307 : f32 to vector<200x128xf32>
    %logistic3A_309 = arith.addf %logistic3A_308, %logistic3A_306 : vector<200x128xf32>
    %logistic3A_310 = arith.divf %logistic3A_308, %logistic3A_309 : vector<200x128xf32>
    %slice3A_311 = vector.extract_strided_slice %add3A_296 {offsets = [0, 256], sizes = [200, 128], strides = [1, 1]} : vector<200x512xf32> to vector<200x128xf32>
    %tanh3A_312 = math.tanh %slice3A_311 : vector<200x128xf32>
    %slice3A_313 = vector.extract_strided_slice %add3A_296 {offsets = [0, 384], sizes = [200, 128], strides = [1, 1]} : vector<200x512xf32> to vector<200x128xf32>
    %logistic3A_314 = arith.negf %slice3A_313 : vector<200x128xf32>
    %logistic3A_315 = math.exp %logistic3A_314 : vector<200x128xf32>
    %logistic3A_316 = arith.constant 1.000000e+00 : f32
    %logistic3A_317 = vector.broadcast %logistic3A_316 : f32 to vector<200x128xf32>
    %logistic3A_318 = arith.addf %logistic3A_317, %logistic3A_315 : vector<200x128xf32>
    %logistic3A_319 = arith.divf %logistic3A_317, %logistic3A_318 : vector<200x128xf32>
    %mul3A_320 = arith.mulf %logistic3A_310, %add3A_282 : vector<200x128xf32>
    %mul3A_321 = arith.mulf %logistic3A_303, %tanh3A_312 : vector<200x128xf32>
    %add3A_322 = arith.addf %mul3A_320, %mul3A_321 : vector<200x128xf32>
    %tanh3A_323 = math.tanh %add3A_322 : vector<200x128xf32>
    %mul3A_324 = arith.mulf %logistic3A_319, %tanh3A_323 : vector<200x128xf32>
    %get3A_325 = arith.constant 0 : index
    %get3A_326 = arith.constant 8 : index
    %get3A_327 = arith.constant 0 : index
    %get3A_328 = vector.load %arg1[%get3A_325, %get3A_326, %get3A_327] : memref<200x16x128xf32, #tpu.memory_space<vmem>>, vector<200x1x128xf32>
    %get3A_329 = vector.shape_cast %get3A_328 : vector<200x1x128xf32> to vector<200x128xf32>
    %dot_general3A_330 = arith.constant dense<0.000000e+00> : vector<200x512xf32>
    %dot_general3A_331 = tpu.matmul %get3A_329, %get3A_1, %dot_general3A_330 {dimension_numbers = #tpu.dot_dimension_numbers<[1], [0], [0], [1], [0, 0, 1, 1], [], []>, transpose_lhs_hint = false} : vector<200x128xf32>, vector<128x512xf32>, vector<200x512xf32> -> vector<200x512xf32>
    %dot_general3A_332 = arith.constant dense<0.000000e+00> : vector<200x512xf32>
    %dot_general3A_333 = tpu.matmul %mul3A_324, %get3A_4, %dot_general3A_332 {dimension_numbers = #tpu.dot_dimension_numbers<[1], [0], [0], [1], [0, 0, 1, 1], [], []>, transpose_lhs_hint = false} : vector<200x128xf32>, vector<128x512xf32>, vector<200x512xf32> -> vector<200x512xf32>
    %add3A_334 = arith.addf %dot_general3A_331, %dot_general3A_333 : vector<200x512xf32>
    %add3A_335 = vector.broadcast %get3A_7 : vector<1x512xf32> to vector<200x512xf32>
    %add3A_336 = arith.addf %add3A_334, %add3A_335 : vector<200x512xf32>
    %slice3A_337 = vector.extract_strided_slice %add3A_336 {offsets = [0, 0], sizes = [200, 128], strides = [1, 1]} : vector<200x512xf32> to vector<200x128xf32>
    %logistic3A_338 = arith.negf %slice3A_337 : vector<200x128xf32>
    %logistic3A_339 = math.exp %logistic3A_338 : vector<200x128xf32>
    %logistic3A_340 = arith.constant 1.000000e+00 : f32
    %logistic3A_341 = vector.broadcast %logistic3A_340 : f32 to vector<200x128xf32>
    %logistic3A_342 = arith.addf %logistic3A_341, %logistic3A_339 : vector<200x128xf32>
    %logistic3A_343 = arith.divf %logistic3A_341, %logistic3A_342 : vector<200x128xf32>
    %slice3A_344 = vector.extract_strided_slice %add3A_336 {offsets = [0, 128], sizes = [200, 128], strides = [1, 1]} : vector<200x512xf32> to vector<200x128xf32>
    %logistic3A_345 = arith.negf %slice3A_344 : vector<200x128xf32>
    %logistic3A_346 = math.exp %logistic3A_345 : vector<200x128xf32>
    %logistic3A_347 = arith.constant 1.000000e+00 : f32
    %logistic3A_348 = vector.broadcast %logistic3A_347 : f32 to vector<200x128xf32>
    %logistic3A_349 = arith.addf %logistic3A_348, %logistic3A_346 : vector<200x128xf32>
    %logistic3A_350 = arith.divf %logistic3A_348, %logistic3A_349 : vector<200x128xf32>
    %slice3A_351 = vector.extract_strided_slice %add3A_336 {offsets = [0, 256], sizes = [200, 128], strides = [1, 1]} : vector<200x512xf32> to vector<200x128xf32>
    %tanh3A_352 = math.tanh %slice3A_351 : vector<200x128xf32>
    %slice3A_353 = vector.extract_strided_slice %add3A_336 {offsets = [0, 384], sizes = [200, 128], strides = [1, 1]} : vector<200x512xf32> to vector<200x128xf32>
    %logistic3A_354 = arith.negf %slice3A_353 : vector<200x128xf32>
    %logistic3A_355 = math.exp %logistic3A_354 : vector<200x128xf32>
    %logistic3A_356 = arith.constant 1.000000e+00 : f32
    %logistic3A_357 = vector.broadcast %logistic3A_356 : f32 to vector<200x128xf32>
    %logistic3A_358 = arith.addf %logistic3A_357, %logistic3A_355 : vector<200x128xf32>
    %logistic3A_359 = arith.divf %logistic3A_357, %logistic3A_358 : vector<200x128xf32>
    %mul3A_360 = arith.mulf %logistic3A_350, %add3A_322 : vector<200x128xf32>
    %mul3A_361 = arith.mulf %logistic3A_343, %tanh3A_352 : vector<200x128xf32>
    %add3A_362 = arith.addf %mul3A_360, %mul3A_361 : vector<200x128xf32>
    %tanh3A_363 = math.tanh %add3A_362 : vector<200x128xf32>
    %mul3A_364 = arith.mulf %logistic3A_359, %tanh3A_363 : vector<200x128xf32>
    %get3A_365 = arith.constant 0 : index
    %get3A_366 = arith.constant 9 : index
    %get3A_367 = arith.constant 0 : index
    %get3A_368 = vector.load %arg1[%get3A_365, %get3A_366, %get3A_367] : memref<200x16x128xf32, #tpu.memory_space<vmem>>, vector<200x1x128xf32>
    %get3A_369 = vector.shape_cast %get3A_368 : vector<200x1x128xf32> to vector<200x128xf32>
    %dot_general3A_370 = arith.constant dense<0.000000e+00> : vector<200x512xf32>
    %dot_general3A_371 = tpu.matmul %get3A_369, %get3A_1, %dot_general3A_370 {dimension_numbers = #tpu.dot_dimension_numbers<[1], [0], [0], [1], [0, 0, 1, 1], [], []>, transpose_lhs_hint = false} : vector<200x128xf32>, vector<128x512xf32>, vector<200x512xf32> -> vector<200x512xf32>
    %dot_general3A_372 = arith.constant dense<0.000000e+00> : vector<200x512xf32>
    %dot_general3A_373 = tpu.matmul %mul3A_364, %get3A_4, %dot_general3A_372 {dimension_numbers = #tpu.dot_dimension_numbers<[1], [0], [0], [1], [0, 0, 1, 1], [], []>, transpose_lhs_hint = false} : vector<200x128xf32>, vector<128x512xf32>, vector<200x512xf32> -> vector<200x512xf32>
    %add3A_374 = arith.addf %dot_general3A_371, %dot_general3A_373 : vector<200x512xf32>
    %add3A_375 = vector.broadcast %get3A_7 : vector<1x512xf32> to vector<200x512xf32>
    %add3A_376 = arith.addf %add3A_374, %add3A_375 : vector<200x512xf32>
    %slice3A_377 = vector.extract_strided_slice %add3A_376 {offsets = [0, 0], sizes = [200, 128], strides = [1, 1]} : vector<200x512xf32> to vector<200x128xf32>
    %logistic3A_378 = arith.negf %slice3A_377 : vector<200x128xf32>
    %logistic3A_379 = math.exp %logistic3A_378 : vector<200x128xf32>
    %logistic3A_380 = arith.constant 1.000000e+00 : f32
    %logistic3A_381 = vector.broadcast %logistic3A_380 : f32 to vector<200x128xf32>
    %logistic3A_382 = arith.addf %logistic3A_381, %logistic3A_379 : vector<200x128xf32>
    %logistic3A_383 = arith.divf %logistic3A_381, %logistic3A_382 : vector<200x128xf32>
    %slice3A_384 = vector.extract_strided_slice %add3A_376 {offsets = [0, 128], sizes = [200, 128], strides = [1, 1]} : vector<200x512xf32> to vector<200x128xf32>
    %logistic3A_385 = arith.negf %slice3A_384 : vector<200x128xf32>
    %logistic3A_386 = math.exp %logistic3A_385 : vector<200x128xf32>
    %logistic3A_387 = arith.constant 1.000000e+00 : f32
    %logistic3A_388 = vector.broadcast %logistic3A_387 : f32 to vector<200x128xf32>
    %logistic3A_389 = arith.addf %logistic3A_388, %logistic3A_386 : vector<200x128xf32>
    %logistic3A_390 = arith.divf %logistic3A_388, %logistic3A_389 : vector<200x128xf32>
    %slice3A_391 = vector.extract_strided_slice %add3A_376 {offsets = [0, 256], sizes = [200, 128], strides = [1, 1]} : vector<200x512xf32> to vector<200x128xf32>
    %tanh3A_392 = math.tanh %slice3A_391 : vector<200x128xf32>
    %slice3A_393 = vector.extract_strided_slice %add3A_376 {offsets = [0, 384], sizes = [200, 128], strides = [1, 1]} : vector<200x512xf32> to vector<200x128xf32>
    %logistic3A_394 = arith.negf %slice3A_393 : vector<200x128xf32>
    %logistic3A_395 = math.exp %logistic3A_394 : vector<200x128xf32>
    %logistic3A_396 = arith.constant 1.000000e+00 : f32
    %logistic3A_397 = vector.broadcast %logistic3A_396 : f32 to vector<200x128xf32>
    %logistic3A_398 = arith.addf %logistic3A_397, %logistic3A_395 : vector<200x128xf32>
    %logistic3A_399 = arith.divf %logistic3A_397, %logistic3A_398 : vector<200x128xf32>
    %mul3A_400 = arith.mulf %logistic3A_390, %add3A_362 : vector<200x128xf32>
    %mul3A_401 = arith.mulf %logistic3A_383, %tanh3A_392 : vector<200x128xf32>
    %add3A_402 = arith.addf %mul3A_400, %mul3A_401 : vector<200x128xf32>
    %tanh3A_403 = math.tanh %add3A_402 : vector<200x128xf32>
    %mul3A_404 = arith.mulf %logistic3A_399, %tanh3A_403 : vector<200x128xf32>
    %get3A_405 = arith.constant 0 : index
    %get3A_406 = arith.constant 10 : index
    %get3A_407 = arith.constant 0 : index
    %get3A_408 = vector.load %arg1[%get3A_405, %get3A_406, %get3A_407] : memref<200x16x128xf32, #tpu.memory_space<vmem>>, vector<200x1x128xf32>
    %get3A_409 = vector.shape_cast %get3A_408 : vector<200x1x128xf32> to vector<200x128xf32>
    %dot_general3A_410 = arith.constant dense<0.000000e+00> : vector<200x512xf32>
    %dot_general3A_411 = tpu.matmul %get3A_409, %get3A_1, %dot_general3A_410 {dimension_numbers = #tpu.dot_dimension_numbers<[1], [0], [0], [1], [0, 0, 1, 1], [], []>, transpose_lhs_hint = false} : vector<200x128xf32>, vector<128x512xf32>, vector<200x512xf32> -> vector<200x512xf32>
    %dot_general3A_412 = arith.constant dense<0.000000e+00> : vector<200x512xf32>
    %dot_general3A_413 = tpu.matmul %mul3A_404, %get3A_4, %dot_general3A_412 {dimension_numbers = #tpu.dot_dimension_numbers<[1], [0], [0], [1], [0, 0, 1, 1], [], []>, transpose_lhs_hint = false} : vector<200x128xf32>, vector<128x512xf32>, vector<200x512xf32> -> vector<200x512xf32>
    %add3A_414 = arith.addf %dot_general3A_411, %dot_general3A_413 : vector<200x512xf32>
    %add3A_415 = vector.broadcast %get3A_7 : vector<1x512xf32> to vector<200x512xf32>
    %add3A_416 = arith.addf %add3A_414, %add3A_415 : vector<200x512xf32>
    %slice3A_417 = vector.extract_strided_slice %add3A_416 {offsets = [0, 0], sizes = [200, 128], strides = [1, 1]} : vector<200x512xf32> to vector<200x128xf32>
    %logistic3A_418 = arith.negf %slice3A_417 : vector<200x128xf32>
    %logistic3A_419 = math.exp %logistic3A_418 : vector<200x128xf32>
    %logistic3A_420 = arith.constant 1.000000e+00 : f32
    %logistic3A_421 = vector.broadcast %logistic3A_420 : f32 to vector<200x128xf32>
    %logistic3A_422 = arith.addf %logistic3A_421, %logistic3A_419 : vector<200x128xf32>
    %logistic3A_423 = arith.divf %logistic3A_421, %logistic3A_422 : vector<200x128xf32>
    %slice3A_424 = vector.extract_strided_slice %add3A_416 {offsets = [0, 128], sizes = [200, 128], strides = [1, 1]} : vector<200x512xf32> to vector<200x128xf32>
    %logistic3A_425 = arith.negf %slice3A_424 : vector<200x128xf32>
    %logistic3A_426 = math.exp %logistic3A_425 : vector<200x128xf32>
    %logistic3A_427 = arith.constant 1.000000e+00 : f32
    %logistic3A_428 = vector.broadcast %logistic3A_427 : f32 to vector<200x128xf32>
    %logistic3A_429 = arith.addf %logistic3A_428, %logistic3A_426 : vector<200x128xf32>
    %logistic3A_430 = arith.divf %logistic3A_428, %logistic3A_429 : vector<200x128xf32>
    %slice3A_431 = vector.extract_strided_slice %add3A_416 {offsets = [0, 256], sizes = [200, 128], strides = [1, 1]} : vector<200x512xf32> to vector<200x128xf32>
    %tanh3A_432 = math.tanh %slice3A_431 : vector<200x128xf32>
    %slice3A_433 = vector.extract_strided_slice %add3A_416 {offsets = [0, 384], sizes = [200, 128], strides = [1, 1]} : vector<200x512xf32> to vector<200x128xf32>
    %logistic3A_434 = arith.negf %slice3A_433 : vector<200x128xf32>
    %logistic3A_435 = math.exp %logistic3A_434 : vector<200x128xf32>
    %logistic3A_436 = arith.constant 1.000000e+00 : f32
    %logistic3A_437 = vector.broadcast %logistic3A_436 : f32 to vector<200x128xf32>
    %logistic3A_438 = arith.addf %logistic3A_437, %logistic3A_435 : vector<200x128xf32>
    %logistic3A_439 = arith.divf %logistic3A_437, %logistic3A_438 : vector<200x128xf32>
    %mul3A_440 = arith.mulf %logistic3A_430, %add3A_402 : vector<200x128xf32>
    %mul3A_441 = arith.mulf %logistic3A_423, %tanh3A_432 : vector<200x128xf32>
    %add3A_442 = arith.addf %mul3A_440, %mul3A_441 : vector<200x128xf32>
    %tanh3A_443 = math.tanh %add3A_442 : vector<200x128xf32>
    %mul3A_444 = arith.mulf %logistic3A_439, %tanh3A_443 : vector<200x128xf32>
    %get3A_445 = arith.constant 0 : index
    %get3A_446 = arith.constant 11 : index
    %get3A_447 = arith.constant 0 : index
    %get3A_448 = vector.load %arg1[%get3A_445, %get3A_446, %get3A_447] : memref<200x16x128xf32, #tpu.memory_space<vmem>>, vector<200x1x128xf32>
    %get3A_449 = vector.shape_cast %get3A_448 : vector<200x1x128xf32> to vector<200x128xf32>
    %dot_general3A_450 = arith.constant dense<0.000000e+00> : vector<200x512xf32>
    %dot_general3A_451 = tpu.matmul %get3A_449, %get3A_1, %dot_general3A_450 {dimension_numbers = #tpu.dot_dimension_numbers<[1], [0], [0], [1], [0, 0, 1, 1], [], []>, transpose_lhs_hint = false} : vector<200x128xf32>, vector<128x512xf32>, vector<200x512xf32> -> vector<200x512xf32>
    %dot_general3A_452 = arith.constant dense<0.000000e+00> : vector<200x512xf32>
    %dot_general3A_453 = tpu.matmul %mul3A_444, %get3A_4, %dot_general3A_452 {dimension_numbers = #tpu.dot_dimension_numbers<[1], [0], [0], [1], [0, 0, 1, 1], [], []>, transpose_lhs_hint = false} : vector<200x128xf32>, vector<128x512xf32>, vector<200x512xf32> -> vector<200x512xf32>
    %add3A_454 = arith.addf %dot_general3A_451, %dot_general3A_453 : vector<200x512xf32>
    %add3A_455 = vector.broadcast %get3A_7 : vector<1x512xf32> to vector<200x512xf32>
    %add3A_456 = arith.addf %add3A_454, %add3A_455 : vector<200x512xf32>
    %slice3A_457 = vector.extract_strided_slice %add3A_456 {offsets = [0, 0], sizes = [200, 128], strides = [1, 1]} : vector<200x512xf32> to vector<200x128xf32>
    %logistic3A_458 = arith.negf %slice3A_457 : vector<200x128xf32>
    %logistic3A_459 = math.exp %logistic3A_458 : vector<200x128xf32>
    %logistic3A_460 = arith.constant 1.000000e+00 : f32
    %logistic3A_461 = vector.broadcast %logistic3A_460 : f32 to vector<200x128xf32>
    %logistic3A_462 = arith.addf %logistic3A_461, %logistic3A_459 : vector<200x128xf32>
    %logistic3A_463 = arith.divf %logistic3A_461, %logistic3A_462 : vector<200x128xf32>
    %slice3A_464 = vector.extract_strided_slice %add3A_456 {offsets = [0, 128], sizes = [200, 128], strides = [1, 1]} : vector<200x512xf32> to vector<200x128xf32>
    %logistic3A_465 = arith.negf %slice3A_464 : vector<200x128xf32>
    %logistic3A_466 = math.exp %logistic3A_465 : vector<200x128xf32>
    %logistic3A_467 = arith.constant 1.000000e+00 : f32
    %logistic3A_468 = vector.broadcast %logistic3A_467 : f32 to vector<200x128xf32>
    %logistic3A_469 = arith.addf %logistic3A_468, %logistic3A_466 : vector<200x128xf32>
    %logistic3A_470 = arith.divf %logistic3A_468, %logistic3A_469 : vector<200x128xf32>
    %slice3A_471 = vector.extract_strided_slice %add3A_456 {offsets = [0, 256], sizes = [200, 128], strides = [1, 1]} : vector<200x512xf32> to vector<200x128xf32>
    %tanh3A_472 = math.tanh %slice3A_471 : vector<200x128xf32>
    %slice3A_473 = vector.extract_strided_slice %add3A_456 {offsets = [0, 384], sizes = [200, 128], strides = [1, 1]} : vector<200x512xf32> to vector<200x128xf32>
    %logistic3A_474 = arith.negf %slice3A_473 : vector<200x128xf32>
    %logistic3A_475 = math.exp %logistic3A_474 : vector<200x128xf32>
    %logistic3A_476 = arith.constant 1.000000e+00 : f32
    %logistic3A_477 = vector.broadcast %logistic3A_476 : f32 to vector<200x128xf32>
    %logistic3A_478 = arith.addf %logistic3A_477, %logistic3A_475 : vector<200x128xf32>
    %logistic3A_479 = arith.divf %logistic3A_477, %logistic3A_478 : vector<200x128xf32>
    %mul3A_480 = arith.mulf %logistic3A_470, %add3A_442 : vector<200x128xf32>
    %mul3A_481 = arith.mulf %logistic3A_463, %tanh3A_472 : vector<200x128xf32>
    %add3A_482 = arith.addf %mul3A_480, %mul3A_481 : vector<200x128xf32>
    %tanh3A_483 = math.tanh %add3A_482 : vector<200x128xf32>
    %mul3A_484 = arith.mulf %logistic3A_479, %tanh3A_483 : vector<200x128xf32>
    %get3A_485 = arith.constant 0 : index
    %get3A_486 = arith.constant 12 : index
    %get3A_487 = arith.constant 0 : index
    %get3A_488 = vector.load %arg1[%get3A_485, %get3A_486, %get3A_487] : memref<200x16x128xf32, #tpu.memory_space<vmem>>, vector<200x1x128xf32>
    %get3A_489 = vector.shape_cast %get3A_488 : vector<200x1x128xf32> to vector<200x128xf32>
    %dot_general3A_490 = arith.constant dense<0.000000e+00> : vector<200x512xf32>
    %dot_general3A_491 = tpu.matmul %get3A_489, %get3A_1, %dot_general3A_490 {dimension_numbers = #tpu.dot_dimension_numbers<[1], [0], [0], [1], [0, 0, 1, 1], [], []>, transpose_lhs_hint = false} : vector<200x128xf32>, vector<128x512xf32>, vector<200x512xf32> -> vector<200x512xf32>
    %dot_general3A_492 = arith.constant dense<0.000000e+00> : vector<200x512xf32>
    %dot_general3A_493 = tpu.matmul %mul3A_484, %get3A_4, %dot_general3A_492 {dimension_numbers = #tpu.dot_dimension_numbers<[1], [0], [0], [1], [0, 0, 1, 1], [], []>, transpose_lhs_hint = false} : vector<200x128xf32>, vector<128x512xf32>, vector<200x512xf32> -> vector<200x512xf32>
    %add3A_494 = arith.addf %dot_general3A_491, %dot_general3A_493 : vector<200x512xf32>
    %add3A_495 = vector.broadcast %get3A_7 : vector<1x512xf32> to vector<200x512xf32>
    %add3A_496 = arith.addf %add3A_494, %add3A_495 : vector<200x512xf32>
    %slice3A_497 = vector.extract_strided_slice %add3A_496 {offsets = [0, 0], sizes = [200, 128], strides = [1, 1]} : vector<200x512xf32> to vector<200x128xf32>
    %logistic3A_498 = arith.negf %slice3A_497 : vector<200x128xf32>
    %logistic3A_499 = math.exp %logistic3A_498 : vector<200x128xf32>
    %logistic3A_500 = arith.constant 1.000000e+00 : f32
    %logistic3A_501 = vector.broadcast %logistic3A_500 : f32 to vector<200x128xf32>
    %logistic3A_502 = arith.addf %logistic3A_501, %logistic3A_499 : vector<200x128xf32>
    %logistic3A_503 = arith.divf %logistic3A_501, %logistic3A_502 : vector<200x128xf32>
    %slice3A_504 = vector.extract_strided_slice %add3A_496 {offsets = [0, 128], sizes = [200, 128], strides = [1, 1]} : vector<200x512xf32> to vector<200x128xf32>
    %logistic3A_505 = arith.negf %slice3A_504 : vector<200x128xf32>
    %logistic3A_506 = math.exp %logistic3A_505 : vector<200x128xf32>
    %logistic3A_507 = arith.constant 1.000000e+00 : f32
    %logistic3A_508 = vector.broadcast %logistic3A_507 : f32 to vector<200x128xf32>
    %logistic3A_509 = arith.addf %logistic3A_508, %logistic3A_506 : vector<200x128xf32>
    %logistic3A_510 = arith.divf %logistic3A_508, %logistic3A_509 : vector<200x128xf32>
    %slice3A_511 = vector.extract_strided_slice %add3A_496 {offsets = [0, 256], sizes = [200, 128], strides = [1, 1]} : vector<200x512xf32> to vector<200x128xf32>
    %tanh3A_512 = math.tanh %slice3A_511 : vector<200x128xf32>
    %slice3A_513 = vector.extract_strided_slice %add3A_496 {offsets = [0, 384], sizes = [200, 128], strides = [1, 1]} : vector<200x512xf32> to vector<200x128xf32>
    %logistic3A_514 = arith.negf %slice3A_513 : vector<200x128xf32>
    %logistic3A_515 = math.exp %logistic3A_514 : vector<200x128xf32>
    %logistic3A_516 = arith.constant 1.000000e+00 : f32
    %logistic3A_517 = vector.broadcast %logistic3A_516 : f32 to vector<200x128xf32>
    %logistic3A_518 = arith.addf %logistic3A_517, %logistic3A_515 : vector<200x128xf32>
    %logistic3A_519 = arith.divf %logistic3A_517, %logistic3A_518 : vector<200x128xf32>
    %mul3A_520 = arith.mulf %logistic3A_510, %add3A_482 : vector<200x128xf32>
    %mul3A_521 = arith.mulf %logistic3A_503, %tanh3A_512 : vector<200x128xf32>
    %add3A_522 = arith.addf %mul3A_520, %mul3A_521 : vector<200x128xf32>
    %tanh3A_523 = math.tanh %add3A_522 : vector<200x128xf32>
    %mul3A_524 = arith.mulf %logistic3A_519, %tanh3A_523 : vector<200x128xf32>
    %get3A_525 = arith.constant 0 : index
    %get3A_526 = arith.constant 13 : index
    %get3A_527 = arith.constant 0 : index
    %get3A_528 = vector.load %arg1[%get3A_525, %get3A_526, %get3A_527] : memref<200x16x128xf32, #tpu.memory_space<vmem>>, vector<200x1x128xf32>
    %get3A_529 = vector.shape_cast %get3A_528 : vector<200x1x128xf32> to vector<200x128xf32>
    %dot_general3A_530 = arith.constant dense<0.000000e+00> : vector<200x512xf32>
    %dot_general3A_531 = tpu.matmul %get3A_529, %get3A_1, %dot_general3A_530 {dimension_numbers = #tpu.dot_dimension_numbers<[1], [0], [0], [1], [0, 0, 1, 1], [], []>, transpose_lhs_hint = false} : vector<200x128xf32>, vector<128x512xf32>, vector<200x512xf32> -> vector<200x512xf32>
    %dot_general3A_532 = arith.constant dense<0.000000e+00> : vector<200x512xf32>
    %dot_general3A_533 = tpu.matmul %mul3A_524, %get3A_4, %dot_general3A_532 {dimension_numbers = #tpu.dot_dimension_numbers<[1], [0], [0], [1], [0, 0, 1, 1], [], []>, transpose_lhs_hint = false} : vector<200x128xf32>, vector<128x512xf32>, vector<200x512xf32> -> vector<200x512xf32>
    %add3A_534 = arith.addf %dot_general3A_531, %dot_general3A_533 : vector<200x512xf32>
    %add3A_535 = vector.broadcast %get3A_7 : vector<1x512xf32> to vector<200x512xf32>
    %add3A_536 = arith.addf %add3A_534, %add3A_535 : vector<200x512xf32>
    %slice3A_537 = vector.extract_strided_slice %add3A_536 {offsets = [0, 0], sizes = [200, 128], strides = [1, 1]} : vector<200x512xf32> to vector<200x128xf32>
    %logistic3A_538 = arith.negf %slice3A_537 : vector<200x128xf32>
    %logistic3A_539 = math.exp %logistic3A_538 : vector<200x128xf32>
    %logistic3A_540 = arith.constant 1.000000e+00 : f32
    %logistic3A_541 = vector.broadcast %logistic3A_540 : f32 to vector<200x128xf32>
    %logistic3A_542 = arith.addf %logistic3A_541, %logistic3A_539 : vector<200x128xf32>
    %logistic3A_543 = arith.divf %logistic3A_541, %logistic3A_542 : vector<200x128xf32>
    %slice3A_544 = vector.extract_strided_slice %add3A_536 {offsets = [0, 128], sizes = [200, 128], strides = [1, 1]} : vector<200x512xf32> to vector<200x128xf32>
    %logistic3A_545 = arith.negf %slice3A_544 : vector<200x128xf32>
    %logistic3A_546 = math.exp %logistic3A_545 : vector<200x128xf32>
    %logistic3A_547 = arith.constant 1.000000e+00 : f32
    %logistic3A_548 = vector.broadcast %logistic3A_547 : f32 to vector<200x128xf32>
    %logistic3A_549 = arith.addf %logistic3A_548, %logistic3A_546 : vector<200x128xf32>
    %logistic3A_550 = arith.divf %logistic3A_548, %logistic3A_549 : vector<200x128xf32>
    %slice3A_551 = vector.extract_strided_slice %add3A_536 {offsets = [0, 256], sizes = [200, 128], strides = [1, 1]} : vector<200x512xf32> to vector<200x128xf32>
    %tanh3A_552 = math.tanh %slice3A_551 : vector<200x128xf32>
    %slice3A_553 = vector.extract_strided_slice %add3A_536 {offsets = [0, 384], sizes = [200, 128], strides = [1, 1]} : vector<200x512xf32> to vector<200x128xf32>
    %logistic3A_554 = arith.negf %slice3A_553 : vector<200x128xf32>
    %logistic3A_555 = math.exp %logistic3A_554 : vector<200x128xf32>
    %logistic3A_556 = arith.constant 1.000000e+00 : f32
    %logistic3A_557 = vector.broadcast %logistic3A_556 : f32 to vector<200x128xf32>
    %logistic3A_558 = arith.addf %logistic3A_557, %logistic3A_555 : vector<200x128xf32>
    %logistic3A_559 = arith.divf %logistic3A_557, %logistic3A_558 : vector<200x128xf32>
    %mul3A_560 = arith.mulf %logistic3A_550, %add3A_522 : vector<200x128xf32>
    %mul3A_561 = arith.mulf %logistic3A_543, %tanh3A_552 : vector<200x128xf32>
    %add3A_562 = arith.addf %mul3A_560, %mul3A_561 : vector<200x128xf32>
    %tanh3A_563 = math.tanh %add3A_562 : vector<200x128xf32>
    %mul3A_564 = arith.mulf %logistic3A_559, %tanh3A_563 : vector<200x128xf32>
    %get3A_565 = arith.constant 0 : index
    %get3A_566 = arith.constant 14 : index
    %get3A_567 = arith.constant 0 : index
    %get3A_568 = vector.load %arg1[%get3A_565, %get3A_566, %get3A_567] : memref<200x16x128xf32, #tpu.memory_space<vmem>>, vector<200x1x128xf32>
    %get3A_569 = vector.shape_cast %get3A_568 : vector<200x1x128xf32> to vector<200x128xf32>
    %dot_general3A_570 = arith.constant dense<0.000000e+00> : vector<200x512xf32>
    %dot_general3A_571 = tpu.matmul %get3A_569, %get3A_1, %dot_general3A_570 {dimension_numbers = #tpu.dot_dimension_numbers<[1], [0], [0], [1], [0, 0, 1, 1], [], []>, transpose_lhs_hint = false} : vector<200x128xf32>, vector<128x512xf32>, vector<200x512xf32> -> vector<200x512xf32>
    %dot_general3A_572 = arith.constant dense<0.000000e+00> : vector<200x512xf32>
    %dot_general3A_573 = tpu.matmul %mul3A_564, %get3A_4, %dot_general3A_572 {dimension_numbers = #tpu.dot_dimension_numbers<[1], [0], [0], [1], [0, 0, 1, 1], [], []>, transpose_lhs_hint = false} : vector<200x128xf32>, vector<128x512xf32>, vector<200x512xf32> -> vector<200x512xf32>
    %add3A_574 = arith.addf %dot_general3A_571, %dot_general3A_573 : vector<200x512xf32>
    %add3A_575 = vector.broadcast %get3A_7 : vector<1x512xf32> to vector<200x512xf32>
    %add3A_576 = arith.addf %add3A_574, %add3A_575 : vector<200x512xf32>
    %slice3A_577 = vector.extract_strided_slice %add3A_576 {offsets = [0, 0], sizes = [200, 128], strides = [1, 1]} : vector<200x512xf32> to vector<200x128xf32>
    %logistic3A_578 = arith.negf %slice3A_577 : vector<200x128xf32>
    %logistic3A_579 = math.exp %logistic3A_578 : vector<200x128xf32>
    %logistic3A_580 = arith.constant 1.000000e+00 : f32
    %logistic3A_581 = vector.broadcast %logistic3A_580 : f32 to vector<200x128xf32>
    %logistic3A_582 = arith.addf %logistic3A_581, %logistic3A_579 : vector<200x128xf32>
    %logistic3A_583 = arith.divf %logistic3A_581, %logistic3A_582 : vector<200x128xf32>
    %slice3A_584 = vector.extract_strided_slice %add3A_576 {offsets = [0, 128], sizes = [200, 128], strides = [1, 1]} : vector<200x512xf32> to vector<200x128xf32>
    %logistic3A_585 = arith.negf %slice3A_584 : vector<200x128xf32>
    %logistic3A_586 = math.exp %logistic3A_585 : vector<200x128xf32>
    %logistic3A_587 = arith.constant 1.000000e+00 : f32
    %logistic3A_588 = vector.broadcast %logistic3A_587 : f32 to vector<200x128xf32>
    %logistic3A_589 = arith.addf %logistic3A_588, %logistic3A_586 : vector<200x128xf32>
    %logistic3A_590 = arith.divf %logistic3A_588, %logistic3A_589 : vector<200x128xf32>
    %slice3A_591 = vector.extract_strided_slice %add3A_576 {offsets = [0, 256], sizes = [200, 128], strides = [1, 1]} : vector<200x512xf32> to vector<200x128xf32>
    %tanh3A_592 = math.tanh %slice3A_591 : vector<200x128xf32>
    %slice3A_593 = vector.extract_strided_slice %add3A_576 {offsets = [0, 384], sizes = [200, 128], strides = [1, 1]} : vector<200x512xf32> to vector<200x128xf32>
    %logistic3A_594 = arith.negf %slice3A_593 : vector<200x128xf32>
    %logistic3A_595 = math.exp %logistic3A_594 : vector<200x128xf32>
    %logistic3A_596 = arith.constant 1.000000e+00 : f32
    %logistic3A_597 = vector.broadcast %logistic3A_596 : f32 to vector<200x128xf32>
    %logistic3A_598 = arith.addf %logistic3A_597, %logistic3A_595 : vector<200x128xf32>
    %logistic3A_599 = arith.divf %logistic3A_597, %logistic3A_598 : vector<200x128xf32>
    %mul3A_600 = arith.mulf %logistic3A_590, %add3A_562 : vector<200x128xf32>
    %mul3A_601 = arith.mulf %logistic3A_583, %tanh3A_592 : vector<200x128xf32>
    %add3A_602 = arith.addf %mul3A_600, %mul3A_601 : vector<200x128xf32>
    %tanh3A_603 = math.tanh %add3A_602 : vector<200x128xf32>
    %mul3A_604 = arith.mulf %logistic3A_599, %tanh3A_603 : vector<200x128xf32>
    %get3A_605 = arith.constant 0 : index
    %get3A_606 = arith.constant 15 : index
    %get3A_607 = arith.constant 0 : index
    %get3A_608 = vector.load %arg1[%get3A_605, %get3A_606, %get3A_607] : memref<200x16x128xf32, #tpu.memory_space<vmem>>, vector<200x1x128xf32>
    %get3A_609 = vector.shape_cast %get3A_608 : vector<200x1x128xf32> to vector<200x128xf32>
    %dot_general3A_610 = arith.constant dense<0.000000e+00> : vector<200x512xf32>
    %dot_general3A_611 = tpu.matmul %get3A_609, %get3A_1, %dot_general3A_610 {dimension_numbers = #tpu.dot_dimension_numbers<[1], [0], [0], [1], [0, 0, 1, 1], [], []>, transpose_lhs_hint = false} : vector<200x128xf32>, vector<128x512xf32>, vector<200x512xf32> -> vector<200x512xf32>
    %dot_general3A_612 = arith.constant dense<0.000000e+00> : vector<200x512xf32>
    %dot_general3A_613 = tpu.matmul %mul3A_604, %get3A_4, %dot_general3A_612 {dimension_numbers = #tpu.dot_dimension_numbers<[1], [0], [0], [1], [0, 0, 1, 1], [], []>, transpose_lhs_hint = false} : vector<200x128xf32>, vector<128x512xf32>, vector<200x512xf32> -> vector<200x512xf32>
    %add3A_614 = arith.addf %dot_general3A_611, %dot_general3A_613 : vector<200x512xf32>
    %add3A_615 = vector.broadcast %get3A_7 : vector<1x512xf32> to vector<200x512xf32>
    %add3A_616 = arith.addf %add3A_614, %add3A_615 : vector<200x512xf32>
    %slice3A_617 = vector.extract_strided_slice %add3A_616 {offsets = [0, 0], sizes = [200, 128], strides = [1, 1]} : vector<200x512xf32> to vector<200x128xf32>
    %logistic3A_618 = arith.negf %slice3A_617 : vector<200x128xf32>
    %logistic3A_619 = math.exp %logistic3A_618 : vector<200x128xf32>
    %logistic3A_620 = arith.constant 1.000000e+00 : f32
    %logistic3A_621 = vector.broadcast %logistic3A_620 : f32 to vector<200x128xf32>
    %logistic3A_622 = arith.addf %logistic3A_621, %logistic3A_619 : vector<200x128xf32>
    %logistic3A_623 = arith.divf %logistic3A_621, %logistic3A_622 : vector<200x128xf32>
    %slice3A_624 = vector.extract_strided_slice %add3A_616 {offsets = [0, 128], sizes = [200, 128], strides = [1, 1]} : vector<200x512xf32> to vector<200x128xf32>
    %logistic3A_625 = arith.negf %slice3A_624 : vector<200x128xf32>
    %logistic3A_626 = math.exp %logistic3A_625 : vector<200x128xf32>
    %logistic3A_627 = arith.constant 1.000000e+00 : f32
    %logistic3A_628 = vector.broadcast %logistic3A_627 : f32 to vector<200x128xf32>
    %logistic3A_629 = arith.addf %logistic3A_628, %logistic3A_626 : vector<200x128xf32>
    %logistic3A_630 = arith.divf %logistic3A_628, %logistic3A_629 : vector<200x128xf32>
    %slice3A_631 = vector.extract_strided_slice %add3A_616 {offsets = [0, 256], sizes = [200, 128], strides = [1, 1]} : vector<200x512xf32> to vector<200x128xf32>
    %tanh3A_632 = math.tanh %slice3A_631 : vector<200x128xf32>
    %slice3A_633 = vector.extract_strided_slice %add3A_616 {offsets = [0, 384], sizes = [200, 128], strides = [1, 1]} : vector<200x512xf32> to vector<200x128xf32>
    %logistic3A_634 = arith.negf %slice3A_633 : vector<200x128xf32>
    %logistic3A_635 = math.exp %logistic3A_634 : vector<200x128xf32>
    %logistic3A_636 = arith.constant 1.000000e+00 : f32
    %logistic3A_637 = vector.broadcast %logistic3A_636 : f32 to vector<200x128xf32>
    %logistic3A_638 = arith.addf %logistic3A_637, %logistic3A_635 : vector<200x128xf32>
    %logistic3A_639 = arith.divf %logistic3A_637, %logistic3A_638 : vector<200x128xf32>
    %mul3A_640 = arith.mulf %logistic3A_630, %add3A_602 : vector<200x128xf32>
    %mul3A_641 = arith.mulf %logistic3A_623, %tanh3A_632 : vector<200x128xf32>
    %add3A_642 = arith.addf %mul3A_640, %mul3A_641 : vector<200x128xf32>
    %tanh3A_643 = math.tanh %add3A_642 : vector<200x128xf32>
    %mul3A_644 = arith.mulf %logistic3A_639, %tanh3A_643 : vector<200x128xf32>
    %get3A_645 = arith.constant 0 : index
    %get3A_646 = arith.constant 0 : index
    %get3A_647 = vector.load %arg2[%get3A_645, %get3A_646] : memref<200x128xf32, #tpu.memory_space<vmem>>, vector<200x128xf32>
    %get3A_648 = arith.constant 0 : index
    %get3A_649 = arith.constant 0 : index
    %get3A_650 = vector.load %arg6[%get3A_648, %get3A_649] : memref<128x32xf32, #tpu.memory_space<vmem>>, vector<128x32xf32>
    %dot_general3A_651 = arith.constant dense<0.000000e+00> : vector<200x32xf32>
    %dot_general3A_652 = tpu.matmul %get3A_647, %get3A_650, %dot_general3A_651 {dimension_numbers = #tpu.dot_dimension_numbers<[1], [0], [0], [1], [0, 0, 1, 1], [], []>, transpose_lhs_hint = false} : vector<200x128xf32>, vector<128x32xf32>, vector<200x32xf32> -> vector<200x32xf32>
    %get3A_653 = arith.constant 0 : index
    %get3A_654 = arith.constant 0 : index
    %get3A_655 = vector.load %arg7[%get3A_653, %get3A_654] : memref<128x32xf32, #tpu.memory_space<vmem>>, vector<128x32xf32>
    %dot_general3A_656 = arith.constant dense<0.000000e+00> : vector<200x32xf32>
    %dot_general3A_657 = tpu.matmul %mul3A_644, %get3A_655, %dot_general3A_656 {dimension_numbers = #tpu.dot_dimension_numbers<[1], [0], [0], [1], [0, 0, 1, 1], [], []>, transpose_lhs_hint = false} : vector<200x128xf32>, vector<128x32xf32>, vector<200x32xf32> -> vector<200x32xf32>
    %add3A_658 = arith.addf %dot_general3A_652, %dot_general3A_657 : vector<200x32xf32>
    %get3A_659 = arith.constant 0 : index
    %get3A_660 = arith.constant 0 : index
    %get3A_661 = vector.load %arg8[%get3A_659, %get3A_660] : memref<1x32xf32, #tpu.memory_space<vmem>>, vector<1x32xf32>
    %add3A_662 = vector.broadcast %get3A_661 : vector<1x32xf32> to vector<200x32xf32>
    %add3A_663 = arith.addf %add3A_658, %add3A_662 : vector<200x32xf32>
    %max3A = arith.constant 0.000000e+00 : f32
    %max3A_664 = vector.broadcast %max3A : f32 to vector<200x32xf32>
    %max3A_665 = arith.maximumf %add3A_663, %max3A_664 : vector<200x32xf32>
    %swap3A = arith.constant 0 : index
    %swap3A_666 = arith.constant 0 : index
    %swap3A_667 = vector.load %arg9[%swap3A, %swap3A_666] : memref<200x32xf32, #tpu.memory_space<vmem>>, vector<200x32xf32>
    tpu.vector_store %arg9[%swap3A, %swap3A_666], %max3A_665 {strides = array<i32>} : memref<200x32xf32, #tpu.memory_space<vmem>>, vector<200x32xf32>,
    return
  }
  func.func @transform_0(%arg0: i32) -> (i32, i32, i32) {
    %c0_i32 = arith.constant 0 : i32
    %c0_i32_0 = arith.constant 0 : i32
    %c0_i32_1 = arith.constant 0 : i32
    return %arg0, %c0_i32, %c0_i32_0 : i32, i32, i32
  }
  func.func @transform_1(%arg0: i32) -> (i32, i32) {
    %c0_i32 = arith.constant 0 : i32
    %c0_i32_0 = arith.constant 0 : i32
    return %arg0, %c0_i32 : i32, i32
  }
  func.func @transform_2(%arg0: i32) -> (i32, i32) {
    %c0_i32 = arith.constant 0 : i32
    %c0_i32_0 = arith.constant 0 : i32
    %c0_i32_1 = arith.constant 0 : i32
    return %c0_i32, %c0_i32_0 : i32, i32
  }
  func.func @transform_3(%arg0: i32) -> (i32, i32) {
    %c0_i32 = arith.constant 0 : i32
    %c0_i32_0 = arith.constant 0 : i32
    %c0_i32_1 = arith.constant 0 : i32
    return %c0_i32, %c0_i32_0 : i32, i32
  }
  func.func @transform_4(%arg0: i32) -> (i32, i32) {
    %c0_i32 = arith.constant 0 : i32
    %c0_i32_0 = arith.constant 0 : i32
    %c0_i32_1 = arith.constant 0 : i32
    return %c0_i32, %c0_i32_0 : i32, i32
  }
  func.func @transform_5(%arg0: i32) -> (i32, i32) {
    %c0_i32 = arith.constant 0 : i32
    %c0_i32_0 = arith.constant 0 : i32
    %c0_i32_1 = arith.constant 0 : i32
    return %c0_i32, %c0_i32_0 : i32, i32
  }
  func.func @transform_6(%arg0: i32) -> (i32, i32) {
    %c0_i32 = arith.constant 0 : i32
    %c0_i32_0 = arith.constant 0 : i32
    %c0_i32_1 = arith.constant 0 : i32
    return %c0_i32, %c0_i32_0 : i32, i32
  }
  func.func @transform_7(%arg0: i32) -> (i32, i32) {
    %c0_i32 = arith.constant 0 : i32
    %c0_i32_0 = arith.constant 0 : i32
    %c0_i32_1 = arith.constant 0 : i32
    return %c0_i32, %c0_i32_0 : i32, i32
  }
  func.func @transform_8(%arg0: i32) -> (i32, i32) {
    %c0_i32 = arith.constant 0 : i32
    %c0_i32_0 = arith.constant 0 : i32
    return %arg0, %c0_i32 : i32, i32
  }
}

module attributes {stable_mosaic.version = 14 : i64} {
  func.func @_nnconv_body(%arg0: i32, %arg1: memref<1280x32xf32, #tpu.memory_space<vmem>>, %arg2: memref<1280x32xf32, #tpu.memory_space<vmem>>, %arg3: memref<32x1024xf32, #tpu.memory_space<vmem>>, %arg4: memref<1x1024xf32, #tpu.memory_space<vmem>>, %arg5: memref<32x1024xf32, #tpu.memory_space<vmem>>, %arg6: memref<1024x32xf32, #tpu.memory_space<vmem>>, %arg7: memref<1x32xf32, #tpu.memory_space<vmem>>, %arg8: memref<32x32xf32, #tpu.memory_space<vmem>>, %arg9: memref<1x32xf32, #tpu.memory_space<vmem>>, %arg10: memref<32x32xf32, #tpu.memory_space<vmem>>, %arg11: memref<1x32xf32, #tpu.memory_space<vmem>>, %arg12: memref<32x1xf32, #tpu.memory_space<vmem>>, %arg13: memref<1x1xf32, #tpu.memory_space<vmem>>, %arg14: memref<1x1xf32, #tpu.memory_space<vmem>>, %arg15: memref<1x32xf32, #tpu.memory_space<vmem>>) attributes {dimension_semantics = [#tpu.dimension_semantics<arbitrary>], iteration_bounds = array<i64: 125>, scalar_prefetch = 0 : i64, scratch_operands = 1 : i64, tpu.core_type = #tpu.core_type<tc>, window_params = [{transform_indices = @transform_0, window_bounds = array<i64: 1280, 32>}, {transform_indices = @transform_1, window_bounds = array<i64: 1280, 32>}, {pipeline_mode = #tpu.pipeline_mode<synchronous>, transform_indices = @transform_2, window_bounds = array<i64: 32, 1024>}, {pipeline_mode = #tpu.pipeline_mode<synchronous>, transform_indices = @transform_3, window_bounds = array<i64: 1, 1024>}, {pipeline_mode = #tpu.pipeline_mode<synchronous>, transform_indices = @transform_4, window_bounds = array<i64: 32, 1024>}, {pipeline_mode = #tpu.pipeline_mode<synchronous>, transform_indices = @transform_5, window_bounds = array<i64: 1024, 32>}, {pipeline_mode = #tpu.pipeline_mode<synchronous>, transform_indices = @transform_6, window_bounds = array<i64: 1, 32>}, {pipeline_mode = #tpu.pipeline_mode<synchronous>, transform_indices = @transform_7, window_bounds = array<i64: 32, 32>}, {pipeline_mode = #tpu.pipeline_mode<synchronous>, transform_indices = @transform_8, window_bounds = array<i64: 1, 32>}, {pipeline_mode = #tpu.pipeline_mode<synchronous>, transform_indices = @transform_9, window_bounds = array<i64: 32, 32>}, {pipeline_mode = #tpu.pipeline_mode<synchronous>, transform_indices = @transform_10, window_bounds = array<i64: 1, 32>}, {pipeline_mode = #tpu.pipeline_mode<synchronous>, transform_indices = @transform_11, window_bounds = array<i64: 32, 1>}, {pipeline_mode = #tpu.pipeline_mode<synchronous>, transform_indices = @transform_12, window_bounds = array<i64: 1, 1>}, {pipeline_mode = #tpu.pipeline_mode<synchronous>, transform_indices = @transform_13, window_bounds = array<i64: 1, 1>}]} {
    %get3A = arith.constant 0 : index
    %get3A_0 = arith.constant 0 : index
    %get3A_1 = vector.load %arg2[%get3A, %get3A_0] : memref<1280x32xf32, #tpu.memory_space<vmem>>, vector<1280x32xf32>
    %get3A_2 = arith.constant 0 : index
    %get3A_3 = arith.constant 0 : index
    %get3A_4 = vector.load %arg1[%get3A_2, %get3A_3] : memref<1280x32xf32, #tpu.memory_space<vmem>>, vector<1280x32xf32>
    %broadcast_in_dim3A = arith.constant 0.000000e+00 : f32
    %broadcast_in_dim3A_5 = vector.broadcast %broadcast_in_dim3A : f32 to vector<1280x32xf32>
    %get3A_6 = arith.constant 0 : index
    %get3A_7 = arith.constant 0 : index
    %get3A_8 = vector.load %arg3[%get3A_6, %get3A_7] : memref<32x1024xf32, #tpu.memory_space<vmem>>, vector<32x128xf32>
    %dot_general3A = arith.constant dense<0.000000e+00> : vector<1280x128xf32>
    %dot_general3A_9 = tpu.matmul %get3A_1, %get3A_8, %dot_general3A {dimension_numbers = #tpu.dot_dimension_numbers<[1], [0], [0], [1], [0, 0, 1, 1], [], []>, precision = #tpu.contract_precision<fp32>, transpose_lhs_hint = false} : vector<1280x32xf32>, vector<32x128xf32>, vector<1280x128xf32> -> vector<1280x128xf32>
    %get3A_10 = arith.constant 0 : index
    %get3A_11 = arith.constant 0 : index
    %get3A_12 = vector.load %arg4[%get3A_10, %get3A_11] : memref<1x1024xf32, #tpu.memory_space<vmem>>, vector<1x128xf32>
    %add3A = vector.broadcast %get3A_12 : vector<1x128xf32> to vector<1280x128xf32>
    %add3A_13 = arith.addf %dot_general3A_9, %add3A : vector<1280x128xf32>
    %get3A_14 = arith.constant 0 : index
    %get3A_15 = arith.constant 0 : index
    %get3A_16 = vector.load %arg5[%get3A_14, %get3A_15] : memref<32x1024xf32, #tpu.memory_space<vmem>>, vector<32x128xf32>
    %convert_element_type3A = arith.truncf %get3A_4 : vector<1280x32xf32> to vector<1280x32xbf16>
    %convert_element_type3A_17 = arith.extf %convert_element_type3A : vector<1280x32xbf16> to vector<1280x32xf32>
    %sub3A = arith.subf %get3A_4, %convert_element_type3A_17 : vector<1280x32xf32>
    %convert_element_type3A_18 = arith.truncf %sub3A : vector<1280x32xf32> to vector<1280x32xbf16>
    %convert_element_type3A_19 = arith.extf %convert_element_type3A_18 : vector<1280x32xbf16> to vector<1280x32xf32>
    %sub3A_20 = arith.subf %sub3A, %convert_element_type3A_19 : vector<1280x32xf32>
    %dot_general3A_21 = arith.constant dense<0.000000e+00> : vector<1280x128xf32>
    %dot_general3A_22 = tpu.matmul %convert_element_type3A_17, %get3A_16, %dot_general3A_21 {dimension_numbers = #tpu.dot_dimension_numbers<[1], [0], [0], [1], [0, 0, 1, 1], [], []>, transpose_lhs_hint = false} : vector<1280x32xf32>, vector<32x128xf32>, vector<1280x128xf32> -> vector<1280x128xf32>
    %dot_general3A_23 = arith.constant dense<0.000000e+00> : vector<1280x128xf32>
    %dot_general3A_24 = tpu.matmul %convert_element_type3A_19, %get3A_16, %dot_general3A_23 {dimension_numbers = #tpu.dot_dimension_numbers<[1], [0], [0], [1], [0, 0, 1, 1], [], []>, transpose_lhs_hint = false} : vector<1280x32xf32>, vector<32x128xf32>, vector<1280x128xf32> -> vector<1280x128xf32>
    %add3A_25 = arith.addf %dot_general3A_22, %dot_general3A_24 : vector<1280x128xf32>
    %dot_general3A_26 = arith.constant dense<0.000000e+00> : vector<1280x128xf32>
    %dot_general3A_27 = tpu.matmul %sub3A_20, %get3A_16, %dot_general3A_26 {dimension_numbers = #tpu.dot_dimension_numbers<[1], [0], [0], [1], [0, 0, 1, 1], [], []>, transpose_lhs_hint = false} : vector<1280x32xf32>, vector<32x128xf32>, vector<1280x128xf32> -> vector<1280x128xf32>
    %add3A_28 = arith.addf %add3A_25, %dot_general3A_27 : vector<1280x128xf32>
    %mul3A = arith.mulf %add3A_28, %add3A_13 : vector<1280x128xf32>
    %get3A_29 = arith.constant 0 : index
    %get3A_30 = arith.constant 0 : index
    %get3A_31 = vector.load %arg6[%get3A_29, %get3A_30] : memref<1024x32xf32, #tpu.memory_space<vmem>>, vector<128x32xf32>
    %convert_element_type3A_32 = arith.truncf %mul3A : vector<1280x128xf32> to vector<1280x128xbf16>
    %convert_element_type3A_33 = arith.extf %convert_element_type3A_32 : vector<1280x128xbf16> to vector<1280x128xf32>
    %sub3A_34 = arith.subf %mul3A, %convert_element_type3A_33 : vector<1280x128xf32>
    %convert_element_type3A_35 = arith.truncf %sub3A_34 : vector<1280x128xf32> to vector<1280x128xbf16>
    %convert_element_type3A_36 = arith.extf %convert_element_type3A_35 : vector<1280x128xbf16> to vector<1280x128xf32>
    %sub3A_37 = arith.subf %sub3A_34, %convert_element_type3A_36 : vector<1280x128xf32>
    %dot_general3A_38 = arith.constant dense<0.000000e+00> : vector<1280x32xf32>
    %dot_general3A_39 = tpu.matmul %convert_element_type3A_33, %get3A_31, %dot_general3A_38 {dimension_numbers = #tpu.dot_dimension_numbers<[1], [0], [0], [1], [0, 0, 1, 1], [], []>, transpose_lhs_hint = false} : vector<1280x128xf32>, vector<128x32xf32>, vector<1280x32xf32> -> vector<1280x32xf32>
    %dot_general3A_40 = arith.constant dense<0.000000e+00> : vector<1280x32xf32>
    %dot_general3A_41 = tpu.matmul %convert_element_type3A_36, %get3A_31, %dot_general3A_40 {dimension_numbers = #tpu.dot_dimension_numbers<[1], [0], [0], [1], [0, 0, 1, 1], [], []>, transpose_lhs_hint = false} : vector<1280x128xf32>, vector<128x32xf32>, vector<1280x32xf32> -> vector<1280x32xf32>
    %add3A_42 = arith.addf %dot_general3A_39, %dot_general3A_41 : vector<1280x32xf32>
    %dot_general3A_43 = arith.constant dense<0.000000e+00> : vector<1280x32xf32>
    %dot_general3A_44 = tpu.matmul %sub3A_37, %get3A_31, %dot_general3A_43 {dimension_numbers = #tpu.dot_dimension_numbers<[1], [0], [0], [1], [0, 0, 1, 1], [], []>, transpose_lhs_hint = false} : vector<1280x128xf32>, vector<128x32xf32>, vector<1280x32xf32> -> vector<1280x32xf32>
    %add3A_45 = arith.addf %add3A_42, %dot_general3A_44 : vector<1280x32xf32>
    %add3A_46 = arith.addf %broadcast_in_dim3A_5, %add3A_45 : vector<1280x32xf32>
    %get3A_47 = arith.constant 0 : index
    %get3A_48 = arith.constant 128 : index
    %get3A_49 = vector.load %arg3[%get3A_47, %get3A_48] : memref<32x1024xf32, #tpu.memory_space<vmem>>, vector<32x128xf32>
    %dot_general3A_50 = arith.constant dense<0.000000e+00> : vector<1280x128xf32>
    %dot_general3A_51 = tpu.matmul %get3A_1, %get3A_49, %dot_general3A_50 {dimension_numbers = #tpu.dot_dimension_numbers<[1], [0], [0], [1], [0, 0, 1, 1], [], []>, precision = #tpu.contract_precision<fp32>, transpose_lhs_hint = false} : vector<1280x32xf32>, vector<32x128xf32>, vector<1280x128xf32> -> vector<1280x128xf32>
    %get3A_52 = arith.constant 0 : index
    %get3A_53 = arith.constant 128 : index
    %get3A_54 = vector.load %arg4[%get3A_52, %get3A_53] : memref<1x1024xf32, #tpu.memory_space<vmem>>, vector<1x128xf32>
    %add3A_55 = vector.broadcast %get3A_54 : vector<1x128xf32> to vector<1280x128xf32>
    %add3A_56 = arith.addf %dot_general3A_51, %add3A_55 : vector<1280x128xf32>
    %get3A_57 = arith.constant 0 : index
    %get3A_58 = arith.constant 128 : index
    %get3A_59 = vector.load %arg5[%get3A_57, %get3A_58] : memref<32x1024xf32, #tpu.memory_space<vmem>>, vector<32x128xf32>
    %convert_element_type3A_60 = arith.truncf %get3A_4 : vector<1280x32xf32> to vector<1280x32xbf16>
    %convert_element_type3A_61 = arith.extf %convert_element_type3A_60 : vector<1280x32xbf16> to vector<1280x32xf32>
    %sub3A_62 = arith.subf %get3A_4, %convert_element_type3A_61 : vector<1280x32xf32>
    %convert_element_type3A_63 = arith.truncf %sub3A_62 : vector<1280x32xf32> to vector<1280x32xbf16>
    %convert_element_type3A_64 = arith.extf %convert_element_type3A_63 : vector<1280x32xbf16> to vector<1280x32xf32>
    %sub3A_65 = arith.subf %sub3A_62, %convert_element_type3A_64 : vector<1280x32xf32>
    %dot_general3A_66 = arith.constant dense<0.000000e+00> : vector<1280x128xf32>
    %dot_general3A_67 = tpu.matmul %convert_element_type3A_61, %get3A_59, %dot_general3A_66 {dimension_numbers = #tpu.dot_dimension_numbers<[1], [0], [0], [1], [0, 0, 1, 1], [], []>, transpose_lhs_hint = false} : vector<1280x32xf32>, vector<32x128xf32>, vector<1280x128xf32> -> vector<1280x128xf32>
    %dot_general3A_68 = arith.constant dense<0.000000e+00> : vector<1280x128xf32>
    %dot_general3A_69 = tpu.matmul %convert_element_type3A_64, %get3A_59, %dot_general3A_68 {dimension_numbers = #tpu.dot_dimension_numbers<[1], [0], [0], [1], [0, 0, 1, 1], [], []>, transpose_lhs_hint = false} : vector<1280x32xf32>, vector<32x128xf32>, vector<1280x128xf32> -> vector<1280x128xf32>
    %add3A_70 = arith.addf %dot_general3A_67, %dot_general3A_69 : vector<1280x128xf32>
    %dot_general3A_71 = arith.constant dense<0.000000e+00> : vector<1280x128xf32>
    %dot_general3A_72 = tpu.matmul %sub3A_65, %get3A_59, %dot_general3A_71 {dimension_numbers = #tpu.dot_dimension_numbers<[1], [0], [0], [1], [0, 0, 1, 1], [], []>, transpose_lhs_hint = false} : vector<1280x32xf32>, vector<32x128xf32>, vector<1280x128xf32> -> vector<1280x128xf32>
    %add3A_73 = arith.addf %add3A_70, %dot_general3A_72 : vector<1280x128xf32>
    %mul3A_74 = arith.mulf %add3A_73, %add3A_56 : vector<1280x128xf32>
    %get3A_75 = arith.constant 128 : index
    %get3A_76 = arith.constant 0 : index
    %get3A_77 = vector.load %arg6[%get3A_75, %get3A_76] : memref<1024x32xf32, #tpu.memory_space<vmem>>, vector<128x32xf32>
    %convert_element_type3A_78 = arith.truncf %mul3A_74 : vector<1280x128xf32> to vector<1280x128xbf16>
    %convert_element_type3A_79 = arith.extf %convert_element_type3A_78 : vector<1280x128xbf16> to vector<1280x128xf32>
    %sub3A_80 = arith.subf %mul3A_74, %convert_element_type3A_79 : vector<1280x128xf32>
    %convert_element_type3A_81 = arith.truncf %sub3A_80 : vector<1280x128xf32> to vector<1280x128xbf16>
    %convert_element_type3A_82 = arith.extf %convert_element_type3A_81 : vector<1280x128xbf16> to vector<1280x128xf32>
    %sub3A_83 = arith.subf %sub3A_80, %convert_element_type3A_82 : vector<1280x128xf32>
    %dot_general3A_84 = arith.constant dense<0.000000e+00> : vector<1280x32xf32>
    %dot_general3A_85 = tpu.matmul %convert_element_type3A_79, %get3A_77, %dot_general3A_84 {dimension_numbers = #tpu.dot_dimension_numbers<[1], [0], [0], [1], [0, 0, 1, 1], [], []>, transpose_lhs_hint = false} : vector<1280x128xf32>, vector<128x32xf32>, vector<1280x32xf32> -> vector<1280x32xf32>
    %dot_general3A_86 = arith.constant dense<0.000000e+00> : vector<1280x32xf32>
    %dot_general3A_87 = tpu.matmul %convert_element_type3A_82, %get3A_77, %dot_general3A_86 {dimension_numbers = #tpu.dot_dimension_numbers<[1], [0], [0], [1], [0, 0, 1, 1], [], []>, transpose_lhs_hint = false} : vector<1280x128xf32>, vector<128x32xf32>, vector<1280x32xf32> -> vector<1280x32xf32>
    %add3A_88 = arith.addf %dot_general3A_85, %dot_general3A_87 : vector<1280x32xf32>
    %dot_general3A_89 = arith.constant dense<0.000000e+00> : vector<1280x32xf32>
    %dot_general3A_90 = tpu.matmul %sub3A_83, %get3A_77, %dot_general3A_89 {dimension_numbers = #tpu.dot_dimension_numbers<[1], [0], [0], [1], [0, 0, 1, 1], [], []>, transpose_lhs_hint = false} : vector<1280x128xf32>, vector<128x32xf32>, vector<1280x32xf32> -> vector<1280x32xf32>
    %add3A_91 = arith.addf %add3A_88, %dot_general3A_90 : vector<1280x32xf32>
    %add3A_92 = arith.addf %add3A_46, %add3A_91 : vector<1280x32xf32>
    %get3A_93 = arith.constant 0 : index
    %get3A_94 = arith.constant 256 : index
    %get3A_95 = vector.load %arg3[%get3A_93, %get3A_94] : memref<32x1024xf32, #tpu.memory_space<vmem>>, vector<32x128xf32>
    %dot_general3A_96 = arith.constant dense<0.000000e+00> : vector<1280x128xf32>
    %dot_general3A_97 = tpu.matmul %get3A_1, %get3A_95, %dot_general3A_96 {dimension_numbers = #tpu.dot_dimension_numbers<[1], [0], [0], [1], [0, 0, 1, 1], [], []>, precision = #tpu.contract_precision<fp32>, transpose_lhs_hint = false} : vector<1280x32xf32>, vector<32x128xf32>, vector<1280x128xf32> -> vector<1280x128xf32>
    %get3A_98 = arith.constant 0 : index
    %get3A_99 = arith.constant 256 : index
    %get3A_100 = vector.load %arg4[%get3A_98, %get3A_99] : memref<1x1024xf32, #tpu.memory_space<vmem>>, vector<1x128xf32>
    %add3A_101 = vector.broadcast %get3A_100 : vector<1x128xf32> to vector<1280x128xf32>
    %add3A_102 = arith.addf %dot_general3A_97, %add3A_101 : vector<1280x128xf32>
    %get3A_103 = arith.constant 0 : index
    %get3A_104 = arith.constant 256 : index
    %get3A_105 = vector.load %arg5[%get3A_103, %get3A_104] : memref<32x1024xf32, #tpu.memory_space<vmem>>, vector<32x128xf32>
    %convert_element_type3A_106 = arith.truncf %get3A_4 : vector<1280x32xf32> to vector<1280x32xbf16>
    %convert_element_type3A_107 = arith.extf %convert_element_type3A_106 : vector<1280x32xbf16> to vector<1280x32xf32>
    %sub3A_108 = arith.subf %get3A_4, %convert_element_type3A_107 : vector<1280x32xf32>
    %convert_element_type3A_109 = arith.truncf %sub3A_108 : vector<1280x32xf32> to vector<1280x32xbf16>
    %convert_element_type3A_110 = arith.extf %convert_element_type3A_109 : vector<1280x32xbf16> to vector<1280x32xf32>
    %sub3A_111 = arith.subf %sub3A_108, %convert_element_type3A_110 : vector<1280x32xf32>
    %dot_general3A_112 = arith.constant dense<0.000000e+00> : vector<1280x128xf32>
    %dot_general3A_113 = tpu.matmul %convert_element_type3A_107, %get3A_105, %dot_general3A_112 {dimension_numbers = #tpu.dot_dimension_numbers<[1], [0], [0], [1], [0, 0, 1, 1], [], []>, transpose_lhs_hint = false} : vector<1280x32xf32>, vector<32x128xf32>, vector<1280x128xf32> -> vector<1280x128xf32>
    %dot_general3A_114 = arith.constant dense<0.000000e+00> : vector<1280x128xf32>
    %dot_general3A_115 = tpu.matmul %convert_element_type3A_110, %get3A_105, %dot_general3A_114 {dimension_numbers = #tpu.dot_dimension_numbers<[1], [0], [0], [1], [0, 0, 1, 1], [], []>, transpose_lhs_hint = false} : vector<1280x32xf32>, vector<32x128xf32>, vector<1280x128xf32> -> vector<1280x128xf32>
    %add3A_116 = arith.addf %dot_general3A_113, %dot_general3A_115 : vector<1280x128xf32>
    %dot_general3A_117 = arith.constant dense<0.000000e+00> : vector<1280x128xf32>
    %dot_general3A_118 = tpu.matmul %sub3A_111, %get3A_105, %dot_general3A_117 {dimension_numbers = #tpu.dot_dimension_numbers<[1], [0], [0], [1], [0, 0, 1, 1], [], []>, transpose_lhs_hint = false} : vector<1280x32xf32>, vector<32x128xf32>, vector<1280x128xf32> -> vector<1280x128xf32>
    %add3A_119 = arith.addf %add3A_116, %dot_general3A_118 : vector<1280x128xf32>
    %mul3A_120 = arith.mulf %add3A_119, %add3A_102 : vector<1280x128xf32>
    %get3A_121 = arith.constant 256 : index
    %get3A_122 = arith.constant 0 : index
    %get3A_123 = vector.load %arg6[%get3A_121, %get3A_122] : memref<1024x32xf32, #tpu.memory_space<vmem>>, vector<128x32xf32>
    %convert_element_type3A_124 = arith.truncf %mul3A_120 : vector<1280x128xf32> to vector<1280x128xbf16>
    %convert_element_type3A_125 = arith.extf %convert_element_type3A_124 : vector<1280x128xbf16> to vector<1280x128xf32>
    %sub3A_126 = arith.subf %mul3A_120, %convert_element_type3A_125 : vector<1280x128xf32>
    %convert_element_type3A_127 = arith.truncf %sub3A_126 : vector<1280x128xf32> to vector<1280x128xbf16>
    %convert_element_type3A_128 = arith.extf %convert_element_type3A_127 : vector<1280x128xbf16> to vector<1280x128xf32>
    %sub3A_129 = arith.subf %sub3A_126, %convert_element_type3A_128 : vector<1280x128xf32>
    %dot_general3A_130 = arith.constant dense<0.000000e+00> : vector<1280x32xf32>
    %dot_general3A_131 = tpu.matmul %convert_element_type3A_125, %get3A_123, %dot_general3A_130 {dimension_numbers = #tpu.dot_dimension_numbers<[1], [0], [0], [1], [0, 0, 1, 1], [], []>, transpose_lhs_hint = false} : vector<1280x128xf32>, vector<128x32xf32>, vector<1280x32xf32> -> vector<1280x32xf32>
    %dot_general3A_132 = arith.constant dense<0.000000e+00> : vector<1280x32xf32>
    %dot_general3A_133 = tpu.matmul %convert_element_type3A_128, %get3A_123, %dot_general3A_132 {dimension_numbers = #tpu.dot_dimension_numbers<[1], [0], [0], [1], [0, 0, 1, 1], [], []>, transpose_lhs_hint = false} : vector<1280x128xf32>, vector<128x32xf32>, vector<1280x32xf32> -> vector<1280x32xf32>
    %add3A_134 = arith.addf %dot_general3A_131, %dot_general3A_133 : vector<1280x32xf32>
    %dot_general3A_135 = arith.constant dense<0.000000e+00> : vector<1280x32xf32>
    %dot_general3A_136 = tpu.matmul %sub3A_129, %get3A_123, %dot_general3A_135 {dimension_numbers = #tpu.dot_dimension_numbers<[1], [0], [0], [1], [0, 0, 1, 1], [], []>, transpose_lhs_hint = false} : vector<1280x128xf32>, vector<128x32xf32>, vector<1280x32xf32> -> vector<1280x32xf32>
    %add3A_137 = arith.addf %add3A_134, %dot_general3A_136 : vector<1280x32xf32>
    %add3A_138 = arith.addf %add3A_92, %add3A_137 : vector<1280x32xf32>
    %get3A_139 = arith.constant 0 : index
    %get3A_140 = arith.constant 384 : index
    %get3A_141 = vector.load %arg3[%get3A_139, %get3A_140] : memref<32x1024xf32, #tpu.memory_space<vmem>>, vector<32x128xf32>
    %dot_general3A_142 = arith.constant dense<0.000000e+00> : vector<1280x128xf32>
    %dot_general3A_143 = tpu.matmul %get3A_1, %get3A_141, %dot_general3A_142 {dimension_numbers = #tpu.dot_dimension_numbers<[1], [0], [0], [1], [0, 0, 1, 1], [], []>, precision = #tpu.contract_precision<fp32>, transpose_lhs_hint = false} : vector<1280x32xf32>, vector<32x128xf32>, vector<1280x128xf32> -> vector<1280x128xf32>
    %get3A_144 = arith.constant 0 : index
    %get3A_145 = arith.constant 384 : index
    %get3A_146 = vector.load %arg4[%get3A_144, %get3A_145] : memref<1x1024xf32, #tpu.memory_space<vmem>>, vector<1x128xf32>
    %add3A_147 = vector.broadcast %get3A_146 : vector<1x128xf32> to vector<1280x128xf32>
    %add3A_148 = arith.addf %dot_general3A_143, %add3A_147 : vector<1280x128xf32>
    %get3A_149 = arith.constant 0 : index
    %get3A_150 = arith.constant 384 : index
    %get3A_151 = vector.load %arg5[%get3A_149, %get3A_150] : memref<32x1024xf32, #tpu.memory_space<vmem>>, vector<32x128xf32>
    %convert_element_type3A_152 = arith.truncf %get3A_4 : vector<1280x32xf32> to vector<1280x32xbf16>
    %convert_element_type3A_153 = arith.extf %convert_element_type3A_152 : vector<1280x32xbf16> to vector<1280x32xf32>
    %sub3A_154 = arith.subf %get3A_4, %convert_element_type3A_153 : vector<1280x32xf32>
    %convert_element_type3A_155 = arith.truncf %sub3A_154 : vector<1280x32xf32> to vector<1280x32xbf16>
    %convert_element_type3A_156 = arith.extf %convert_element_type3A_155 : vector<1280x32xbf16> to vector<1280x32xf32>
    %sub3A_157 = arith.subf %sub3A_154, %convert_element_type3A_156 : vector<1280x32xf32>
    %dot_general3A_158 = arith.constant dense<0.000000e+00> : vector<1280x128xf32>
    %dot_general3A_159 = tpu.matmul %convert_element_type3A_153, %get3A_151, %dot_general3A_158 {dimension_numbers = #tpu.dot_dimension_numbers<[1], [0], [0], [1], [0, 0, 1, 1], [], []>, transpose_lhs_hint = false} : vector<1280x32xf32>, vector<32x128xf32>, vector<1280x128xf32> -> vector<1280x128xf32>
    %dot_general3A_160 = arith.constant dense<0.000000e+00> : vector<1280x128xf32>
    %dot_general3A_161 = tpu.matmul %convert_element_type3A_156, %get3A_151, %dot_general3A_160 {dimension_numbers = #tpu.dot_dimension_numbers<[1], [0], [0], [1], [0, 0, 1, 1], [], []>, transpose_lhs_hint = false} : vector<1280x32xf32>, vector<32x128xf32>, vector<1280x128xf32> -> vector<1280x128xf32>
    %add3A_162 = arith.addf %dot_general3A_159, %dot_general3A_161 : vector<1280x128xf32>
    %dot_general3A_163 = arith.constant dense<0.000000e+00> : vector<1280x128xf32>
    %dot_general3A_164 = tpu.matmul %sub3A_157, %get3A_151, %dot_general3A_163 {dimension_numbers = #tpu.dot_dimension_numbers<[1], [0], [0], [1], [0, 0, 1, 1], [], []>, transpose_lhs_hint = false} : vector<1280x32xf32>, vector<32x128xf32>, vector<1280x128xf32> -> vector<1280x128xf32>
    %add3A_165 = arith.addf %add3A_162, %dot_general3A_164 : vector<1280x128xf32>
    %mul3A_166 = arith.mulf %add3A_165, %add3A_148 : vector<1280x128xf32>
    %get3A_167 = arith.constant 384 : index
    %get3A_168 = arith.constant 0 : index
    %get3A_169 = vector.load %arg6[%get3A_167, %get3A_168] : memref<1024x32xf32, #tpu.memory_space<vmem>>, vector<128x32xf32>
    %convert_element_type3A_170 = arith.truncf %mul3A_166 : vector<1280x128xf32> to vector<1280x128xbf16>
    %convert_element_type3A_171 = arith.extf %convert_element_type3A_170 : vector<1280x128xbf16> to vector<1280x128xf32>
    %sub3A_172 = arith.subf %mul3A_166, %convert_element_type3A_171 : vector<1280x128xf32>
    %convert_element_type3A_173 = arith.truncf %sub3A_172 : vector<1280x128xf32> to vector<1280x128xbf16>
    %convert_element_type3A_174 = arith.extf %convert_element_type3A_173 : vector<1280x128xbf16> to vector<1280x128xf32>
    %sub3A_175 = arith.subf %sub3A_172, %convert_element_type3A_174 : vector<1280x128xf32>
    %dot_general3A_176 = arith.constant dense<0.000000e+00> : vector<1280x32xf32>
    %dot_general3A_177 = tpu.matmul %convert_element_type3A_171, %get3A_169, %dot_general3A_176 {dimension_numbers = #tpu.dot_dimension_numbers<[1], [0], [0], [1], [0, 0, 1, 1], [], []>, transpose_lhs_hint = false} : vector<1280x128xf32>, vector<128x32xf32>, vector<1280x32xf32> -> vector<1280x32xf32>
    %dot_general3A_178 = arith.constant dense<0.000000e+00> : vector<1280x32xf32>
    %dot_general3A_179 = tpu.matmul %convert_element_type3A_174, %get3A_169, %dot_general3A_178 {dimension_numbers = #tpu.dot_dimension_numbers<[1], [0], [0], [1], [0, 0, 1, 1], [], []>, transpose_lhs_hint = false} : vector<1280x128xf32>, vector<128x32xf32>, vector<1280x32xf32> -> vector<1280x32xf32>
    %add3A_180 = arith.addf %dot_general3A_177, %dot_general3A_179 : vector<1280x32xf32>
    %dot_general3A_181 = arith.constant dense<0.000000e+00> : vector<1280x32xf32>
    %dot_general3A_182 = tpu.matmul %sub3A_175, %get3A_169, %dot_general3A_181 {dimension_numbers = #tpu.dot_dimension_numbers<[1], [0], [0], [1], [0, 0, 1, 1], [], []>, transpose_lhs_hint = false} : vector<1280x128xf32>, vector<128x32xf32>, vector<1280x32xf32> -> vector<1280x32xf32>
    %add3A_183 = arith.addf %add3A_180, %dot_general3A_182 : vector<1280x32xf32>
    %add3A_184 = arith.addf %add3A_138, %add3A_183 : vector<1280x32xf32>
    %get3A_185 = arith.constant 0 : index
    %get3A_186 = arith.constant 512 : index
    %get3A_187 = vector.load %arg3[%get3A_185, %get3A_186] : memref<32x1024xf32, #tpu.memory_space<vmem>>, vector<32x128xf32>
    %dot_general3A_188 = arith.constant dense<0.000000e+00> : vector<1280x128xf32>
    %dot_general3A_189 = tpu.matmul %get3A_1, %get3A_187, %dot_general3A_188 {dimension_numbers = #tpu.dot_dimension_numbers<[1], [0], [0], [1], [0, 0, 1, 1], [], []>, precision = #tpu.contract_precision<fp32>, transpose_lhs_hint = false} : vector<1280x32xf32>, vector<32x128xf32>, vector<1280x128xf32> -> vector<1280x128xf32>
    %get3A_190 = arith.constant 0 : index
    %get3A_191 = arith.constant 512 : index
    %get3A_192 = vector.load %arg4[%get3A_190, %get3A_191] : memref<1x1024xf32, #tpu.memory_space<vmem>>, vector<1x128xf32>
    %add3A_193 = vector.broadcast %get3A_192 : vector<1x128xf32> to vector<1280x128xf32>
    %add3A_194 = arith.addf %dot_general3A_189, %add3A_193 : vector<1280x128xf32>
    %get3A_195 = arith.constant 0 : index
    %get3A_196 = arith.constant 512 : index
    %get3A_197 = vector.load %arg5[%get3A_195, %get3A_196] : memref<32x1024xf32, #tpu.memory_space<vmem>>, vector<32x128xf32>
    %convert_element_type3A_198 = arith.truncf %get3A_4 : vector<1280x32xf32> to vector<1280x32xbf16>
    %convert_element_type3A_199 = arith.extf %convert_element_type3A_198 : vector<1280x32xbf16> to vector<1280x32xf32>
    %sub3A_200 = arith.subf %get3A_4, %convert_element_type3A_199 : vector<1280x32xf32>
    %convert_element_type3A_201 = arith.truncf %sub3A_200 : vector<1280x32xf32> to vector<1280x32xbf16>
    %convert_element_type3A_202 = arith.extf %convert_element_type3A_201 : vector<1280x32xbf16> to vector<1280x32xf32>
    %sub3A_203 = arith.subf %sub3A_200, %convert_element_type3A_202 : vector<1280x32xf32>
    %dot_general3A_204 = arith.constant dense<0.000000e+00> : vector<1280x128xf32>
    %dot_general3A_205 = tpu.matmul %convert_element_type3A_199, %get3A_197, %dot_general3A_204 {dimension_numbers = #tpu.dot_dimension_numbers<[1], [0], [0], [1], [0, 0, 1, 1], [], []>, transpose_lhs_hint = false} : vector<1280x32xf32>, vector<32x128xf32>, vector<1280x128xf32> -> vector<1280x128xf32>
    %dot_general3A_206 = arith.constant dense<0.000000e+00> : vector<1280x128xf32>
    %dot_general3A_207 = tpu.matmul %convert_element_type3A_202, %get3A_197, %dot_general3A_206 {dimension_numbers = #tpu.dot_dimension_numbers<[1], [0], [0], [1], [0, 0, 1, 1], [], []>, transpose_lhs_hint = false} : vector<1280x32xf32>, vector<32x128xf32>, vector<1280x128xf32> -> vector<1280x128xf32>
    %add3A_208 = arith.addf %dot_general3A_205, %dot_general3A_207 : vector<1280x128xf32>
    %dot_general3A_209 = arith.constant dense<0.000000e+00> : vector<1280x128xf32>
    %dot_general3A_210 = tpu.matmul %sub3A_203, %get3A_197, %dot_general3A_209 {dimension_numbers = #tpu.dot_dimension_numbers<[1], [0], [0], [1], [0, 0, 1, 1], [], []>, transpose_lhs_hint = false} : vector<1280x32xf32>, vector<32x128xf32>, vector<1280x128xf32> -> vector<1280x128xf32>
    %add3A_211 = arith.addf %add3A_208, %dot_general3A_210 : vector<1280x128xf32>
    %mul3A_212 = arith.mulf %add3A_211, %add3A_194 : vector<1280x128xf32>
    %get3A_213 = arith.constant 512 : index
    %get3A_214 = arith.constant 0 : index
    %get3A_215 = vector.load %arg6[%get3A_213, %get3A_214] : memref<1024x32xf32, #tpu.memory_space<vmem>>, vector<128x32xf32>
    %convert_element_type3A_216 = arith.truncf %mul3A_212 : vector<1280x128xf32> to vector<1280x128xbf16>
    %convert_element_type3A_217 = arith.extf %convert_element_type3A_216 : vector<1280x128xbf16> to vector<1280x128xf32>
    %sub3A_218 = arith.subf %mul3A_212, %convert_element_type3A_217 : vector<1280x128xf32>
    %convert_element_type3A_219 = arith.truncf %sub3A_218 : vector<1280x128xf32> to vector<1280x128xbf16>
    %convert_element_type3A_220 = arith.extf %convert_element_type3A_219 : vector<1280x128xbf16> to vector<1280x128xf32>
    %sub3A_221 = arith.subf %sub3A_218, %convert_element_type3A_220 : vector<1280x128xf32>
    %dot_general3A_222 = arith.constant dense<0.000000e+00> : vector<1280x32xf32>
    %dot_general3A_223 = tpu.matmul %convert_element_type3A_217, %get3A_215, %dot_general3A_222 {dimension_numbers = #tpu.dot_dimension_numbers<[1], [0], [0], [1], [0, 0, 1, 1], [], []>, transpose_lhs_hint = false} : vector<1280x128xf32>, vector<128x32xf32>, vector<1280x32xf32> -> vector<1280x32xf32>
    %dot_general3A_224 = arith.constant dense<0.000000e+00> : vector<1280x32xf32>
    %dot_general3A_225 = tpu.matmul %convert_element_type3A_220, %get3A_215, %dot_general3A_224 {dimension_numbers = #tpu.dot_dimension_numbers<[1], [0], [0], [1], [0, 0, 1, 1], [], []>, transpose_lhs_hint = false} : vector<1280x128xf32>, vector<128x32xf32>, vector<1280x32xf32> -> vector<1280x32xf32>
    %add3A_226 = arith.addf %dot_general3A_223, %dot_general3A_225 : vector<1280x32xf32>
    %dot_general3A_227 = arith.constant dense<0.000000e+00> : vector<1280x32xf32>
    %dot_general3A_228 = tpu.matmul %sub3A_221, %get3A_215, %dot_general3A_227 {dimension_numbers = #tpu.dot_dimension_numbers<[1], [0], [0], [1], [0, 0, 1, 1], [], []>, transpose_lhs_hint = false} : vector<1280x128xf32>, vector<128x32xf32>, vector<1280x32xf32> -> vector<1280x32xf32>
    %add3A_229 = arith.addf %add3A_226, %dot_general3A_228 : vector<1280x32xf32>
    %add3A_230 = arith.addf %add3A_184, %add3A_229 : vector<1280x32xf32>
    %get3A_231 = arith.constant 0 : index
    %get3A_232 = arith.constant 640 : index
    %get3A_233 = vector.load %arg3[%get3A_231, %get3A_232] : memref<32x1024xf32, #tpu.memory_space<vmem>>, vector<32x128xf32>
    %dot_general3A_234 = arith.constant dense<0.000000e+00> : vector<1280x128xf32>
    %dot_general3A_235 = tpu.matmul %get3A_1, %get3A_233, %dot_general3A_234 {dimension_numbers = #tpu.dot_dimension_numbers<[1], [0], [0], [1], [0, 0, 1, 1], [], []>, precision = #tpu.contract_precision<fp32>, transpose_lhs_hint = false} : vector<1280x32xf32>, vector<32x128xf32>, vector<1280x128xf32> -> vector<1280x128xf32>
    %get3A_236 = arith.constant 0 : index
    %get3A_237 = arith.constant 640 : index
    %get3A_238 = vector.load %arg4[%get3A_236, %get3A_237] : memref<1x1024xf32, #tpu.memory_space<vmem>>, vector<1x128xf32>
    %add3A_239 = vector.broadcast %get3A_238 : vector<1x128xf32> to vector<1280x128xf32>
    %add3A_240 = arith.addf %dot_general3A_235, %add3A_239 : vector<1280x128xf32>
    %get3A_241 = arith.constant 0 : index
    %get3A_242 = arith.constant 640 : index
    %get3A_243 = vector.load %arg5[%get3A_241, %get3A_242] : memref<32x1024xf32, #tpu.memory_space<vmem>>, vector<32x128xf32>
    %convert_element_type3A_244 = arith.truncf %get3A_4 : vector<1280x32xf32> to vector<1280x32xbf16>
    %convert_element_type3A_245 = arith.extf %convert_element_type3A_244 : vector<1280x32xbf16> to vector<1280x32xf32>
    %sub3A_246 = arith.subf %get3A_4, %convert_element_type3A_245 : vector<1280x32xf32>
    %convert_element_type3A_247 = arith.truncf %sub3A_246 : vector<1280x32xf32> to vector<1280x32xbf16>
    %convert_element_type3A_248 = arith.extf %convert_element_type3A_247 : vector<1280x32xbf16> to vector<1280x32xf32>
    %sub3A_249 = arith.subf %sub3A_246, %convert_element_type3A_248 : vector<1280x32xf32>
    %dot_general3A_250 = arith.constant dense<0.000000e+00> : vector<1280x128xf32>
    %dot_general3A_251 = tpu.matmul %convert_element_type3A_245, %get3A_243, %dot_general3A_250 {dimension_numbers = #tpu.dot_dimension_numbers<[1], [0], [0], [1], [0, 0, 1, 1], [], []>, transpose_lhs_hint = false} : vector<1280x32xf32>, vector<32x128xf32>, vector<1280x128xf32> -> vector<1280x128xf32>
    %dot_general3A_252 = arith.constant dense<0.000000e+00> : vector<1280x128xf32>
    %dot_general3A_253 = tpu.matmul %convert_element_type3A_248, %get3A_243, %dot_general3A_252 {dimension_numbers = #tpu.dot_dimension_numbers<[1], [0], [0], [1], [0, 0, 1, 1], [], []>, transpose_lhs_hint = false} : vector<1280x32xf32>, vector<32x128xf32>, vector<1280x128xf32> -> vector<1280x128xf32>
    %add3A_254 = arith.addf %dot_general3A_251, %dot_general3A_253 : vector<1280x128xf32>
    %dot_general3A_255 = arith.constant dense<0.000000e+00> : vector<1280x128xf32>
    %dot_general3A_256 = tpu.matmul %sub3A_249, %get3A_243, %dot_general3A_255 {dimension_numbers = #tpu.dot_dimension_numbers<[1], [0], [0], [1], [0, 0, 1, 1], [], []>, transpose_lhs_hint = false} : vector<1280x32xf32>, vector<32x128xf32>, vector<1280x128xf32> -> vector<1280x128xf32>
    %add3A_257 = arith.addf %add3A_254, %dot_general3A_256 : vector<1280x128xf32>
    %mul3A_258 = arith.mulf %add3A_257, %add3A_240 : vector<1280x128xf32>
    %get3A_259 = arith.constant 640 : index
    %get3A_260 = arith.constant 0 : index
    %get3A_261 = vector.load %arg6[%get3A_259, %get3A_260] : memref<1024x32xf32, #tpu.memory_space<vmem>>, vector<128x32xf32>
    %convert_element_type3A_262 = arith.truncf %mul3A_258 : vector<1280x128xf32> to vector<1280x128xbf16>
    %convert_element_type3A_263 = arith.extf %convert_element_type3A_262 : vector<1280x128xbf16> to vector<1280x128xf32>
    %sub3A_264 = arith.subf %mul3A_258, %convert_element_type3A_263 : vector<1280x128xf32>
    %convert_element_type3A_265 = arith.truncf %sub3A_264 : vector<1280x128xf32> to vector<1280x128xbf16>
    %convert_element_type3A_266 = arith.extf %convert_element_type3A_265 : vector<1280x128xbf16> to vector<1280x128xf32>
    %sub3A_267 = arith.subf %sub3A_264, %convert_element_type3A_266 : vector<1280x128xf32>
    %dot_general3A_268 = arith.constant dense<0.000000e+00> : vector<1280x32xf32>
    %dot_general3A_269 = tpu.matmul %convert_element_type3A_263, %get3A_261, %dot_general3A_268 {dimension_numbers = #tpu.dot_dimension_numbers<[1], [0], [0], [1], [0, 0, 1, 1], [], []>, transpose_lhs_hint = false} : vector<1280x128xf32>, vector<128x32xf32>, vector<1280x32xf32> -> vector<1280x32xf32>
    %dot_general3A_270 = arith.constant dense<0.000000e+00> : vector<1280x32xf32>
    %dot_general3A_271 = tpu.matmul %convert_element_type3A_266, %get3A_261, %dot_general3A_270 {dimension_numbers = #tpu.dot_dimension_numbers<[1], [0], [0], [1], [0, 0, 1, 1], [], []>, transpose_lhs_hint = false} : vector<1280x128xf32>, vector<128x32xf32>, vector<1280x32xf32> -> vector<1280x32xf32>
    %add3A_272 = arith.addf %dot_general3A_269, %dot_general3A_271 : vector<1280x32xf32>
    %dot_general3A_273 = arith.constant dense<0.000000e+00> : vector<1280x32xf32>
    %dot_general3A_274 = tpu.matmul %sub3A_267, %get3A_261, %dot_general3A_273 {dimension_numbers = #tpu.dot_dimension_numbers<[1], [0], [0], [1], [0, 0, 1, 1], [], []>, transpose_lhs_hint = false} : vector<1280x128xf32>, vector<128x32xf32>, vector<1280x32xf32> -> vector<1280x32xf32>
    %add3A_275 = arith.addf %add3A_272, %dot_general3A_274 : vector<1280x32xf32>
    %add3A_276 = arith.addf %add3A_230, %add3A_275 : vector<1280x32xf32>
    %get3A_277 = arith.constant 0 : index
    %get3A_278 = arith.constant 768 : index
    %get3A_279 = vector.load %arg3[%get3A_277, %get3A_278] : memref<32x1024xf32, #tpu.memory_space<vmem>>, vector<32x128xf32>
    %dot_general3A_280 = arith.constant dense<0.000000e+00> : vector<1280x128xf32>
    %dot_general3A_281 = tpu.matmul %get3A_1, %get3A_279, %dot_general3A_280 {dimension_numbers = #tpu.dot_dimension_numbers<[1], [0], [0], [1], [0, 0, 1, 1], [], []>, precision = #tpu.contract_precision<fp32>, transpose_lhs_hint = false} : vector<1280x32xf32>, vector<32x128xf32>, vector<1280x128xf32> -> vector<1280x128xf32>
    %get3A_282 = arith.constant 0 : index
    %get3A_283 = arith.constant 768 : index
    %get3A_284 = vector.load %arg4[%get3A_282, %get3A_283] : memref<1x1024xf32, #tpu.memory_space<vmem>>, vector<1x128xf32>
    %add3A_285 = vector.broadcast %get3A_284 : vector<1x128xf32> to vector<1280x128xf32>
    %add3A_286 = arith.addf %dot_general3A_281, %add3A_285 : vector<1280x128xf32>
    %get3A_287 = arith.constant 0 : index
    %get3A_288 = arith.constant 768 : index
    %get3A_289 = vector.load %arg5[%get3A_287, %get3A_288] : memref<32x1024xf32, #tpu.memory_space<vmem>>, vector<32x128xf32>
    %convert_element_type3A_290 = arith.truncf %get3A_4 : vector<1280x32xf32> to vector<1280x32xbf16>
    %convert_element_type3A_291 = arith.extf %convert_element_type3A_290 : vector<1280x32xbf16> to vector<1280x32xf32>
    %sub3A_292 = arith.subf %get3A_4, %convert_element_type3A_291 : vector<1280x32xf32>
    %convert_element_type3A_293 = arith.truncf %sub3A_292 : vector<1280x32xf32> to vector<1280x32xbf16>
    %convert_element_type3A_294 = arith.extf %convert_element_type3A_293 : vector<1280x32xbf16> to vector<1280x32xf32>
    %sub3A_295 = arith.subf %sub3A_292, %convert_element_type3A_294 : vector<1280x32xf32>
    %dot_general3A_296 = arith.constant dense<0.000000e+00> : vector<1280x128xf32>
    %dot_general3A_297 = tpu.matmul %convert_element_type3A_291, %get3A_289, %dot_general3A_296 {dimension_numbers = #tpu.dot_dimension_numbers<[1], [0], [0], [1], [0, 0, 1, 1], [], []>, transpose_lhs_hint = false} : vector<1280x32xf32>, vector<32x128xf32>, vector<1280x128xf32> -> vector<1280x128xf32>
    %dot_general3A_298 = arith.constant dense<0.000000e+00> : vector<1280x128xf32>
    %dot_general3A_299 = tpu.matmul %convert_element_type3A_294, %get3A_289, %dot_general3A_298 {dimension_numbers = #tpu.dot_dimension_numbers<[1], [0], [0], [1], [0, 0, 1, 1], [], []>, transpose_lhs_hint = false} : vector<1280x32xf32>, vector<32x128xf32>, vector<1280x128xf32> -> vector<1280x128xf32>
    %add3A_300 = arith.addf %dot_general3A_297, %dot_general3A_299 : vector<1280x128xf32>
    %dot_general3A_301 = arith.constant dense<0.000000e+00> : vector<1280x128xf32>
    %dot_general3A_302 = tpu.matmul %sub3A_295, %get3A_289, %dot_general3A_301 {dimension_numbers = #tpu.dot_dimension_numbers<[1], [0], [0], [1], [0, 0, 1, 1], [], []>, transpose_lhs_hint = false} : vector<1280x32xf32>, vector<32x128xf32>, vector<1280x128xf32> -> vector<1280x128xf32>
    %add3A_303 = arith.addf %add3A_300, %dot_general3A_302 : vector<1280x128xf32>
    %mul3A_304 = arith.mulf %add3A_303, %add3A_286 : vector<1280x128xf32>
    %get3A_305 = arith.constant 768 : index
    %get3A_306 = arith.constant 0 : index
    %get3A_307 = vector.load %arg6[%get3A_305, %get3A_306] : memref<1024x32xf32, #tpu.memory_space<vmem>>, vector<128x32xf32>
    %convert_element_type3A_308 = arith.truncf %mul3A_304 : vector<1280x128xf32> to vector<1280x128xbf16>
    %convert_element_type3A_309 = arith.extf %convert_element_type3A_308 : vector<1280x128xbf16> to vector<1280x128xf32>
    %sub3A_310 = arith.subf %mul3A_304, %convert_element_type3A_309 : vector<1280x128xf32>
    %convert_element_type3A_311 = arith.truncf %sub3A_310 : vector<1280x128xf32> to vector<1280x128xbf16>
    %convert_element_type3A_312 = arith.extf %convert_element_type3A_311 : vector<1280x128xbf16> to vector<1280x128xf32>
    %sub3A_313 = arith.subf %sub3A_310, %convert_element_type3A_312 : vector<1280x128xf32>
    %dot_general3A_314 = arith.constant dense<0.000000e+00> : vector<1280x32xf32>
    %dot_general3A_315 = tpu.matmul %convert_element_type3A_309, %get3A_307, %dot_general3A_314 {dimension_numbers = #tpu.dot_dimension_numbers<[1], [0], [0], [1], [0, 0, 1, 1], [], []>, transpose_lhs_hint = false} : vector<1280x128xf32>, vector<128x32xf32>, vector<1280x32xf32> -> vector<1280x32xf32>
    %dot_general3A_316 = arith.constant dense<0.000000e+00> : vector<1280x32xf32>
    %dot_general3A_317 = tpu.matmul %convert_element_type3A_312, %get3A_307, %dot_general3A_316 {dimension_numbers = #tpu.dot_dimension_numbers<[1], [0], [0], [1], [0, 0, 1, 1], [], []>, transpose_lhs_hint = false} : vector<1280x128xf32>, vector<128x32xf32>, vector<1280x32xf32> -> vector<1280x32xf32>
    %add3A_318 = arith.addf %dot_general3A_315, %dot_general3A_317 : vector<1280x32xf32>
    %dot_general3A_319 = arith.constant dense<0.000000e+00> : vector<1280x32xf32>
    %dot_general3A_320 = tpu.matmul %sub3A_313, %get3A_307, %dot_general3A_319 {dimension_numbers = #tpu.dot_dimension_numbers<[1], [0], [0], [1], [0, 0, 1, 1], [], []>, transpose_lhs_hint = false} : vector<1280x128xf32>, vector<128x32xf32>, vector<1280x32xf32> -> vector<1280x32xf32>
    %add3A_321 = arith.addf %add3A_318, %dot_general3A_320 : vector<1280x32xf32>
    %add3A_322 = arith.addf %add3A_276, %add3A_321 : vector<1280x32xf32>
    %get3A_323 = arith.constant 0 : index
    %get3A_324 = arith.constant 896 : index
    %get3A_325 = vector.load %arg3[%get3A_323, %get3A_324] : memref<32x1024xf32, #tpu.memory_space<vmem>>, vector<32x128xf32>
    %dot_general3A_326 = arith.constant dense<0.000000e+00> : vector<1280x128xf32>
    %dot_general3A_327 = tpu.matmul %get3A_1, %get3A_325, %dot_general3A_326 {dimension_numbers = #tpu.dot_dimension_numbers<[1], [0], [0], [1], [0, 0, 1, 1], [], []>, precision = #tpu.contract_precision<fp32>, transpose_lhs_hint = false} : vector<1280x32xf32>, vector<32x128xf32>, vector<1280x128xf32> -> vector<1280x128xf32>
    %get3A_328 = arith.constant 0 : index
    %get3A_329 = arith.constant 896 : index
    %get3A_330 = vector.load %arg4[%get3A_328, %get3A_329] : memref<1x1024xf32, #tpu.memory_space<vmem>>, vector<1x128xf32>
    %add3A_331 = vector.broadcast %get3A_330 : vector<1x128xf32> to vector<1280x128xf32>
    %add3A_332 = arith.addf %dot_general3A_327, %add3A_331 : vector<1280x128xf32>
    %get3A_333 = arith.constant 0 : index
    %get3A_334 = arith.constant 896 : index
    %get3A_335 = vector.load %arg5[%get3A_333, %get3A_334] : memref<32x1024xf32, #tpu.memory_space<vmem>>, vector<32x128xf32>
    %convert_element_type3A_336 = arith.truncf %get3A_4 : vector<1280x32xf32> to vector<1280x32xbf16>
    %convert_element_type3A_337 = arith.extf %convert_element_type3A_336 : vector<1280x32xbf16> to vector<1280x32xf32>
    %sub3A_338 = arith.subf %get3A_4, %convert_element_type3A_337 : vector<1280x32xf32>
    %convert_element_type3A_339 = arith.truncf %sub3A_338 : vector<1280x32xf32> to vector<1280x32xbf16>
    %convert_element_type3A_340 = arith.extf %convert_element_type3A_339 : vector<1280x32xbf16> to vector<1280x32xf32>
    %sub3A_341 = arith.subf %sub3A_338, %convert_element_type3A_340 : vector<1280x32xf32>
    %dot_general3A_342 = arith.constant dense<0.000000e+00> : vector<1280x128xf32>
    %dot_general3A_343 = tpu.matmul %convert_element_type3A_337, %get3A_335, %dot_general3A_342 {dimension_numbers = #tpu.dot_dimension_numbers<[1], [0], [0], [1], [0, 0, 1, 1], [], []>, transpose_lhs_hint = false} : vector<1280x32xf32>, vector<32x128xf32>, vector<1280x128xf32> -> vector<1280x128xf32>
    %dot_general3A_344 = arith.constant dense<0.000000e+00> : vector<1280x128xf32>
    %dot_general3A_345 = tpu.matmul %convert_element_type3A_340, %get3A_335, %dot_general3A_344 {dimension_numbers = #tpu.dot_dimension_numbers<[1], [0], [0], [1], [0, 0, 1, 1], [], []>, transpose_lhs_hint = false} : vector<1280x32xf32>, vector<32x128xf32>, vector<1280x128xf32> -> vector<1280x128xf32>
    %add3A_346 = arith.addf %dot_general3A_343, %dot_general3A_345 : vector<1280x128xf32>
    %dot_general3A_347 = arith.constant dense<0.000000e+00> : vector<1280x128xf32>
    %dot_general3A_348 = tpu.matmul %sub3A_341, %get3A_335, %dot_general3A_347 {dimension_numbers = #tpu.dot_dimension_numbers<[1], [0], [0], [1], [0, 0, 1, 1], [], []>, transpose_lhs_hint = false} : vector<1280x32xf32>, vector<32x128xf32>, vector<1280x128xf32> -> vector<1280x128xf32>
    %add3A_349 = arith.addf %add3A_346, %dot_general3A_348 : vector<1280x128xf32>
    %mul3A_350 = arith.mulf %add3A_349, %add3A_332 : vector<1280x128xf32>
    %get3A_351 = arith.constant 896 : index
    %get3A_352 = arith.constant 0 : index
    %get3A_353 = vector.load %arg6[%get3A_351, %get3A_352] : memref<1024x32xf32, #tpu.memory_space<vmem>>, vector<128x32xf32>
    %convert_element_type3A_354 = arith.truncf %mul3A_350 : vector<1280x128xf32> to vector<1280x128xbf16>
    %convert_element_type3A_355 = arith.extf %convert_element_type3A_354 : vector<1280x128xbf16> to vector<1280x128xf32>
    %sub3A_356 = arith.subf %mul3A_350, %convert_element_type3A_355 : vector<1280x128xf32>
    %convert_element_type3A_357 = arith.truncf %sub3A_356 : vector<1280x128xf32> to vector<1280x128xbf16>
    %convert_element_type3A_358 = arith.extf %convert_element_type3A_357 : vector<1280x128xbf16> to vector<1280x128xf32>
    %sub3A_359 = arith.subf %sub3A_356, %convert_element_type3A_358 : vector<1280x128xf32>
    %dot_general3A_360 = arith.constant dense<0.000000e+00> : vector<1280x32xf32>
    %dot_general3A_361 = tpu.matmul %convert_element_type3A_355, %get3A_353, %dot_general3A_360 {dimension_numbers = #tpu.dot_dimension_numbers<[1], [0], [0], [1], [0, 0, 1, 1], [], []>, transpose_lhs_hint = false} : vector<1280x128xf32>, vector<128x32xf32>, vector<1280x32xf32> -> vector<1280x32xf32>
    %dot_general3A_362 = arith.constant dense<0.000000e+00> : vector<1280x32xf32>
    %dot_general3A_363 = tpu.matmul %convert_element_type3A_358, %get3A_353, %dot_general3A_362 {dimension_numbers = #tpu.dot_dimension_numbers<[1], [0], [0], [1], [0, 0, 1, 1], [], []>, transpose_lhs_hint = false} : vector<1280x128xf32>, vector<128x32xf32>, vector<1280x32xf32> -> vector<1280x32xf32>
    %add3A_364 = arith.addf %dot_general3A_361, %dot_general3A_363 : vector<1280x32xf32>
    %dot_general3A_365 = arith.constant dense<0.000000e+00> : vector<1280x32xf32>
    %dot_general3A_366 = tpu.matmul %sub3A_359, %get3A_353, %dot_general3A_365 {dimension_numbers = #tpu.dot_dimension_numbers<[1], [0], [0], [1], [0, 0, 1, 1], [], []>, transpose_lhs_hint = false} : vector<1280x128xf32>, vector<128x32xf32>, vector<1280x32xf32> -> vector<1280x32xf32>
    %add3A_367 = arith.addf %add3A_364, %dot_general3A_366 : vector<1280x32xf32>
    %add3A_368 = arith.addf %add3A_322, %add3A_367 : vector<1280x32xf32>
    %reshape3A = vector.shape_cast %add3A_368 : vector<1280x32xf32> to vector<80x16x32xf32>
    %reduce_sum3A = arith.constant dense<0.000000e+00> : vector<80x32xf32>
    %reduce_sum3A_369 = vector.multi_reduction <add>, %reshape3A, %reduce_sum3A [1] : vector<80x16x32xf32> to vector<80x32xf32>
    %get3A_370 = arith.constant 0 : index
    %get3A_371 = arith.constant 0 : index
    %get3A_372 = vector.load %arg7[%get3A_370, %get3A_371] : memref<1x32xf32, #tpu.memory_space<vmem>>, vector<1x32xf32>
    %add3A_373 = vector.broadcast %get3A_372 : vector<1x32xf32> to vector<80x32xf32>
    %add3A_374 = arith.addf %reduce_sum3A_369, %add3A_373 : vector<80x32xf32>
    %reduce_max3A = arith.constant dense<0xFF800000> : vector<32xf32>
    %reduce_max3A_375 = vector.multi_reduction <maximumf>, %add3A_374, %reduce_max3A [0] : vector<80x32xf32> to vector<32xf32>
    %broadcast_in_dim3A_376 = vector.shape_cast %reduce_max3A_375 : vector<32xf32> to vector<1x32xf32>
    %eq3A = arith.constant 0 : i32
    %eq3A_377 = arith.cmpi eq, %arg0, %eq3A : i32
    %convert_element_type3A_378 = arith.extui %eq3A_377 : i1 to i32
    %cond3A = arith.constant 0 : i32
    %cond3A_379 = arith.cmpi ne, %convert_element_type3A_378, %cond3A : i32
    scf.if %cond3A_379 {
      %swap3A = arith.constant 0 : index
      %swap3A_389 = arith.constant 0 : index
      %swap3A_390 = vector.load %arg15[%swap3A, %swap3A_389] : memref<1x32xf32, #tpu.memory_space<vmem>>, vector<1x32xf32>
      tpu.vector_store %arg15[%swap3A, %swap3A_389], %broadcast_in_dim3A_376 {strides = array<i32>} : memref<1x32xf32, #tpu.memory_space<vmem>>, vector<1x32xf32>,
    } else {
    }
    %gt3A = arith.constant 0 : i32
    %gt3A_380 = arith.cmpi sgt, %arg0, %gt3A : i32
    %convert_element_type3A_381 = arith.extui %gt3A_380 : i1 to i32
    %cond3A_382 = arith.constant 0 : i32
    %cond3A_383 = arith.cmpi ne, %convert_element_type3A_381, %cond3A_382 : i32
    scf.if %cond3A_383 {
      %get3A_389 = arith.constant 0 : index
      %get3A_390 = arith.constant 0 : index
      %get3A_391 = vector.load %arg15[%get3A_389, %get3A_390] : memref<1x32xf32, #tpu.memory_space<vmem>>, vector<1x32xf32>
      %max3A = arith.maximumf %get3A_391, %broadcast_in_dim3A_376 : vector<1x32xf32>
      %swap3A = arith.constant 0 : index
      %swap3A_392 = arith.constant 0 : index
      %swap3A_393 = vector.load %arg15[%swap3A, %swap3A_392] : memref<1x32xf32, #tpu.memory_space<vmem>>, vector<1x32xf32>
      tpu.vector_store %arg15[%swap3A, %swap3A_392], %max3A {strides = array<i32>} : memref<1x32xf32, #tpu.memory_space<vmem>>, vector<1x32xf32>,
    } else {
    }
    %eq3A_384 = arith.constant 124 : i32
    %eq3A_385 = arith.cmpi eq, %arg0, %eq3A_384 : i32
    %convert_element_type3A_386 = arith.extui %eq3A_385 : i1 to i32
    %cond3A_387 = arith.constant 0 : i32
    %cond3A_388 = arith.cmpi ne, %convert_element_type3A_386, %cond3A_387 : i32
    scf.if %cond3A_388 {
      %get3A_389 = arith.constant 0 : index
      %get3A_390 = arith.constant 0 : index
      %get3A_391 = vector.load %arg15[%get3A_389, %get3A_390] : memref<1x32xf32, #tpu.memory_space<vmem>>, vector<1x32xf32>
      %gt3A_392 = arith.constant 0.000000e+00 : f32
      %gt3A_393 = vector.broadcast %gt3A_392 : f32 to vector<1x32xf32>
      %gt3A_394 = arith.cmpf ogt, %get3A_391, %gt3A_393 : vector<1x32xf32>
      %exp3A = math.exp %get3A_391 : vector<1x32xf32>
      %sub3A_395 = arith.constant 1.000000e+00 : f32
      %sub3A_396 = vector.broadcast %sub3A_395 : f32 to vector<1x32xf32>
      %sub3A_397 = arith.subf %exp3A, %sub3A_396 : vector<1x32xf32>
      %select_n3A = arith.select %gt3A_394, %get3A_391, %sub3A_397 : vector<1x32xi1>, vector<1x32xf32>
      %get3A_398 = arith.constant 0 : index
      %get3A_399 = arith.constant 0 : index
      %get3A_400 = vector.load %arg8[%get3A_398, %get3A_399] : memref<32x32xf32, #tpu.memory_space<vmem>>, vector<32x32xf32>
      %dot_general3A_401 = arith.constant dense<0.000000e+00> : vector<1x32xf32>
      %dot_general3A_402 = tpu.matmul %select_n3A, %get3A_400, %dot_general3A_401 {dimension_numbers = #tpu.dot_dimension_numbers<[1], [0], [0], [1], [0, 0, 1, 1], [], []>, transpose_lhs_hint = false} : vector<1x32xf32>, vector<32x32xf32>, vector<1x32xf32> -> vector<1x32xf32>
      %get3A_403 = arith.constant 0 : index
      %get3A_404 = arith.constant 0 : index
      %get3A_405 = vector.load %arg9[%get3A_403, %get3A_404] : memref<1x32xf32, #tpu.memory_space<vmem>>, vector<1x32xf32>
      %add3A_406 = arith.addf %dot_general3A_402, %get3A_405 : vector<1x32xf32>
      %max3A = arith.constant 0.000000e+00 : f32
      %max3A_407 = vector.broadcast %max3A : f32 to vector<1x32xf32>
      %max3A_408 = arith.maximumf %add3A_406, %max3A_407 : vector<1x32xf32>
      %get3A_409 = arith.constant 0 : index
      %get3A_410 = arith.constant 0 : index
      %get3A_411 = vector.load %arg10[%get3A_409, %get3A_410] : memref<32x32xf32, #tpu.memory_space<vmem>>, vector<32x32xf32>
      %dot_general3A_412 = arith.constant dense<0.000000e+00> : vector<1x32xf32>
      %dot_general3A_413 = tpu.matmul %max3A_408, %get3A_411, %dot_general3A_412 {dimension_numbers = #tpu.dot_dimension_numbers<[1], [0], [0], [1], [0, 0, 1, 1], [], []>, transpose_lhs_hint = false} : vector<1x32xf32>, vector<32x32xf32>, vector<1x32xf32> -> vector<1x32xf32>
      %get3A_414 = arith.constant 0 : index
      %get3A_415 = arith.constant 0 : index
      %get3A_416 = vector.load %arg11[%get3A_414, %get3A_415] : memref<1x32xf32, #tpu.memory_space<vmem>>, vector<1x32xf32>
      %add3A_417 = arith.addf %dot_general3A_413, %get3A_416 : vector<1x32xf32>
      %max3A_418 = arith.constant 0.000000e+00 : f32
      %max3A_419 = vector.broadcast %max3A_418 : f32 to vector<1x32xf32>
      %max3A_420 = arith.maximumf %add3A_417, %max3A_419 : vector<1x32xf32>
      %get3A_421 = arith.constant 0 : index
      %get3A_422 = arith.constant 0 : index
      %get3A_423 = vector.load %arg12[%get3A_421, %get3A_422] : memref<32x1xf32, #tpu.memory_space<vmem>>, vector<32x1xf32>
      %dot_general3A_424 = arith.constant dense<0.000000e+00> : vector<1x1xf32>
      %dot_general3A_425 = tpu.matmul %max3A_420, %get3A_423, %dot_general3A_424 {dimension_numbers = #tpu.dot_dimension_numbers<[1], [0], [0], [1], [0, 0, 1, 1], [], []>, transpose_lhs_hint = false} : vector<1x32xf32>, vector<32x1xf32>, vector<1x1xf32> -> vector<1x1xf32>
      %get3A_426 = arith.constant 0 : index
      %get3A_427 = arith.constant 0 : index
      %get3A_428 = vector.load %arg13[%get3A_426, %get3A_427] : memref<1x1xf32, #tpu.memory_space<vmem>>, vector<1x1xf32>
      %add3A_429 = arith.addf %dot_general3A_425, %get3A_428 : vector<1x1xf32>
      %swap3A = arith.constant 0 : index
      %swap3A_430 = arith.constant 0 : index
      %swap3A_431 = vector.load %arg14[%swap3A, %swap3A_430] : memref<1x1xf32, #tpu.memory_space<vmem>>, vector<1x1xf32>
      tpu.vector_store %arg14[%swap3A, %swap3A_430], %add3A_429 {strides = array<i32>} : memref<1x1xf32, #tpu.memory_space<vmem>>, vector<1x1xf32>,
    } else {
    }
    return
  }
  func.func @transform_0(%arg0: i32) -> (i32, i32) {
    %c0_i32 = arith.constant 0 : i32
    %c0_i32_0 = arith.constant 0 : i32
    return %arg0, %c0_i32 : i32, i32
  }
  func.func @transform_1(%arg0: i32) -> (i32, i32) {
    %c0_i32 = arith.constant 0 : i32
    %c0_i32_0 = arith.constant 0 : i32
    return %arg0, %c0_i32 : i32, i32
  }
  func.func @transform_2(%arg0: i32) -> (i32, i32) {
    %c0_i32 = arith.constant 0 : i32
    %c0_i32_0 = arith.constant 0 : i32
    %c0_i32_1 = arith.constant 0 : i32
    return %c0_i32, %c0_i32_0 : i32, i32
  }
  func.func @transform_3(%arg0: i32) -> (i32, i32) {
    %c0_i32 = arith.constant 0 : i32
    %c0_i32_0 = arith.constant 0 : i32
    %c0_i32_1 = arith.constant 0 : i32
    return %c0_i32, %c0_i32_0 : i32, i32
  }
  func.func @transform_4(%arg0: i32) -> (i32, i32) {
    %c0_i32 = arith.constant 0 : i32
    %c0_i32_0 = arith.constant 0 : i32
    %c0_i32_1 = arith.constant 0 : i32
    return %c0_i32, %c0_i32_0 : i32, i32
  }
  func.func @transform_5(%arg0: i32) -> (i32, i32) {
    %c0_i32 = arith.constant 0 : i32
    %c0_i32_0 = arith.constant 0 : i32
    %c0_i32_1 = arith.constant 0 : i32
    return %c0_i32, %c0_i32_0 : i32, i32
  }
  func.func @transform_6(%arg0: i32) -> (i32, i32) {
    %c0_i32 = arith.constant 0 : i32
    %c0_i32_0 = arith.constant 0 : i32
    %c0_i32_1 = arith.constant 0 : i32
    return %c0_i32, %c0_i32_0 : i32, i32
  }
  func.func @transform_7(%arg0: i32) -> (i32, i32) {
    %c0_i32 = arith.constant 0 : i32
    %c0_i32_0 = arith.constant 0 : i32
    %c0_i32_1 = arith.constant 0 : i32
    return %c0_i32, %c0_i32_0 : i32, i32
  }
  func.func @transform_8(%arg0: i32) -> (i32, i32) {
    %c0_i32 = arith.constant 0 : i32
    %c0_i32_0 = arith.constant 0 : i32
    %c0_i32_1 = arith.constant 0 : i32
    return %c0_i32, %c0_i32_0 : i32, i32
  }
  func.func @transform_9(%arg0: i32) -> (i32, i32) {
    %c0_i32 = arith.constant 0 : i32
    %c0_i32_0 = arith.constant 0 : i32
    %c0_i32_1 = arith.constant 0 : i32
    return %c0_i32, %c0_i32_0 : i32, i32
  }
  func.func @transform_10(%arg0: i32) -> (i32, i32) {
    %c0_i32 = arith.constant 0 : i32
    %c0_i32_0 = arith.constant 0 : i32
    %c0_i32_1 = arith.constant 0 : i32
    return %c0_i32, %c0_i32_0 : i32, i32
  }
  func.func @transform_11(%arg0: i32) -> (i32, i32) {
    %c0_i32 = arith.constant 0 : i32
    %c0_i32_0 = arith.constant 0 : i32
    %c0_i32_1 = arith.constant 0 : i32
    return %c0_i32, %c0_i32_0 : i32, i32
  }
  func.func @transform_12(%arg0: i32) -> (i32, i32) {
    %c0_i32 = arith.constant 0 : i32
    %c0_i32_0 = arith.constant 0 : i32
    %c0_i32_1 = arith.constant 0 : i32
    return %c0_i32, %c0_i32_0 : i32, i32
  }
  func.func @transform_13(%arg0: i32) -> (i32, i32) {
    %c0_i32 = arith.constant 0 : i32
    %c0_i32_0 = arith.constant 0 : i32
    %c0_i32_1 = arith.constant 0 : i32
    return %c0_i32, %c0_i32_0 : i32, i32
  }
}

</mosaic_0001>

<sc_bundles>
// kernel: kernel.6.cloned.1.call-start
scs
__scs_entry_jumppad:
0x0: {  	(pc) =	sbr.rel $0x88, $3  }
0x1: {  	(tag) =	ssettag $0x0;
	lr =	simm.s32 $0x1  }
0x2: {  	[smem:$0x3F8E] =	sst lr;
	_ =	strace $0xD0000000  }
0x3: {  	_ = 	snop  }
0x4: {  	_ = 	snop  }
0x5: {  	_ = 	snop  }
0x6: {  	_ = 	snop  }
0x7: {  	_ = 	snop  }
__scs_overlays_trampoline_lowered:
0x8: {  	[smem:$0x3F9D] =	sst s0  }
0x9: {  	[smem:$0x3F9E] =	sst s1  }
0xa: {  	[smem:$0x3F9F] =	sst s2  }
0xb: {  	[smem:$0x3FA0] =	sst s3  }
0xc: {  	[smem:$0x3FA1] =	sst s4  }
0xd: {  	[smem:$0x3FA2] =	sst s5  }
0xe: {  	[smem:$0x3FA3] =	sst s6  }
0xf: {  	[smem:$0x3FA4] =	sst s7  }
0x10: {  	[smem:$0x3FA5] =	sst s8  }
0x11: {  	[smem:$0x3FA6] =	sst s9;
	s0 =	simm.s32 @!p0 $0x0  }
0x12: {  	s1 =	sld [smem:$0x3F8C];
	s0 =	simm.s32 @p0 $0x1  }
0x13: {  	[smem:$0x3FA7] =	sst s0;
	s0 =	simm.s32 @!p1 $0x0  }
0x14: {  	s2 =	sld [smem:$0x3F8B];
	s0 =	simm.s32 @p1 $0x1  }
0x15: {  	[smem:$0x3FA8] =	sst s0;
	s0 =	simm.s32 @!p2 $0x0  }
0x16: {  	s3 =	sld [smem:$0x3FDB];
	s0 =	simm.s32 @p2 $0x1  }
0x17: {  	s4 =	simm.s32 $0x1BF5;
	[smem:$0x3FAA] =	sst s0  }
0x18: {  	s0 =	sld [smem:$0x3F8D];
	_ =	swait.ge [sflag:s4], $0x0  }
0x19: {  	s7 =	sld [smem:$0x3F8E]  }
0x1a: {  	s8 =	sadd.s32 $0xFFFFE003, lr  }
0x1b: {  	s9 =	sadd.s32 $0xFFFFFEF7, lr;
	s5 =	simm.s32 $0xFFFFFFFF;
	p2 =	slt.u32 s8, $0xFFFFF086  }
0x1c: {  	p1 =	slt.u32 s9, $0xF7A;
	s5 =	simm.s32 @!p2 $0x0  }
0x1d: {  	s5 =	simm.s32 @p1 $0x1;
	p0 =	seq.s32 s7, s2  }
0x1e: {  	s7 =	smul.u32 @!p0 $0xF7A, s2;
	p2 =	seq.s32 @!p0 s5, $0x0  }
0x1f: {  	s9 =	smul.u32 $0xF7A, s1;
	s8 =	simm.s32 @!p0 $0x1BF5;
	p2 =	por !p2, p0  }
0x20: {  	[sflag:s8] =	ssyncset.s32 @!p0 $0xFFFFF086;
	s6 =	sadd.s32 @!p0 s3, s7;
	s7 =	simm.s32 @!p0 $0x108  }
0x21: {  	s3 =	sadd.s32 s3, s9;
	s6 =	sadd.s32 @!p0 $0x88, s6;
	s7 =	simm.s32 @p2 $0x1082  }
0x22: {  	[simem:s7], [sflag:s8] =	dma.local @!p0 [hbm:s6], $0xF7A  }
0x23: {  	s9 =	sor.u32 $0xD0000000, s2;
	s6 =	simm.s32 $0x108;
	_ =	swait.ge @!p0 [sflag:s8], $0x0  }
0x24: {  	s3 =	sadd.s32 $0x88, s3;
	s6 =	simm.s32 @!p1 $0x1082;
	[sflag:s4] =	ssyncset.s32 $0xFFFFF086  }
0x25: {  	[simem:s6], [sflag:s4] =	dma.local [hbm:s3], $0xF7A  }
0x26: {  	[smem:$0x3F8E] =	sst s1;
	(tag) =	ssettag s2;
	_ =	strace s9  }
0x27: {  	s1 =	sld [smem:$0x3F9E]  }
0x28: {  	s2 =	sld [smem:$0x3F9F]  }
0x29: {  	s4 =	sld [smem:$0x3FA1]  }
0x2a: {  	p0 =	seq.s32 s5, $0x0;
	s5 =	sld [smem:$0x3FA2]  }
0x2b: {  	s6 =	sld [smem:$0x3FA3]  }
0x2c: {  	s7 =	sld [smem:$0x3FA4]  }
0x2d: {  	s3 =	simm.s32 $0x108;
	s8 =	sld [smem:$0x3FA5]  }
0x2e: {  	s3 =	simm.s32 @!p0 $0x1082;
	s9 =	sld [smem:$0x3FA6]  }
0x2f: {  	lr =	sadd.s32 s0, s3;
	s0 =	sld [smem:$0x3F9D]  }
0x30: {  	s3 =	sld [smem:$0x3FA0]  }
0x31: {  	[smem:$0x3FA9] =	sst s10  }
0x32: {  	s10 =	sld [smem:$0x3FA7];
	_ =	sdelay $0x3  }
0x33: {  	p0 =	seq.s32 s10, $0x1;
	s10 =	sld [smem:$0x3FA9];
	_ =	sdelay $0x3  }
0x34: {  	[smem:$0x3FA9] =	sst s10  }
0x35: {  	s10 =	sld [smem:$0x3FA8];
	_ =	sdelay $0x3  }
0x36: {  	p1 =	seq.s32 s10, $0x1;
	s10 =	sld [smem:$0x3FA9];
	_ =	sdelay $0x3  }
0x37: {  	[smem:$0x3FA9] =	sst s10  }
0x38: {  	s10 =	sld [smem:$0x3FAA]  }
0x39: {  	_ = 	snop;
	(pc) =	sbr.ind lr, $3  }
0x3a: {  	_ = 	snop  }
0x3b: {  	_ = 	snop  }
0x3c: {  	p2 =	seq.s32 s10, $0x1;
	s10 =	sld [smem:$0x3FA9]  }
0x3d: {  	_ =	shalt  }
0x3e: {  	_ =	shalt  }
0x3f: {  	_ =	shalt  }
0x40: {  	_ =	shalt  }
0x41: {  	_ =	shalt  }
0x42: {  	_ =	shalt  }
0x43: {  	_ =	shalt  }
0x44: {  	_ =	shalt  }
0x45: {  	_ =	shalt  }
0x46: {  	_ =	shalt  }
0x47: {  	_ =	shalt  }
0x48: {  	_ =	shalt  }
0x49: {  	_ =	shalt  }
0x4a: {  	_ =	shalt  }
0x4b: {  	_ =	shalt  }
0x4c: {  	_ =	shalt  }
0x4d: {  	_ =	shalt  }
0x4e: {  	_ =	shalt  }
0x4f: {  	_ =	shalt  }
0x50: {  	_ =	shalt  }
0x51: {  	_ =	shalt  }
0x52: {  	_ =	shalt  }
0x53: {  	_ =	shalt  }
0x54: {  	_ =	shalt  }
0x55: {  	_ =	shalt  }
0x56: {  	_ =	shalt  }
0x57: {  	_ =	shalt  }
0x58: {  	_ =	shalt  }
0x59: {  	_ =	shalt  }
0x5a: {  	_ =	shalt  }
0x5b: {  	_ =	shalt  }
0x5c: {  	_ =	shalt  }
0x5d: {  	_ =	shalt  }
0x5e: {  	_ =	shalt  }
0x5f: {  	_ =	shalt  }
0x60: {  	_ =	shalt  }
0x61: {  	_ =	shalt  }
0x62: {  	_ =	shalt  }
0x63: {  	_ =	shalt  }
0x64: {  	_ =	shalt  }
0x65: {  	_ =	shalt  }
0x66: {  	_ =	shalt  }
0x67: {  	_ =	shalt  }
0x68: {  	_ =	shalt  }
0x69: {  	_ =	shalt  }
0x6a: {  	_ =	shalt  }
0x6b: {  	_ =	shalt  }
0x6c: {  	_ =	shalt  }
0x6d: {  	_ =	shalt  }
0x6e: {  	_ =	shalt  }
0x6f: {  	_ =	shalt  }
0x70: {  	_ =	shalt  }
0x71: {  	_ =	shalt  }
0x72: {  	_ =	shalt  }
0x73: {  	_ =	shalt  }
0x74: {  	_ =	shalt  }
0x75: {  	_ =	shalt  }
0x76: {  	_ =	shalt  }
0x77: {  	_ =	shalt  }
0x78: {  	_ =	shalt  }
0x79: {  	_ =	shalt  }
0x7a: {  	_ =	shalt  }
0x7b: {  	_ =	shalt  }
0x7c: {  	_ =	shalt  }
0x7d: {  	_ =	shalt  }
0x7e: {  	_ =	shalt  }
0x7f: {  	_ =	shalt  }
0x80: {  	_ =	shalt  }
0x81: {  	_ =	shalt  }
0x82: {  	_ =	shalt  }
0x83: {  	_ =	shalt  }
0x84: {  	_ =	shalt  }
0x85: {  	_ =	shalt  }
0x86: {  	_ =	shalt  }
0x87: {  	_ =	shalt  }
.Lfunc_end0:
.L_simem_size_0:
called_computation_lowered:
.L_overlay_start_0:
0x88: {  	s2 =	sld [smem:$0x3FD9]  }
0x89: {  	s3 =	sld [smem:$0x3FFE];
	_ =	sdelay $0x1  }
0x8a: {  	s1 =	srdreg.scid  }
0x8b: {  	s0 =	sand.u32 $0x1, s1  }
0x8c: {  	s17 =	sshll.u32 s0, $0xA;
	s2 =	sadd.s32 s3, s2  }
0x8d: {  	s2 =	sadd.s32 s2, s17  }
0x8e: {  	[smem:$0x3FB5] =	sst s2  }
0x8f: {  	_ = 	snop  }
0x90: {  	s2 =	sld [smem:$0x3FC9];
	(tm) =	ssettm $0x1  }
0x91: {  	s18 =	sld [smem:$0x3FFB];
	_ =	sdelay $0x3  }
0x92: {  	_ =	strace s18  }
0x93: {  	s3 =	sld [smem:$0x3FFC];
	_ =	sdelay $0x3  }
0x94: {  	_ =	strace s3  }
0x95: {  	s3 =	sld [smem:$0x3FFD];
	_ =	sdelay $0x3  }
0x96: {  	_ =	strace s3  }
0x97: {  	_ =	strace $0x8FFFFFFF  }
0x98: {  	s19 =	sld [smem:$0x3FDB];
	_ =	sdelay $0x1  }
0x99: {  	s4 =	simm.s32 $_scs_section_size  }
0x9a: {  	s5 =	simm.s32 $_size__tile_overlayer_lowered;
	s6 =	simm.s32 $_tile_overlayer_lowered  }
0x9b: {  	s22 =	simm.s32 $0x1BFF;
	s21 =	sshll.u32 s6, $0x1;
	s3 =	sadd.s32 s4, s19  }
0x9c: {  	s7 =	simm.s32 $0x0;
	s20 =	sshll.u32 s5, $0x1;
	s5 =	sadd.s32 s21, s3  }
0x9d: {  	[timem:s7], [sflag:s22] =	dma.local [hbm:s5], s20  }
0x9e: {  	_ =	swait.ge [sflag:s22], s20  }
0x9f: {  	s4 =	ssub.s32 $0x0, s20;
	[sflag:s22] =	ssyncset.done $0x0  }
0xa0: {  	[sflag:s22] =	ssyncadd.s32 s4;
	_ =	sdelay $0x1  }
0xa1: {  	s23 =	simm.s32 $0x1B8B  }
0xa2: {  	_ =	swait.ge [sflag:s23], $0x1  }
0xa3: {  	[sflag:s23] =	ssyncset.done $0x0  }
0xa4: {  	s25 =	simm.s32 $0x1B8E;
	s24 =	sld [smem:$0x3FFE];
	[sflag:s23] =	ssyncadd.s32 $0xFFFFFFFF  }
0xa5: {  	s26 =	simm.s32 $execute0_lowered;
	[smem:$0x3FD2] =	sst s25  }
0xa6: {  	s5 =	sshll.u32 s26, $0x1;
	_ =	strace $0x80000046;
	[dreg:$0x1] =	wrdreg $0xFFFFFFFF  }
0xa7: {  	s28 =	simm.s32 $_size_execute0_lowered;
	s3 =	sadd.s32 s3, s5;
	[dreg:$0x0] =	wrdreg $0x0  }
0xa8: {  	s5 =	sshll.u32 s28, $0x1;
	[dreg:$0x2] =	wrdreg s3  }
0xa9: {  	[dreg:$0x3] =	wrdreg s5  }
0xaa: {  	[dreg:$0x4] =	wrdreg $0xC0  }
0xab: {  	_ =	task [dreg:s7], $0x5FFFF  }
0xac: {  	[dreg:$0x1] =	wrdreg $0xFFFFFFFF  }
0xad: {  	[dreg:$0x0] =	wrdreg $0x60  }
0xae: {  	[dreg:$0x2] =	wrdreg s2  }
0xaf: {  	[dreg:$0x3] =	wrdreg s24  }
0xb0: {  	[dreg:$0x4] =	wrdreg $0x9  }
0xb1: {  	_ =	task.clear_ibuf [dreg:s7], $0x5FFFF;
	_ =	strace $0x90000046  }
0xb2: {  	s29 =	simm.s32 $0x9;
	_ =	strace $0x80000048  }
0xb3: {  	_ =	swait.ge [sflag:s29], $0x1  }
0xb4: {  	[sflag:s29] =	ssyncadd.s32 $0xFFFFFFFF  }
0xb5: {  	_ =	strace $0x90000048  }
0xb6: {  	_ =	sfence  }
0xb7: {  	s30 =	sld [smem:$0x0];
	_ =	sdelay $0x2  }
0xb8: {  	s31 =	sshll.u32 s1, $0xD;
	s1 =	sshrl.u32 s1, $0x2  }
0xb9: {  	s3 =	sand.u32 $0x4000, s31;
	s1 =	sadd.s32 s1, s30  }
0xba: {  	s0 =	sor.u32 s3, s0;
	s1 =	sshll.u32 s1, $0x11  }
0xbb: {  	s0 =	sor.u32 s1, s0  }
0xbc: {  	s0 =	sadd.s32 $0x8F2B, s0  }
0xbd: {  	[sflag:s0] =	ssyncadd.remote.s32 $0x1  }
0xbe: {  	_ =	sfence.sel $0xFFFF  }
0xbf: {  	[dreg:$0x0] =	wrdreg $0xFFFFFFFF;
	(pc) =	sbr.abs _section_cstart, $3  }
0xc0: {  	[dreg:$0x1] =	wrdreg $0xFFFFFFFF  }
0xc1: {  	_ =	task.clear_ibuf [dreg:s7], $0x2FFFF;
	_ =	strace $0x9FFFFFFF  }
0xc2: {  	(tm) =	ssettm $0x7FFFFFFF  }
0xc3: {  	_ =	shalt  }
tec
execute0_lowered:
.L_overlay_start_1:
0x0: {  	(tag) =	ssettag $0x1  }
0x1: {  	s1 =	srdreg.scid;
	s0 =	stileid.u32  }
0x2: {  	s16 =	sand.u32 $0x1, s1;
	s26 =	sshll.u32 s0, $0x1  }
0x3: {  	s2 =	rddreg [dreg:$0x0];
	s8 =	sor.u32 s16, s26  }
0x4: {  	s9 =	rddreg [dreg:$0x1];
	s17 =	smul.u32 $0x1388, s8  }
0x5: {  	s3 =	simm.s32 $0x0;
	s1 =	rddreg [dreg:$0x2]  }
0x6: {  	[smem:$0x7FF] =	sst s3;
	s15 =	sadd.s32 $0x3800, s9;
	s4 =	sshrl.u32 s17, $0x3  }
0x7: {  	_ =	strace $0x80000047;
	s5 =	sadd.s32 s15, s4;
	s4 =	simm.s32 $0x2  }
0x8: {  	[tilespmem:s3], [sflag:$0x2] =	stream.linear.gather [hbm4b:s5+s3], $0x3E8, $0x38;
	[tilespmem:$0x1F7E8] =	vst v63  }
0x9: {  	_ =	swait.ge [sflag:s4], $0x3E8  }
0xa: {  	[sflag:s4] =	ssyncset.done $0x0  }
0xb: {  	s6 =	simm.s32 $0x3E8;
	s7 =	simm.s32 $0x1;
	[sflag:s4] =	ssyncadd.s32 $0xFFFFFC18  }
0xc: {  	[tilespmem:s6], [sflag:$0x1] =	stream.indirect.gather [hbm4b:s2+s6], $0x80, s3, s6, $0xb8;
	[tilespmem:$0x1F7E8] =	vst v63  }
0xd: {  	s8 =	smul.u32 $0x13880, s8;
	_ =	swait.ge [sflag:s7], $0x1F400  }
0xe: {  	s18 =	sadd.s32 $0x8800, s9;
	[sflag:s7] =	ssyncset.done $0x0  }
0xf: {  	s8 =	sadd.s32 s18, s8;
	[sflag:s7] =	ssyncadd.s32 $0xFFFE0C00  }
0x10: {  	[hbm4b:s8+s3] =	stream.linear.scatter [tilespmem:s6], [sflag:$0x2], $0x1F400, $0x38;
	[tilespmem:$0x1F7E8] =	vst v63  }
0x11: {  	s10 =	sadd.s32 $0x3E8, s17;
	_ =	swait.ge [sflag:s4], $0x1F400  }
0x12: {  	s28 =	sshrl.u32 s10, $0x3;
	[sflag:s4] =	ssyncset.done $0x0  }
0x13: {  	s9 =	sadd.s32 s15, s28;
	[sflag:s4] =	ssyncadd.s32 $0xFFFE0C00  }
0x14: {  	[tilespmem:s3], [sflag:$0x2] =	stream.linear.gather [hbm4b:s9+s3], $0x3E8, $0x38;
	[tilespmem:$0x1F7E8] =	vst v63  }
0x15: {  	_ =	swait.ge [sflag:s4], $0x3E8  }
0x16: {  	[sflag:s4] =	ssyncset.done $0x0  }
0x17: {  	[sflag:s4] =	ssyncadd.s32 $0xFFFFFC18  }
0x18: {  	[tilespmem:s6], [sflag:$0x1] =	stream.indirect.gather [hbm4b:s2+s6], $0x80, s3, s6, $0xb8;
	[tilespmem:$0x1F7E8] =	vst v63  }
0x19: {  	_ =	swait.ge [sflag:s7], $0x1F400  }
0x1a: {  	s10 =	sshll.u32 s10, $0x4;
	[sflag:s7] =	ssyncset.done $0x0  }
0x1b: {  	s10 =	sadd.s32 s18, s10;
	[sflag:s7] =	ssyncadd.s32 $0xFFFE0C00  }
0x1c: {  	[hbm4b:s10+s3] =	stream.linear.scatter [tilespmem:s6], [sflag:$0x2], $0x1F400, $0x38;
	[tilespmem:$0x1F7E8] =	vst v63  }
0x1d: {  	s12 =	sadd.s32 $0x7D0, s17;
	_ =	swait.ge [sflag:s4], $0x1F400  }
0x1e: {  	s11 =	sshrl.u32 s12, $0x3;
	[sflag:s4] =	ssyncset.done $0x0  }
0x1f: {  	s11 =	sadd.s32 s15, s11;
	[sflag:s4] =	ssyncadd.s32 $0xFFFE0C00  }
0x20: {  	[tilespmem:s3], [sflag:$0x2] =	stream.linear.gather [hbm4b:s11+s3], $0x3E8, $0x38;
	[tilespmem:$0x1F7E8] =	vst v63  }
0x21: {  	_ =	swait.ge [sflag:s4], $0x3E8  }
0x22: {  	[sflag:s4] =	ssyncset.done $0x0  }
0x23: {  	[sflag:s4] =	ssyncadd.s32 $0xFFFFFC18  }
0x24: {  	[tilespmem:s6], [sflag:$0x1] =	stream.indirect.gather [hbm4b:s2+s6], $0x80, s3, s6, $0xb8;
	[tilespmem:$0x1F7E8] =	vst v63  }
0x25: {  	_ =	swait.ge [sflag:s7], $0x1F400  }
0x26: {  	s12 =	sshll.u32 s12, $0x4;
	[sflag:s7] =	ssyncset.done $0x0  }
0x27: {  	s12 =	sadd.s32 s18, s12;
	[sflag:s7] =	ssyncadd.s32 $0xFFFE0C00  }
0x28: {  	[hbm4b:s12+s3] =	stream.linear.scatter [tilespmem:s6], [sflag:$0x2], $0x1F400, $0x38;
	[tilespmem:$0x1F7E8] =	vst v63  }
0x29: {  	s14 =	sadd.s32 $0xBB8, s17;
	_ =	swait.ge [sflag:s4], $0x1F400  }
0x2a: {  	s13 =	sshrl.u32 s14, $0x3;
	[sflag:s4] =	ssyncset.done $0x0  }
0x2b: {  	s13 =	sadd.s32 s15, s13;
	[sflag:s4] =	ssyncadd.s32 $0xFFFE0C00  }
0x2c: {  	[tilespmem:s3], [sflag:$0x2] =	stream.linear.gather [hbm4b:s13+s3], $0x3E8, $0x38;
	[tilespmem:$0x1F7E8] =	vst v63  }
0x2d: {  	_ =	swait.ge [sflag:s4], $0x3E8  }
0x2e: {  	[sflag:s4] =	ssyncset.done $0x0  }
0x2f: {  	[sflag:s4] =	ssyncadd.s32 $0xFFFFFC18  }
0x30: {  	[tilespmem:s6], [sflag:$0x1] =	stream.indirect.gather [hbm4b:s2+s6], $0x80, s3, s6, $0xb8;
	[tilespmem:$0x1F7E8] =	vst v63  }
0x31: {  	_ =	swait.ge [sflag:s7], $0x1F400  }
0x32: {  	s14 =	sshll.u32 s14, $0x4;
	[sflag:s7] =	ssyncset.done $0x0  }
0x33: {  	s14 =	sadd.s32 s18, s14;
	[sflag:s7] =	ssyncadd.s32 $0xFFFE0C00  }
0x34: {  	[hbm4b:s14+s3] =	stream.linear.scatter [tilespmem:s6], [sflag:$0x2], $0x1F400, $0x38;
	[tilespmem:$0x1F7E8] =	vst v63  }
0x35: {  	s17 =	sadd.s32 $0xFA0, s17;
	_ =	swait.ge [sflag:s4], $0x1F400  }
0x36: {  	s19 =	sshrl.u32 s17, $0x3;
	[sflag:s4] =	ssyncset.done $0x0  }
0x37: {  	s16 =	ssub.s32 $0x2, s16;
	s15 =	sadd.s32 s15, s19;
	[sflag:s4] =	ssyncadd.s32 $0xFFFE0C00  }
0x38: {  	[tilespmem:s3], [sflag:$0x2] =	stream.linear.gather [hbm4b:s15+s3], $0x3E8, $0x38;
	[tilespmem:$0x1F7E8] =	vst v63  }
0x39: {  	s29 =	sshrl.u32 s16, $0x1;
	_ =	swait.ge [sflag:s4], $0x3E8  }
0x3a: {  	s19 =	ssub.s32 s16, s29;
	[sflag:s4] =	ssyncset.done $0x0  }
0x3b: {  	s31 =	smax.u32 s19, $0x1;
	[sflag:s4] =	ssyncadd.s32 $0xFFFFFC18  }
0x3c: {  	[tilespmem:s6], [sflag:$0x1] =	stream.indirect.gather [hbm4b:s2+s6], $0x80, s3, s6, $0xb8;
	[tilespmem:$0x1F7E8] =	vst v63  }
0x3d: {  	p0 =	sne.s32 s31, $0x1;
	_ =	swait.ge [sflag:s7], $0x1F400  }
.Ltmp0:
0x3e: {  	s30 =	sshll.u32 s17, $0x4;
	[sflag:s7] =	ssyncset.done $0x0;
	(pc) =	sbr.rel @!p0 .LBB2_2-.Ltmp0, $4  }
0x3f: {  	s16 =	sadd.s32 s18, s30;
	[sflag:s7] =	ssyncadd.s32 $0xFFFE0C00  }
0x40: {  	[hbm4b:s16+s3] =	stream.linear.scatter [tilespmem:s6], [sflag:$0x2], $0x1F400, $0x38;
	[tilespmem:$0x1F7E8] =	vst v63  }
0x41: {  	_ =	swait.ge [sflag:s4], $0x1F400  }
0x42: {  	s17 =	sadd.s32 $0xFFFFFFFF, s31;
	[sflag:s4] =	ssyncset.done $0x0  }
.LBB2_1:
0x43: {  	p0 =	sne.s32 s17, $0x1;
	s17 =	sadd.s32 $0xFFFFFFFF, s17;
	[sflag:s4] =	ssyncadd.s32 $0xFFFE0C00  }
0x44: {  	[tilespmem:s3], [sflag:$0x2] =	stream.linear.gather [hbm4b:s5+s3], $0x3E8, $0x38;
	[tilespmem:$0x1F7E8] =	vst v63  }
0x45: {  	_ =	swait.ge [sflag:s4], $0x3E8  }
0x46: {  	[sflag:s4] =	ssyncset.done $0x0  }
0x47: {  	[sflag:s4] =	ssyncadd.s32 $0xFFFFFC18  }
0x48: {  	[tilespmem:s6], [sflag:$0x1] =	stream.indirect.gather [hbm4b:s2+s6], $0x80, s3, s6, $0xb8;
	[tilespmem:$0x1F7E8] =	vst v63  }
0x49: {  	_ =	swait.ge [sflag:s7], $0x1F400  }
0x4a: {  	[sflag:s7] =	ssyncset.done $0x0  }
0x4b: {  	[sflag:s7] =	ssyncadd.s32 $0xFFFE0C00  }
0x4c: {  	[hbm4b:s8+s3] =	stream.linear.scatter [tilespmem:s6], [sflag:$0x2], $0x1F400, $0x38;
	[tilespmem:$0x1F7E8] =	vst v63  }
0x4d: {  	_ =	swait.ge [sflag:s4], $0x1F400  }
0x4e: {  	[sflag:s4] =	ssyncset.done $0x0  }
0x4f: {  	[sflag:s4] =	ssyncadd.s32 $0xFFFE0C00  }
0x50: {  	[tilespmem:s3], [sflag:$0x2] =	stream.linear.gather [hbm4b:s9+s3], $0x3E8, $0x38;
	[tilespmem:$0x1F7E8] =	vst v63  }
0x51: {  	_ =	swait.ge [sflag:s4], $0x3E8  }
0x52: {  	[sflag:s4] =	ssyncset.done $0x0  }
0x53: {  	[sflag:s4] =	ssyncadd.s32 $0xFFFFFC18  }
0x54: {  	[tilespmem:s6], [sflag:$0x1] =	stream.indirect.gather [hbm4b:s2+s6], $0x80, s3, s6, $0xb8;
	[tilespmem:$0x1F7E8] =	vst v63  }
0x55: {  	_ =	swait.ge [sflag:s7], $0x1F400  }
0x56: {  	[sflag:s7] =	ssyncset.done $0x0  }
0x57: {  	[sflag:s7] =	ssyncadd.s32 $0xFFFE0C00  }
0x58: {  	[hbm4b:s10+s3] =	stream.linear.scatter [tilespmem:s6], [sflag:$0x2], $0x1F400, $0x38;
	[tilespmem:$0x1F7E8] =	vst v63  }
0x59: {  	_ =	swait.ge [sflag:s4], $0x1F400  }
0x5a: {  	[sflag:s4] =	ssyncset.done $0x0  }
0x5b: {  	[sflag:s4] =	ssyncadd.s32 $0xFFFE0C00  }
0x5c: {  	[tilespmem:s3], [sflag:$0x2] =	stream.linear.gather [hbm4b:s11+s3], $0x3E8, $0x38;
	[tilespmem:$0x1F7E8] =	vst v63  }
0x5d: {  	_ =	swait.ge [sflag:s4], $0x3E8  }
0x5e: {  	[sflag:s4] =	ssyncset.done $0x0  }
0x5f: {  	[sflag:s4] =	ssyncadd.s32 $0xFFFFFC18  }
0x60: {  	[tilespmem:s6], [sflag:$0x1] =	stream.indirect.gather [hbm4b:s2+s6], $0x80, s3, s6, $0xb8;
	[tilespmem:$0x1F7E8] =	vst v63  }
0x61: {  	_ =	swait.ge [sflag:s7], $0x1F400  }
0x62: {  	[sflag:s7] =	ssyncset.done $0x0  }
0x63: {  	[sflag:s7] =	ssyncadd.s32 $0xFFFE0C00  }
0x64: {  	[hbm4b:s12+s3] =	stream.linear.scatter [tilespmem:s6], [sflag:$0x2], $0x1F400, $0x38;
	[tilespmem:$0x1F7E8] =	vst v63  }
0x65: {  	_ =	swait.ge [sflag:s4], $0x1F400  }
0x66: {  	[sflag:s4] =	ssyncset.done $0x0  }
0x67: {  	[sflag:s4] =	ssyncadd.s32 $0xFFFE0C00  }
0x68: {  	[tilespmem:s3], [sflag:$0x2] =	stream.linear.gather [hbm4b:s13+s3], $0x3E8, $0x38;
	[tilespmem:$0x1F7E8] =	vst v63  }
0x69: {  	_ =	swait.ge [sflag:s4], $0x3E8  }
0x6a: {  	[sflag:s4] =	ssyncset.done $0x0  }
0x6b: {  	[sflag:s4] =	ssyncadd.s32 $0xFFFFFC18  }
0x6c: {  	[tilespmem:s6], [sflag:$0x1] =	stream.indirect.gather [hbm4b:s2+s6], $0x80, s3, s6, $0xb8;
	[tilespmem:$0x1F7E8] =	vst v63  }
0x6d: {  	_ =	swait.ge [sflag:s7], $0x1F400  }
0x6e: {  	[sflag:s7] =	ssyncset.done $0x0  }
0x6f: {  	[sflag:s7] =	ssyncadd.s32 $0xFFFE0C00  }
0x70: {  	[hbm4b:s14+s3] =	stream.linear.scatter [tilespmem:s6], [sflag:$0x2], $0x1F400, $0x38;
	[tilespmem:$0x1F7E8] =	vst v63  }
0x71: {  	_ =	swait.ge [sflag:s4], $0x1F400  }
0x72: {  	[sflag:s4] =	ssyncset.done $0x0  }
0x73: {  	[sflag:s4] =	ssyncadd.s32 $0xFFFE0C00  }
0x74: {  	[tilespmem:s3], [sflag:$0x2] =	stream.linear.gather [hbm4b:s15+s3], $0x3E8, $0x38;
	[tilespmem:$0x1F7E8] =	vst v63  }
0x75: {  	_ =	swait.ge [sflag:s4], $0x3E8  }
0x76: {  	[sflag:s4] =	ssyncset.done $0x0  }
0x77: {  	[sflag:s4] =	ssyncadd.s32 $0xFFFFFC18  }
0x78: {  	[tilespmem:s6], [sflag:$0x1] =	stream.indirect.gather [hbm4b:s2+s6], $0x80, s3, s6, $0xb8;
	[tilespmem:$0x1F7E8] =	vst v63  }
0x79: {  	_ =	swait.ge [sflag:s7], $0x1F400  }
.Ltmp1:
0x7a: {  	[sflag:s7] =	ssyncset.done $0x0;
	(pc) =	sbr.rel @p0 .LBB2_1-.Ltmp1, $4  }
0x7b: {  	[sflag:s7] =	ssyncadd.s32 $0xFFFE0C00  }
0x7c: {  	[hbm4b:s16+s3] =	stream.linear.scatter [tilespmem:s6], [sflag:$0x2], $0x1F400, $0x38;
	[tilespmem:$0x1F7E8] =	vst v63  }
0x7d: {  	_ =	swait.ge [sflag:s4], $0x1F400  }
0x7e: {  	[sflag:s4] =	ssyncset.done $0x0  }
.LBB2_2:
0x7f: {  	[sflag:s4] =	ssyncadd.s32 $0xFFFE0C00  }
0x80: {  	_ =	sfence.sel $0x180000  }
0x81: {  	[bflag:$0x0] =	sbarrier.arrive $0xFFFF  }
0x82: {  	p0 =	sne.s32 s0, $0x0;
	_ =	strace $0x90000047  }
0x83: {  	s0 =	sadd.s32 @!p0 $0x100000, s1;
	[bflag:$0x2] =	sbarrier.arrive $0xFFFF  }
0x84: {  	[sflag:s0] =	ssyncadd.tile.s32 @!p0 $0x1;
	_ =	shalt  }
.Lfunc_end2:
_tile_overlayer_lowered:
.L_overlay_start_2:
0x85: {  	(tag) =	ssettag $0x2  }
0x86: {  	s0 =	rddreg [dreg:$0x0];
	s2 =	stileid.u32  }
0x87: {  	s1 =	rddreg [dreg:$0x1];
	p0 =	sne.s32 s2, $0x0  }
0x88: {  	s3 =	rddreg [dreg:$0x2];
	[bflag:$0x3] =	sbarrier.arrive $0xFFFF;
	s2 =	simm.s32 @!p0 $0x1C02  }
0x89: {  	[timem:s3], [sflag:s2] =	dma.local @!p0 [hbm:s0], s1  }
0x8a: {  	s0 =	simm.s32 @!p0 $0x2  }
0x8b: {  	_ =	swait.ge @!p0 [sflag:s0], s1  }
0x8c: {  	s1 =	ssub.s32 @!p0 $0x0, s1;
	[sflag:s0] =	ssyncset.done @!p0 $0x0  }
0x8d: {  	[sflag:s0] =	ssyncadd.s32 @!p0 s1  }
0x8e: {  	[bflag:$0x3] =	sbarrier.arrive $0xFFFF  }
0x8f: {  	_ =	shalt  }

// kernel: kernel.9.cloned.1.call-start
scs
__scs_entry_jumppad:
0x0: {  	(pc) =	sbr.rel $0x88, $3  }
0x1: {  	(tag) =	ssettag $0x0;
	lr =	simm.s32 $0x1  }
0x2: {  	[smem:$0x3F8E] =	sst lr;
	_ =	strace $0xD0000000  }
0x3: {  	_ = 	snop  }
0x4: {  	_ = 	snop  }
0x5: {  	_ = 	snop  }
0x6: {  	_ = 	snop  }
0x7: {  	_ = 	snop  }
__scs_overlays_trampoline_lowered:
0x8: {  	[smem:$0x3F9D] =	sst s0  }
0x9: {  	[smem:$0x3F9E] =	sst s1  }
0xa: {  	[smem:$0x3F9F] =	sst s2  }
0xb: {  	[smem:$0x3FA0] =	sst s3  }
0xc: {  	[smem:$0x3FA1] =	sst s4  }
0xd: {  	[smem:$0x3FA2] =	sst s5  }
0xe: {  	[smem:$0x3FA3] =	sst s6  }
0xf: {  	[smem:$0x3FA4] =	sst s7  }
0x10: {  	[smem:$0x3FA5] =	sst s8  }
0x11: {  	[smem:$0x3FA6] =	sst s9;
	s0 =	simm.s32 @!p0 $0x0  }
0x12: {  	s1 =	sld [smem:$0x3F8C];
	s0 =	simm.s32 @p0 $0x1  }
0x13: {  	[smem:$0x3FA7] =	sst s0;
	s0 =	simm.s32 @!p1 $0x0  }
0x14: {  	s2 =	sld [smem:$0x3F8B];
	s0 =	simm.s32 @p1 $0x1  }
0x15: {  	[smem:$0x3FA8] =	sst s0;
	s0 =	simm.s32 @!p2 $0x0  }
0x16: {  	s3 =	sld [smem:$0x3FDB];
	s0 =	simm.s32 @p2 $0x1  }
0x17: {  	s4 =	simm.s32 $0x1BF5;
	[smem:$0x3FAA] =	sst s0  }
0x18: {  	s0 =	sld [smem:$0x3F8D];
	_ =	swait.ge [sflag:s4], $0x0  }
0x19: {  	s7 =	sld [smem:$0x3F8E]  }
0x1a: {  	s8 =	sadd.s32 $0xFFFFE003, lr  }
0x1b: {  	s9 =	sadd.s32 $0xFFFFFEF7, lr;
	s5 =	simm.s32 $0xFFFFFFFF;
	p2 =	slt.u32 s8, $0xFFFFF086  }
0x1c: {  	p1 =	slt.u32 s9, $0xF7A;
	s5 =	simm.s32 @!p2 $0x0  }
0x1d: {  	s5 =	simm.s32 @p1 $0x1;
	p0 =	seq.s32 s7, s2  }
0x1e: {  	s7 =	smul.u32 @!p0 $0xF7A, s2;
	p2 =	seq.s32 @!p0 s5, $0x0  }
0x1f: {  	s9 =	smul.u32 $0xF7A, s1;
	s8 =	simm.s32 @!p0 $0x1BF5;
	p2 =	por !p2, p0  }
0x20: {  	[sflag:s8] =	ssyncset.s32 @!p0 $0xFFFFF086;
	s6 =	sadd.s32 @!p0 s3, s7;
	s7 =	simm.s32 @!p0 $0x108  }
0x21: {  	s3 =	sadd.s32 s3, s9;
	s6 =	sadd.s32 @!p0 $0x88, s6;
	s7 =	simm.s32 @p2 $0x1082  }
0x22: {  	[simem:s7], [sflag:s8] =	dma.local @!p0 [hbm:s6], $0xF7A  }
0x23: {  	s9 =	sor.u32 $0xD0000000, s2;
	s6 =	simm.s32 $0x108;
	_ =	swait.ge @!p0 [sflag:s8], $0x0  }
0x24: {  	s3 =	sadd.s32 $0x88, s3;
	s6 =	simm.s32 @!p1 $0x1082;
	[sflag:s4] =	ssyncset.s32 $0xFFFFF086  }
0x25: {  	[simem:s6], [sflag:s4] =	dma.local [hbm:s3], $0xF7A  }
0x26: {  	[smem:$0x3F8E] =	sst s1;
	(tag) =	ssettag s2;
	_ =	strace s9  }
0x27: {  	s1 =	sld [smem:$0x3F9E]  }
0x28: {  	s2 =	sld [smem:$0x3F9F]  }
0x29: {  	s4 =	sld [smem:$0x3FA1]  }
0x2a: {  	p0 =	seq.s32 s5, $0x0;
	s5 =	sld [smem:$0x3FA2]  }
0x2b: {  	s6 =	sld [smem:$0x3FA3]  }
0x2c: {  	s7 =	sld [smem:$0x3FA4]  }
0x2d: {  	s3 =	simm.s32 $0x108;
	s8 =	sld [smem:$0x3FA5]  }
0x2e: {  	s3 =	simm.s32 @!p0 $0x1082;
	s9 =	sld [smem:$0x3FA6]  }
0x2f: {  	lr =	sadd.s32 s0, s3;
	s0 =	sld [smem:$0x3F9D]  }
0x30: {  	s3 =	sld [smem:$0x3FA0]  }
0x31: {  	[smem:$0x3FA9] =	sst s10  }
0x32: {  	s10 =	sld [smem:$0x3FA7];
	_ =	sdelay $0x3  }
0x33: {  	p0 =	seq.s32 s10, $0x1;
	s10 =	sld [smem:$0x3FA9];
	_ =	sdelay $0x3  }
0x34: {  	[smem:$0x3FA9] =	sst s10  }
0x35: {  	s10 =	sld [smem:$0x3FA8];
	_ =	sdelay $0x3  }
0x36: {  	p1 =	seq.s32 s10, $0x1;
	s10 =	sld [smem:$0x3FA9];
	_ =	sdelay $0x3  }
0x37: {  	[smem:$0x3FA9] =	sst s10  }
0x38: {  	s10 =	sld [smem:$0x3FAA]  }
0x39: {  	_ = 	snop;
	(pc) =	sbr.ind lr, $3  }
0x3a: {  	_ = 	snop  }
0x3b: {  	_ = 	snop  }
0x3c: {  	p2 =	seq.s32 s10, $0x1;
	s10 =	sld [smem:$0x3FA9]  }
0x3d: {  	_ =	shalt  }
0x3e: {  	_ =	shalt  }
0x3f: {  	_ =	shalt  }
0x40: {  	_ =	shalt  }
0x41: {  	_ =	shalt  }
0x42: {  	_ =	shalt  }
0x43: {  	_ =	shalt  }
0x44: {  	_ =	shalt  }
0x45: {  	_ =	shalt  }
0x46: {  	_ =	shalt  }
0x47: {  	_ =	shalt  }
0x48: {  	_ =	shalt  }
0x49: {  	_ =	shalt  }
0x4a: {  	_ =	shalt  }
0x4b: {  	_ =	shalt  }
0x4c: {  	_ =	shalt  }
0x4d: {  	_ =	shalt  }
0x4e: {  	_ =	shalt  }
0x4f: {  	_ =	shalt  }
0x50: {  	_ =	shalt  }
0x51: {  	_ =	shalt  }
0x52: {  	_ =	shalt  }
0x53: {  	_ =	shalt  }
0x54: {  	_ =	shalt  }
0x55: {  	_ =	shalt  }
0x56: {  	_ =	shalt  }
0x57: {  	_ =	shalt  }
0x58: {  	_ =	shalt  }
0x59: {  	_ =	shalt  }
0x5a: {  	_ =	shalt  }
0x5b: {  	_ =	shalt  }
0x5c: {  	_ =	shalt  }
0x5d: {  	_ =	shalt  }
0x5e: {  	_ =	shalt  }
0x5f: {  	_ =	shalt  }
0x60: {  	_ =	shalt  }
0x61: {  	_ =	shalt  }
0x62: {  	_ =	shalt  }
0x63: {  	_ =	shalt  }
0x64: {  	_ =	shalt  }
0x65: {  	_ =	shalt  }
0x66: {  	_ =	shalt  }
0x67: {  	_ =	shalt  }
0x68: {  	_ =	shalt  }
0x69: {  	_ =	shalt  }
0x6a: {  	_ =	shalt  }
0x6b: {  	_ =	shalt  }
0x6c: {  	_ =	shalt  }
0x6d: {  	_ =	shalt  }
0x6e: {  	_ =	shalt  }
0x6f: {  	_ =	shalt  }
0x70: {  	_ =	shalt  }
0x71: {  	_ =	shalt  }
0x72: {  	_ =	shalt  }
0x73: {  	_ =	shalt  }
0x74: {  	_ =	shalt  }
0x75: {  	_ =	shalt  }
0x76: {  	_ =	shalt  }
0x77: {  	_ =	shalt  }
0x78: {  	_ =	shalt  }
0x79: {  	_ =	shalt  }
0x7a: {  	_ =	shalt  }
0x7b: {  	_ =	shalt  }
0x7c: {  	_ =	shalt  }
0x7d: {  	_ =	shalt  }
0x7e: {  	_ =	shalt  }
0x7f: {  	_ =	shalt  }
0x80: {  	_ =	shalt  }
0x81: {  	_ =	shalt  }
0x82: {  	_ =	shalt  }
0x83: {  	_ =	shalt  }
0x84: {  	_ =	shalt  }
0x85: {  	_ =	shalt  }
0x86: {  	_ =	shalt  }
0x87: {  	_ =	shalt  }
.Lfunc_end0:
.L_simem_size_0:
called_computation.1_lowered:
.L_overlay_start_0:
0x88: {  	s2 =	sld [smem:$0x3FD9]  }
0x89: {  	s3 =	sld [smem:$0x3FFE];
	_ =	sdelay $0x1  }
0x8a: {  	s1 =	srdreg.scid  }
0x8b: {  	s0 =	sand.u32 $0x1, s1  }
0x8c: {  	s16 =	sshll.u32 s0, $0xA;
	s2 =	sadd.s32 s3, s2  }
0x8d: {  	s2 =	sadd.s32 s2, s16  }
0x8e: {  	[smem:$0x3FB5] =	sst s2  }
0x8f: {  	_ = 	snop  }
0x90: {  	(tm) =	ssettm $0x1  }
0x91: {  	s17 =	sld [smem:$0x3FFB];
	_ =	sdelay $0x3  }
0x92: {  	_ =	strace s17  }
0x93: {  	s2 =	sld [smem:$0x3FFC];
	_ =	sdelay $0x3  }
0x94: {  	_ =	strace s2  }
0x95: {  	s2 =	sld [smem:$0x3FFD];
	_ =	sdelay $0x3  }
0x96: {  	_ =	strace s2  }
0x97: {  	_ =	strace $0x8FFFFFFF  }
0x98: {  	s18 =	sld [smem:$0x3FDB];
	_ =	sdelay $0x1  }
0x99: {  	s19 =	simm.s32 $_scs_section_size  }
0x9a: {  	s4 =	simm.s32 $_size__tile_overlayer_lowered;
	s5 =	simm.s32 $_tile_overlayer_lowered  }
0x9b: {  	s22 =	simm.s32 $0x1BFF;
	s21 =	sshll.u32 s5, $0x1;
	s2 =	sadd.s32 s19, s18  }
0x9c: {  	s6 =	simm.s32 $0x0;
	s20 =	sshll.u32 s4, $0x1;
	s4 =	sadd.s32 s21, s2  }
0x9d: {  	[timem:s6], [sflag:s22] =	dma.local [hbm:s4], s20  }
0x9e: {  	_ =	swait.ge [sflag:s22], s20  }
0x9f: {  	s3 =	ssub.s32 $0x0, s20;
	[sflag:s22] =	ssyncset.done $0x0  }
0xa0: {  	[sflag:s22] =	ssyncadd.s32 s3;
	_ =	sdelay $0x1  }
0xa1: {  	s23 =	simm.s32 $0x1B8B  }
0xa2: {  	_ =	swait.ge [sflag:s23], $0x1  }
0xa3: {  	[sflag:s23] =	ssyncset.done $0x0  }
0xa4: {  	s25 =	simm.s32 $0x1B8E;
	s24 =	sld [smem:$0x3FFE];
	[sflag:s23] =	ssyncadd.s32 $0xFFFFFFFF  }
0xa5: {  	s26 =	simm.s32 $execute0_lowered;
	[smem:$0x3FD2] =	sst s25  }
0xa6: {  	s4 =	sshll.u32 s26, $0x1;
	_ =	strace $0x80000049;
	[dreg:$0x1] =	wrdreg $0xFFFFFFFF  }
0xa7: {  	s28 =	simm.s32 $_size_execute0_lowered;
	s2 =	sadd.s32 s2, s4;
	[dreg:$0x0] =	wrdreg $0x0  }
0xa8: {  	s4 =	sshll.u32 s28, $0x1;
	[dreg:$0x2] =	wrdreg s2  }
0xa9: {  	[dreg:$0x3] =	wrdreg s4  }
0xaa: {  	[dreg:$0x4] =	wrdreg $0xC0  }
0xab: {  	_ =	task [dreg:s6], $0x5FFFF  }
0xac: {  	[dreg:$0x1] =	wrdreg $0xFFFFFFFF  }
0xad: {  	[dreg:$0x0] =	wrdreg $0x60  }
0xae: {  	[dreg:$0x2] =	wrdreg s24  }
0xaf: {  	[dreg:$0x3] =	wrdreg $0x9  }
0xb0: {  	_ =	task.clear_ibuf [dreg:s6], $0x4FFFF;
	_ =	strace $0x90000049  }
0xb1: {  	s29 =	simm.s32 $0x9;
	_ =	strace $0x8000004B  }
0xb2: {  	_ =	swait.ge [sflag:s29], $0x1  }
0xb3: {  	[sflag:s29] =	ssyncadd.s32 $0xFFFFFFFF  }
0xb4: {  	_ =	strace $0x9000004B  }
0xb5: {  	_ =	sfence  }
0xb6: {  	s30 =	sld [smem:$0x0];
	_ =	sdelay $0x2  }
0xb7: {  	s31 =	sshll.u32 s1, $0xD;
	s1 =	sshrl.u32 s1, $0x2  }
0xb8: {  	s3 =	sand.u32 $0x4000, s31;
	s1 =	sadd.s32 s1, s30  }
0xb9: {  	s0 =	sor.u32 s3, s0;
	s1 =	sshll.u32 s1, $0x11  }
0xba: {  	s0 =	sor.u32 s1, s0  }
0xbb: {  	s0 =	sadd.s32 $0x8F2B, s0  }
0xbc: {  	[sflag:s0] =	ssyncadd.remote.s32 $0x1  }
0xbd: {  	_ =	sfence.sel $0xFFFF  }
0xbe: {  	[dreg:$0x0] =	wrdreg $0xFFFFFFFF;
	(pc) =	sbr.abs _section_cstart, $3  }
0xbf: {  	[dreg:$0x1] =	wrdreg $0xFFFFFFFF  }
0xc0: {  	_ =	task.clear_ibuf [dreg:s6], $0x2FFFF;
	_ =	strace $0x9FFFFFFF  }
0xc1: {  	(tm) =	ssettm $0x7FFFFFFF  }
tec
execute0_lowered:
.L_overlay_start_1:
0x0: {  	(tag) =	ssettag $0x1  }
0x1: {  	s1 =	srdreg.scid;
	s0 =	stileid.u32  }
0x2: {  	s16 =	sand.u32 $0x1, s1;
	s26 =	sshll.u32 s0, $0x1  }
0x3: {  	s8 =	sor.u32 s16, s26  }
0x4: {  	s9 =	rddreg [dreg:$0x0];
	s17 =	smul.u32 $0x1388, s8  }
0x5: {  	s2 =	simm.s32 $0x0;
	s1 =	rddreg [dreg:$0x1]  }
0x6: {  	[smem:$0x7FF] =	sst s2;
	s15 =	sadd.s32 $0x3800, s9;
	s3 =	sshrl.u32 s17, $0x3  }
0x7: {  	_ =	strace $0x8000004A;
	s4 =	sadd.s32 s15, s3;
	s3 =	simm.s32 $0x2  }
0x8: {  	[tilespmem:s2], [sflag:$0x2] =	stream.linear.gather [hbm4b:s4+s2], $0x3E8, $0x38;
	[tilespmem:$0x80E8] =	vst v63  }
0x9: {  	_ =	swait.ge [sflag:s3], $0x3E8  }
0xa: {  	s6 =	simm.s32 $0x3E8;
	[sflag:s3] =	ssyncset.done $0x0  }
0xb: {  	s7 =	simm.s32 $0x1;
	s5 =	sadd.s32 $0x8800, s9;
	[sflag:s3] =	ssyncadd.s32 $0xFFFFFC18  }
0xc: {  	[tilespmem:s6], [sflag:$0x1] =	stream.indirect.gather [hbm4b:s5+s6], $0x20, s2, s6, $0xb8;
	[tilespmem:$0x80E8] =	vst v63  }
0xd: {  	s8 =	smul.u32 $0x4E20, s8;
	_ =	swait.ge [sflag:s7], $0x7D00  }
0xe: {  	s18 =	sadd.s32 $0x12600, s9;
	[sflag:s7] =	ssyncset.done $0x0  }
0xf: {  	s8 =	sadd.s32 s18, s8;
	[sflag:s7] =	ssyncadd.s32 $0xFFFF8300  }
0x10: {  	[hbm4b:s8+s2] =	stream.linear.scatter [tilespmem:s6], [sflag:$0x2], $0x7D00, $0x38;
	[tilespmem:$0x80E8] =	vst v63  }
0x11: {  	s10 =	sadd.s32 $0x3E8, s17;
	_ =	swait.ge [sflag:s3], $0x7D00  }
0x12: {  	s28 =	sshrl.u32 s10, $0x3;
	[sflag:s3] =	ssyncset.done $0x0  }
0x13: {  	s9 =	sadd.s32 s15, s28;
	[sflag:s3] =	ssyncadd.s32 $0xFFFF8300  }
0x14: {  	[tilespmem:s2], [sflag:$0x2] =	stream.linear.gather [hbm4b:s9+s2], $0x3E8, $0x38;
	[tilespmem:$0x80E8] =	vst v63  }
0x15: {  	_ =	swait.ge [sflag:s3], $0x3E8  }
0x16: {  	[sflag:s3] =	ssyncset.done $0x0  }
0x17: {  	[sflag:s3] =	ssyncadd.s32 $0xFFFFFC18  }
0x18: {  	[tilespmem:s6], [sflag:$0x1] =	stream.indirect.gather [hbm4b:s5+s6], $0x20, s2, s6, $0xb8;
	[tilespmem:$0x80E8] =	vst v63  }
0x19: {  	_ =	swait.ge [sflag:s7], $0x7D00  }
0x1a: {  	s10 =	sshll.u32 s10, $0x2;
	[sflag:s7] =	ssyncset.done $0x0  }
0x1b: {  	s10 =	sadd.s32 s18, s10;
	[sflag:s7] =	ssyncadd.s32 $0xFFFF8300  }
0x1c: {  	[hbm4b:s10+s2] =	stream.linear.scatter [tilespmem:s6], [sflag:$0x2], $0x7D00, $0x38;
	[tilespmem:$0x80E8] =	vst v63  }
0x1d: {  	s12 =	sadd.s32 $0x7D0, s17;
	_ =	swait.ge [sflag:s3], $0x7D00  }
0x1e: {  	s11 =	sshrl.u32 s12, $0x3;
	[sflag:s3] =	ssyncset.done $0x0  }
0x1f: {  	s11 =	sadd.s32 s15, s11;
	[sflag:s3] =	ssyncadd.s32 $0xFFFF8300  }
0x20: {  	[tilespmem:s2], [sflag:$0x2] =	stream.linear.gather [hbm4b:s11+s2], $0x3E8, $0x38;
	[tilespmem:$0x80E8] =	vst v63  }
0x21: {  	_ =	swait.ge [sflag:s3], $0x3E8  }
0x22: {  	[sflag:s3] =	ssyncset.done $0x0  }
0x23: {  	[sflag:s3] =	ssyncadd.s32 $0xFFFFFC18  }
0x24: {  	[tilespmem:s6], [sflag:$0x1] =	stream.indirect.gather [hbm4b:s5+s6], $0x20, s2, s6, $0xb8;
	[tilespmem:$0x80E8] =	vst v63  }
0x25: {  	_ =	swait.ge [sflag:s7], $0x7D00  }
0x26: {  	s12 =	sshll.u32 s12, $0x2;
	[sflag:s7] =	ssyncset.done $0x0  }
0x27: {  	s12 =	sadd.s32 s18, s12;
	[sflag:s7] =	ssyncadd.s32 $0xFFFF8300  }
0x28: {  	[hbm4b:s12+s2] =	stream.linear.scatter [tilespmem:s6], [sflag:$0x2], $0x7D00, $0x38;
	[tilespmem:$0x80E8] =	vst v63  }
0x29: {  	s14 =	sadd.s32 $0xBB8, s17;
	_ =	swait.ge [sflag:s3], $0x7D00  }
0x2a: {  	s13 =	sshrl.u32 s14, $0x3;
	[sflag:s3] =	ssyncset.done $0x0  }
0x2b: {  	s13 =	sadd.s32 s15, s13;
	[sflag:s3] =	ssyncadd.s32 $0xFFFF8300  }
0x2c: {  	[tilespmem:s2], [sflag:$0x2] =	stream.linear.gather [hbm4b:s13+s2], $0x3E8, $0x38;
	[tilespmem:$0x80E8] =	vst v63  }
0x2d: {  	_ =	swait.ge [sflag:s3], $0x3E8  }
0x2e: {  	[sflag:s3] =	ssyncset.done $0x0  }
0x2f: {  	[sflag:s3] =	ssyncadd.s32 $0xFFFFFC18  }
0x30: {  	[tilespmem:s6], [sflag:$0x1] =	stream.indirect.gather [hbm4b:s5+s6], $0x20, s2, s6, $0xb8;
	[tilespmem:$0x80E8] =	vst v63  }
0x31: {  	_ =	swait.ge [sflag:s7], $0x7D00  }
0x32: {  	s14 =	sshll.u32 s14, $0x2;
	[sflag:s7] =	ssyncset.done $0x0  }
0x33: {  	s14 =	sadd.s32 s18, s14;
	[sflag:s7] =	ssyncadd.s32 $0xFFFF8300  }
0x34: {  	[hbm4b:s14+s2] =	stream.linear.scatter [tilespmem:s6], [sflag:$0x2], $0x7D00, $0x38;
	[tilespmem:$0x80E8] =	vst v63  }
0x35: {  	s17 =	sadd.s32 $0xFA0, s17;
	_ =	swait.ge [sflag:s3], $0x7D00  }
0x36: {  	s19 =	sshrl.u32 s17, $0x3;
	[sflag:s3] =	ssyncset.done $0x0  }
0x37: {  	s16 =	ssub.s32 $0x2, s16;
	s15 =	sadd.s32 s15, s19;
	[sflag:s3] =	ssyncadd.s32 $0xFFFF8300  }
0x38: {  	[tilespmem:s2], [sflag:$0x2] =	stream.linear.gather [hbm4b:s15+s2], $0x3E8, $0x38;
	[tilespmem:$0x80E8] =	vst v63  }
0x39: {  	s29 =	sshrl.u32 s16, $0x1;
	_ =	swait.ge [sflag:s3], $0x3E8  }
0x3a: {  	s19 =	ssub.s32 s16, s29;
	[sflag:s3] =	ssyncset.done $0x0  }
0x3b: {  	s31 =	smax.u32 s19, $0x1;
	[sflag:s3] =	ssyncadd.s32 $0xFFFFFC18  }
0x3c: {  	[tilespmem:s6], [sflag:$0x1] =	stream.indirect.gather [hbm4b:s5+s6], $0x20, s2, s6, $0xb8;
	[tilespmem:$0x80E8] =	vst v63  }
0x3d: {  	p0 =	sne.s32 s31, $0x1;
	_ =	swait.ge [sflag:s7], $0x7D00  }
.Ltmp0:
0x3e: {  	s30 =	sshll.u32 s17, $0x2;
	[sflag:s7] =	ssyncset.done $0x0;
	(pc) =	sbr.rel @!p0 .LBB2_2-.Ltmp0, $4  }
0x3f: {  	s16 =	sadd.s32 s18, s30;
	[sflag:s7] =	ssyncadd.s32 $0xFFFF8300  }
0x40: {  	[hbm4b:s16+s2] =	stream.linear.scatter [tilespmem:s6], [sflag:$0x2], $0x7D00, $0x38;
	[tilespmem:$0x80E8] =	vst v63  }
0x41: {  	_ =	swait.ge [sflag:s3], $0x7D00  }
0x42: {  	s17 =	sadd.s32 $0xFFFFFFFF, s31;
	[sflag:s3] =	ssyncset.done $0x0  }
.LBB2_1:
0x43: {  	p0 =	sne.s32 s17, $0x1;
	s17 =	sadd.s32 $0xFFFFFFFF, s17;
	[sflag:s3] =	ssyncadd.s32 $0xFFFF8300  }
0x44: {  	[tilespmem:s2], [sflag:$0x2] =	stream.linear.gather [hbm4b:s4+s2], $0x3E8, $0x38;
	[tilespmem:$0x80E8] =	vst v63  }
0x45: {  	_ =	swait.ge [sflag:s3], $0x3E8  }
0x46: {  	[sflag:s3] =	ssyncset.done $0x0  }
0x47: {  	[sflag:s3] =	ssyncadd.s32 $0xFFFFFC18  }
0x48: {  	[tilespmem:s6], [sflag:$0x1] =	stream.indirect.gather [hbm4b:s5+s6], $0x20, s2, s6, $0xb8;
	[tilespmem:$0x80E8] =	vst v63  }
0x49: {  	_ =	swait.ge [sflag:s7], $0x7D00  }
0x4a: {  	[sflag:s7] =	ssyncset.done $0x0  }
0x4b: {  	[sflag:s7] =	ssyncadd.s32 $0xFFFF8300  }
0x4c: {  	[hbm4b:s8+s2] =	stream.linear.scatter [tilespmem:s6], [sflag:$0x2], $0x7D00, $0x38;
	[tilespmem:$0x80E8] =	vst v63  }
0x4d: {  	_ =	swait.ge [sflag:s3], $0x7D00  }
0x4e: {  	[sflag:s3] =	ssyncset.done $0x0  }
0x4f: {  	[sflag:s3] =	ssyncadd.s32 $0xFFFF8300  }
0x50: {  	[tilespmem:s2], [sflag:$0x2] =	stream.linear.gather [hbm4b:s9+s2], $0x3E8, $0x38;
	[tilespmem:$0x80E8] =	vst v63  }
0x51: {  	_ =	swait.ge [sflag:s3], $0x3E8  }
0x52: {  	[sflag:s3] =	ssyncset.done $0x0  }
0x53: {  	[sflag:s3] =	ssyncadd.s32 $0xFFFFFC18  }
0x54: {  	[tilespmem:s6], [sflag:$0x1] =	stream.indirect.gather [hbm4b:s5+s6], $0x20, s2, s6, $0xb8;
	[tilespmem:$0x80E8] =	vst v63  }
0x55: {  	_ =	swait.ge [sflag:s7], $0x7D00  }
0x56: {  	[sflag:s7] =	ssyncset.done $0x0  }
0x57: {  	[sflag:s7] =	ssyncadd.s32 $0xFFFF8300  }
0x58: {  	[hbm4b:s10+s2] =	stream.linear.scatter [tilespmem:s6], [sflag:$0x2], $0x7D00, $0x38;
	[tilespmem:$0x80E8] =	vst v63  }
0x59: {  	_ =	swait.ge [sflag:s3], $0x7D00  }
0x5a: {  	[sflag:s3] =	ssyncset.done $0x0  }
0x5b: {  	[sflag:s3] =	ssyncadd.s32 $0xFFFF8300  }
0x5c: {  	[tilespmem:s2], [sflag:$0x2] =	stream.linear.gather [hbm4b:s11+s2], $0x3E8, $0x38;
	[tilespmem:$0x80E8] =	vst v63  }
0x5d: {  	_ =	swait.ge [sflag:s3], $0x3E8  }
0x5e: {  	[sflag:s3] =	ssyncset.done $0x0  }
0x5f: {  	[sflag:s3] =	ssyncadd.s32 $0xFFFFFC18  }
0x60: {  	[tilespmem:s6], [sflag:$0x1] =	stream.indirect.gather [hbm4b:s5+s6], $0x20, s2, s6, $0xb8;
	[tilespmem:$0x80E8] =	vst v63  }
0x61: {  	_ =	swait.ge [sflag:s7], $0x7D00  }
0x62: {  	[sflag:s7] =	ssyncset.done $0x0  }
0x63: {  	[sflag:s7] =	ssyncadd.s32 $0xFFFF8300  }
0x64: {  	[hbm4b:s12+s2] =	stream.linear.scatter [tilespmem:s6], [sflag:$0x2], $0x7D00, $0x38;
	[tilespmem:$0x80E8] =	vst v63  }
0x65: {  	_ =	swait.ge [sflag:s3], $0x7D00  }
0x66: {  	[sflag:s3] =	ssyncset.done $0x0  }
0x67: {  	[sflag:s3] =	ssyncadd.s32 $0xFFFF8300  }
0x68: {  	[tilespmem:s2], [sflag:$0x2] =	stream.linear.gather [hbm4b:s13+s2], $0x3E8, $0x38;
	[tilespmem:$0x80E8] =	vst v63  }
0x69: {  	_ =	swait.ge [sflag:s3], $0x3E8  }
0x6a: {  	[sflag:s3] =	ssyncset.done $0x0  }
0x6b: {  	[sflag:s3] =	ssyncadd.s32 $0xFFFFFC18  }
0x6c: {  	[tilespmem:s6], [sflag:$0x1] =	stream.indirect.gather [hbm4b:s5+s6], $0x20, s2, s6, $0xb8;
	[tilespmem:$0x80E8] =	vst v63  }
0x6d: {  	_ =	swait.ge [sflag:s7], $0x7D00  }
0x6e: {  	[sflag:s7] =	ssyncset.done $0x0  }
0x6f: {  	[sflag:s7] =	ssyncadd.s32 $0xFFFF8300  }
0x70: {  	[hbm4b:s14+s2] =	stream.linear.scatter [tilespmem:s6], [sflag:$0x2], $0x7D00, $0x38;
	[tilespmem:$0x80E8] =	vst v63  }
0x71: {  	_ =	swait.ge [sflag:s3], $0x7D00  }
0x72: {  	[sflag:s3] =	ssyncset.done $0x0  }
0x73: {  	[sflag:s3] =	ssyncadd.s32 $0xFFFF8300  }
0x74: {  	[tilespmem:s2], [sflag:$0x2] =	stream.linear.gather [hbm4b:s15+s2], $0x3E8, $0x38;
	[tilespmem:$0x80E8] =	vst v63  }
0x75: {  	_ =	swait.ge [sflag:s3], $0x3E8  }
0x76: {  	[sflag:s3] =	ssyncset.done $0x0  }
0x77: {  	[sflag:s3] =	ssyncadd.s32 $0xFFFFFC18  }
0x78: {  	[tilespmem:s6], [sflag:$0x1] =	stream.indirect.gather [hbm4b:s5+s6], $0x20, s2, s6, $0xb8;
	[tilespmem:$0x80E8] =	vst v63  }
0x79: {  	_ =	swait.ge [sflag:s7], $0x7D00  }
.Ltmp1:
0x7a: {  	[sflag:s7] =	ssyncset.done $0x0;
	(pc) =	sbr.rel @p0 .LBB2_1-.Ltmp1, $4  }
0x7b: {  	[sflag:s7] =	ssyncadd.s32 $0xFFFF8300  }
0x7c: {  	[hbm4b:s16+s2] =	stream.linear.scatter [tilespmem:s6], [sflag:$0x2], $0x7D00, $0x38;
	[tilespmem:$0x80E8] =	vst v63  }
0x7d: {  	_ =	swait.ge [sflag:s3], $0x7D00  }
0x7e: {  	[sflag:s3] =	ssyncset.done $0x0  }
.LBB2_2:
0x7f: {  	[sflag:s3] =	ssyncadd.s32 $0xFFFF8300  }
0x80: {  	_ =	sfence.sel $0x180000  }
0x81: {  	[bflag:$0x0] =	sbarrier.arrive $0xFFFF  }
0x82: {  	p0 =	sne.s32 s0, $0x0;
	_ =	strace $0x9000004A  }
0x83: {  	s0 =	sadd.s32 @!p0 $0x100000, s1;
	[bflag:$0x2] =	sbarrier.arrive $0xFFFF  }
0x84: {  	[sflag:s0] =	ssyncadd.tile.s32 @!p0 $0x1;
	_ =	shalt  }
.Lfunc_end2:
_tile_overlayer_lowered:
.L_overlay_start_2:
0x85: {  	(tag) =	ssettag $0x2  }
0x86: {  	s0 =	rddreg [dreg:$0x0];
	s2 =	stileid.u32  }
0x87: {  	s1 =	rddreg [dreg:$0x1];
	p0 =	sne.s32 s2, $0x0  }
0x88: {  	s3 =	rddreg [dreg:$0x2];
	[bflag:$0x3] =	sbarrier.arrive $0xFFFF;
	s2 =	simm.s32 @!p0 $0x1C02  }
0x89: {  	[timem:s3], [sflag:s2] =	dma.local @!p0 [hbm:s0], s1  }
0x8a: {  	s0 =	simm.s32 @!p0 $0x2  }
0x8b: {  	_ =	swait.ge @!p0 [sflag:s0], s1  }
0x8c: {  	s1 =	ssub.s32 @!p0 $0x0, s1;
	[sflag:s0] =	ssyncset.done @!p0 $0x0  }
0x8d: {  	[sflag:s0] =	ssyncadd.s32 @!p0 s1  }
0x8e: {  	[bflag:$0x3] =	sbarrier.arrive $0xFFFF  }
0x8f: {  	_ =	shalt  }

</sc_bundles>
